<compile_context>
chip_gen: v7x
topology: tpu7x:2x2x1
jax: 0.10.2.dev20260603
libtpu: 0.0.44.dev20260713+nightly
codegen_flags: <defaults>
</compile_context>

<pallas_src>
import dataclasses
import functools

import jax
import jax.numpy as jnp
import numpy as np
from jax import lax
from jax.experimental import pallas as pl
from jax.experimental.pallas import tpu as pltpu
from jax.experimental.pallas import tpu_sc as plsc

A = 0.3
NC = 2
NS = 16
LANES = 16

_DOT = dict(preferred_element_type=jnp.float32, precision=lax.Precision.HIGHEST)


def _proj_kernel(cat_ref, win_ref, wq_ref, winu_ref, q_ref):
    cat = cat_ref[...]
    winu_ref[...] = lax.dot_general(cat, win_ref[...], (((1,), (1,)), ((), ())),
                                    **_DOT)
    q_ref[...] = lax.dot_general(cat[:, 1:], wq_ref[...], (((1,), (1,)), ((), ())),
                                 preferred_element_type=jnp.float32)


def _attnw_kernel(q_ref, ek_ref, out_ref, *, scale, hd):
    for j in range(q_ref.shape[1] // hd):
        s = lax.dot_general(q_ref[:, j * hd:(j + 1) * hd],
                            ek_ref[:, j * hd:(j + 1) * hd],
                            (((1,), (1,)), ((), ())),
                            preferred_element_type=jnp.float32) * scale
        m = jnp.max(s, axis=1, keepdims=True)
        e = jnp.exp(s - m)
        out_ref[j] = e / jnp.sum(e, axis=1, keepdims=True)


def _readout_kernel(attnw_ref, st_ref, ev_ref, out_ref):
    st = st_ref[...]
    for j in range(out_ref.shape[0]):
        w = attnw_ref[j] * st
        hd = ev_ref.shape[1] // out_ref.shape[0]
        out_ref[j] = lax.dot_general(w, ev_ref[:, j * hd:(j + 1) * hd],
                                     (((1,), (0,)), ((), ())),
                                     preferred_element_type=jnp.float32)


def _recur_body(seq, bpc, res, rpt, chunk, ns,
                state0_hbm, winu_hbm, cols_hbm, rows_hbm, vals_hbm, states_hbm,
                cols_v, rows_v, vals_v, state_v, acc_v, part_v, winu_v,
                newst_v, sem, osem, zsem, shpart, shstate, shz):
    c = lax.axis_index("c")
    s = lax.axis_index("s")
    nnz_base = s * chunk

    pltpu.sync_copy(cols_hbm.at[pl.ds(nnz_base, chunk)], cols_v)
    pltpu.sync_copy(rows_hbm.at[pl.ds(nnz_base, chunk)], rows_v)
    pltpu.sync_copy(vals_hbm.at[pl.ds(nnz_base, chunk)], vals_v)
    pltpu.sync_copy(state0_hbm.at[c], state_v)
    pltpu.sync_copy(winu_hbm.at[:, c, :, pl.ds(s * rpt, rpt)], winu_v)

    bsplat = [jnp.full((LANES,), b, jnp.int32) for b in range(bpc)]

    for b in range(bpc):
        @plsc.parallel_loop(0, res, step=LANES)
        def _(k):
            acc_v[b, pl.ds(k, LANES)] = jnp.zeros((LANES,), jnp.float32)

    @pl.when(s == 0)
    def _():
        pltpu.sync_copy(acc_v, shz)
    plsc.subcore_barrier()
    pltpu.async_copy(shz, acc_v, zsem)

    @pl.loop(0, seq)
    def _step(t):
        pltpu.make_async_copy(states_hbm.at[0, pl.ds(0, bpc)], acc_v,
                              zsem).wait()

        @plsc.parallel_loop(0, chunk, step=LANES, unroll=2)
        def _(i):
            col = cols_v[pl.ds(i, LANES)]
            row = rows_v[pl.ds(i, LANES)]
            v = vals_v[pl.ds(i, LANES)]
            for b in range(bpc):
                g = plsc.load_gather(state_v, [bsplat[b], col])
                plsc.addupdate_scatter(acc_v, [bsplat[b], row], g * v)

        pltpu.async_copy(acc_v, shpart.at[s], sem).wait()
        pltpu.async_copy(shz, acc_v, zsem)
        plsc.subcore_barrier()

        for b in range(bpc):
            pltpu.sync_copy(shpart.at[:, b, pl.ds(s * rpt, rpt)], part_v.at[b])

        for b in range(bpc):
            @plsc.parallel_loop(0, rpt, step=LANES)
            def _(k):
                acc = winu_v[t, b, pl.ds(k, LANES)]
                for p in range(ns):
                    acc = acc + part_v[b, p, pl.ds(k, LANES)]
                old = state_v[b, pl.ds(s * rpt + k, LANES)]
                e = jnp.exp(acc * 2.0)
                th = 1.0 - 2.0 / (e + 1.0)
                newst_v[b, pl.ds(k, LANES)] = (1.0 - A) * old + A * th

        out_dma = pltpu.async_copy(
            newst_v,
            states_hbm.at[t, pl.ds(c * bpc, bpc), pl.ds(s * rpt, rpt)],
            osem)
        pltpu.sync_copy(newst_v, shstate.at[:, pl.ds(s * rpt, rpt)])
        out_dma.wait()
        plsc.subcore_barrier()

        pltpu.sync_copy(shstate, state_v)

    pltpu.make_async_copy(states_hbm.at[0, pl.ds(0, bpc)], acc_v, zsem).wait()


def kernel(query, reservoir_state, Win, W_row, W_col, W_val, Wq, Ek, Ev):
    seq, bsz, embed = query.shape
    res = Win.shape[0]
    h = Ek.shape[1]
    hd = Ek.shape[2]
    sb = seq * bsz
    nnz = W_val.shape[0]
    bpc = bsz // NC
    rpt = res // NS

    q2d = query.reshape(sb, embed)
    cat = jnp.concatenate([jnp.ones((sb, 1), query.dtype), q2d], axis=1)
    state0 = reservoir_state[..., 0].reshape(NC, bpc, res)

    chunk = ((nnz + NS * LANES - 1) // (NS * LANES)) * LANES
    npad = chunk * NS - nnz
    cols_p = jnp.concatenate([W_col.astype(jnp.int32),
                              jnp.zeros((npad,), jnp.int32)])
    rows_p = jnp.concatenate([W_row.astype(jnp.int32),
                              jnp.zeros((npad,), jnp.int32)])
    vals_p = jnp.concatenate([W_val, jnp.zeros((npad,), jnp.float32)])

    winu, q_proj = pl.pallas_call(
        _proj_kernel,
        out_shape=[jax.ShapeDtypeStruct((sb, res), jnp.float32),
                   jax.ShapeDtypeStruct((sb, embed), jnp.float32)],
    )(cat, Win, Wq)

    hpb = 2
    attnw = pl.pallas_call(
        functools.partial(_attnw_kernel, scale=1.0 / float(np.sqrt(hd)),
                          hd=hd),
        grid=(h // hpb,),
        in_specs=[pl.BlockSpec((sb, hpb * hd), lambda i: (0, i)),
                  pl.BlockSpec((res, hpb * hd), lambda i: (0, i))],
        out_specs=pl.BlockSpec((hpb, sb, res), lambda i: (i, 0, 0)),
        out_shape=jax.ShapeDtypeStruct((h, sb, res), jnp.float32),
    )(q_proj, Ek.reshape(res, h * hd))

    mesh = plsc.VectorSubcoreMesh(core_axis_name="c", subcore_axis_name="s",
                                  num_cores=NC, num_subcores=NS)
    sc_params = pltpu.CompilerParams()
    if "needs_layout_passes" in pltpu.CompilerParams.__dataclass_fields__:
        sc_params = dataclasses.replace(sc_params, needs_layout_passes=False)
    recur = functools.partial(
        pl.kernel,
        compiler_params=sc_params,
        out_type=jax.ShapeDtypeStruct((seq, bsz, res), jnp.float32),
        mesh=mesh,
        scratch_types=[
            pltpu.VMEM((chunk,), jnp.int32),
            pltpu.VMEM((chunk,), jnp.int32),
            pltpu.VMEM((chunk,), jnp.float32),
            pltpu.VMEM((bpc, res), jnp.float32),
            pltpu.VMEM((bpc, res), jnp.float32),
            pltpu.VMEM((bpc, NS, rpt), jnp.float32),
            pltpu.VMEM((seq, bpc, rpt), jnp.float32),
            pltpu.VMEM((bpc, rpt), jnp.float32),
            pltpu.SemaphoreType.DMA,
            pltpu.SemaphoreType.DMA,
            pltpu.SemaphoreType.DMA,
            pltpu.VMEM_SHARED((NS, bpc, res), jnp.float32),
            pltpu.VMEM_SHARED((bpc, res), jnp.float32),
            pltpu.VMEM_SHARED((bpc, res), jnp.float32),
        ],
    )(functools.partial(_recur_body, seq, bpc, res, rpt, chunk, NS))
    winu_r = winu.reshape(seq, NC, bpc, res)
    states = recur(state0, winu_r, cols_p, rows_p, vals_p)
    states2d = states.reshape(sb, res)

    ctx = pl.pallas_call(
        _readout_kernel,
        grid=(h // hpb,),
        in_specs=[pl.BlockSpec((hpb, sb, res), lambda i: (i, 0, 0)),
                  pl.BlockSpec((sb, res), lambda i: (0, 0)),
                  pl.BlockSpec((res, hpb * hd), lambda i: (0, i))],
        out_specs=pl.BlockSpec((hpb, sb, hd), lambda i: (i, 0, 0)),
        out_shape=jax.ShapeDtypeStruct((h, sb, hd), jnp.float32),
    )(attnw, states2d, Ev.reshape(res, h * hd))

    outputs = ctx.transpose(1, 0, 2).reshape(seq, bsz, embed)
    final_state = states[-1][..., None]
    return outputs, final_state

# --- scband reference (transcript-rebuilt; emitter-appended) ---
"""Pipeline reference for scband-reservoir-attention-64707977282125 (READ-ONLY COPY).

The authoritative reference and input builder live on the scoring server;
editing this copy changes nothing except your own understanding.
"""

import jax, jax.numpy as jnp
import numpy as np

EMBED_DIM = 1024
NUM_HEADS = 16
HEAD_DIM = EMBED_DIM // NUM_HEADS
RES = 4096
IN = 1024
DENSITY = 0.01
A = 0.3
RHO = 1.0
SEQ = 16
BSZ = 8
NNZ = int(RES * RES * DENSITY)


def setup_inputs(seed: int = 0) -> dict:
    key = jax.random.key(seed)
    ks = jax.random.split(key, 10)
    query = jax.random.normal(ks[0], (SEQ, BSZ, EMBED_DIM), dtype=jnp.float32)
    reservoir_state = jax.random.normal(ks[1], (BSZ, RES, 1), dtype=jnp.float32)
    # Win ~ U(-0.5, 0.5), shape (resSize, 1+inSize)
    Win = jax.random.uniform(ks[2], (RES, 1 + IN), dtype=jnp.float32, minval=-0.5, maxval=0.5)
    # sparse reservoir in COO form (duplicates sum on scatter-add, matching coalesce())
    W_row = jax.random.randint(ks[3], (NNZ,), 0, RES)
    W_col = jax.random.randint(ks[4], (NNZ,), 0, RES)
    scale = 1.25 / (RHO + 1e-12)
    W_val = (jax.random.uniform(ks[5], (NNZ,), dtype=jnp.float32) - 0.5) * scale
    # query projection (Linear no bias): y = x @ Wq.T
    Wq = jax.random.normal(ks[6], (EMBED_DIM, EMBED_DIM), dtype=jnp.float32) * (1.0 / np.sqrt(EMBED_DIM))
    xav = float(np.sqrt(6.0 / (RES + EMBED_DIM)))
    Ek = jax.random.uniform(ks[7], (RES, NUM_HEADS, HEAD_DIM), dtype=jnp.float32, minval=-xav, maxval=xav)
    Ev = jax.random.uniform(ks[8], (RES, NUM_HEADS, HEAD_DIM), dtype=jnp.float32, minval=-xav, maxval=xav)
    return {"query": query, "reservoir_state": reservoir_state, "Win": Win,
            "W_row": W_row, "W_col": W_col, "W_val": W_val,
            "Wq": Wq, "Ek": Ek, "Ev": Ev}


def reference(query, reservoir_state, Win, W_row, W_col, W_val, Wq, Ek, Ev):
    state0 = reservoir_state[..., 0]  # (bsz, RES)

    def step(state, q_t):
        # ESN step (inSize == embed_dim so no input_proj)
        ones = jnp.ones((q_t.shape[0], 1), dtype=q_t.dtype)
        cat = jnp.concatenate([ones, q_t], axis=1)  # (bsz, 1+IN)
        Win_u = cat @ Win.T  # (bsz, RES)
        # sparse mm: Wx[b, r] = sum_{nnz with row=r} val * state[b, col]
        gathered = state[:, W_col] * W_val[None, :]  # (bsz, NNZ)
        Wx = jax.ops.segment_sum(gathered.T, W_row, num_segments=RES).T  # (bsz, RES)
        pre = Win_u + Wx
        new_state = (1.0 - A) * state + A * jnp.tanh(pre)
        # attention over reservoir positions
        Q = (q_t @ Wq.T).reshape(-1, NUM_HEADS, HEAD_DIM)  # (bsz, H, hd)
        scores = jnp.einsum('bhd,rhd->bhr', Q, Ek) / np.sqrt(HEAD_DIM)
        attn = jax.nn.softmax(scores, axis=-1)  # (bsz, H, RES)
        # context = sum_r attn[b,h,r] * state[b,r] * Ev[r,h,d]
        context = jnp.einsum('bhr,br,rhd->bhd', attn, new_state, Ev)
        out = context.reshape(-1, EMBED_DIM)
        return new_state, out

    final_state, outputs = jax.lax.scan(step, state0, query)
    return outputs, final_state[..., None]

if __name__ == "__main__":
    import jax
    _d = setup_inputs()
    print(jax.jit(kernel)(*tuple(_d.values())))

</pallas_src>

<mosaic_0001>
#map = affine_map<(d0, d1) -> (0, 0, 0)>
#map1 = affine_map<(d0, d1) -> (0, 0, 0, 0)>
#map2 = affine_map<(d0, d1) -> (0)>
module attributes {stable_mosaic.version = 14 : i64} {
  func.func @_recur_body(%arg0: i32, %arg1: i32, %arg2: memref<2x4x4096xf32, #tpu.memory_space<hbm>>, %arg3: memref<16x2x4x4096xf32, #tpu.memory_space<hbm>>, %arg4: memref<167936xi32, #tpu.memory_space<hbm>>, %arg5: memref<167936xi32, #tpu.memory_space<hbm>>, %arg6: memref<167936xf32, #tpu.memory_space<hbm>>, %arg7: memref<16x8x4096xf32, #tpu.memory_space<hbm>>, %arg8: memref<10496xi32, #tpu.memory_space<vmem>>, %arg9: memref<10496xi32, #tpu.memory_space<vmem>>, %arg10: memref<10496xf32, #tpu.memory_space<vmem>>, %arg11: memref<4x4096xf32, #tpu.memory_space<vmem>>, %arg12: memref<4x4096xf32, #tpu.memory_space<vmem>>, %arg13: memref<4x16x256xf32, #tpu.memory_space<vmem>>, %arg14: memref<16x4x256xf32, #tpu.memory_space<vmem>>, %arg15: memref<4x256xf32, #tpu.memory_space<vmem>>, %arg16: memref<!tpu.dma_semaphore, #tpu.memory_space<semaphore_mem>>, %arg17: memref<!tpu.dma_semaphore, #tpu.memory_space<semaphore_mem>>, %arg18: memref<!tpu.dma_semaphore, #tpu.memory_space<semaphore_mem>>, %arg19: memref<16x4x4096xf32, #tpu.memory_space<vmem_shared>>, %arg20: memref<4x4096xf32, #tpu.memory_space<vmem_shared>>, %arg21: memref<4x4096xf32, #tpu.memory_space<vmem_shared>>) attributes {dimension_semantics = [#tpu.dimension_semantics<core_parallel>, #tpu.dimension_semantics<subcore_parallel>], iteration_bounds = array<i64: 2, 16>, scalar_prefetch = 0 : i64, scratch_operands = 14 : i64, tpu.core_type = #tpu.core_type<sc_vector_subcore>, window_params = [{transform_indices = #map}, {transform_indices = #map1}, {transform_indices = #map2}, {transform_indices = #map2}, {transform_indices = #map2}, {transform_indices = #map}]} {
    %mul3A = arith.constant 10496 : i32
    %mul3A_0 = arith.muli %arg1, %mul3A : i32
    "tpu.region"() ({
      %run_scoped3A = tpu.sem_alloc : memref<!tpu.dma_semaphore, #tpu.memory_space<semaphore_mem>>
      %dma_start3A = tpu.memref_slice %arg4[%mul3A_0] : memref<167936xi32, #tpu.memory_space<hbm>> -> memref<10496xi32, #tpu.memory_space<hbm>>
      %dma_start3A_35 = tpu.memref_slice %arg4[%mul3A_0] : memref<167936xi32, #tpu.memory_space<hbm>> -> memref<10496xi32, #tpu.memory_space<hbm>>
      tpu.enqueue_dma source(%dma_start3A_35 : memref<10496xi32, #tpu.memory_space<hbm>>) target(%arg8 : memref<10496xi32, #tpu.memory_space<vmem>>) target_semaphore(%run_scoped3A : memref<!tpu.dma_semaphore, #tpu.memory_space<semaphore_mem>>)
      %dma_wait3A_36 = tpu.memref_slice %arg4[%mul3A_0] : memref<167936xi32, #tpu.memory_space<hbm>> -> memref<10496xi32, #tpu.memory_space<hbm>>
      %dma_wait3A_37 = tpu.memref_slice %arg4[%mul3A_0] : memref<167936xi32, #tpu.memory_space<hbm>> -> memref<10496xi32, #tpu.memory_space<hbm>>
      tpu.wait_dma2 semaphore(%run_scoped3A : memref<!tpu.dma_semaphore, #tpu.memory_space<semaphore_mem>>) src(%dma_wait3A_37 : memref<10496xi32, #tpu.memory_space<hbm>>) dst(%arg8 : memref<10496xi32, #tpu.memory_space<vmem>>)
      tpu.yield
    }) : () -> ()
    "tpu.region"() ({
      %run_scoped3A = tpu.sem_alloc : memref<!tpu.dma_semaphore, #tpu.memory_space<semaphore_mem>>
      %dma_start3A = tpu.memref_slice %arg5[%mul3A_0] : memref<167936xi32, #tpu.memory_space<hbm>> -> memref<10496xi32, #tpu.memory_space<hbm>>
      %dma_start3A_35 = tpu.memref_slice %arg5[%mul3A_0] : memref<167936xi32, #tpu.memory_space<hbm>> -> memref<10496xi32, #tpu.memory_space<hbm>>
      tpu.enqueue_dma source(%dma_start3A_35 : memref<10496xi32, #tpu.memory_space<hbm>>) target(%arg9 : memref<10496xi32, #tpu.memory_space<vmem>>) target_semaphore(%run_scoped3A : memref<!tpu.dma_semaphore, #tpu.memory_space<semaphore_mem>>)
      %dma_wait3A_36 = tpu.memref_slice %arg5[%mul3A_0] : memref<167936xi32, #tpu.memory_space<hbm>> -> memref<10496xi32, #tpu.memory_space<hbm>>
      %dma_wait3A_37 = tpu.memref_slice %arg5[%mul3A_0] : memref<167936xi32, #tpu.memory_space<hbm>> -> memref<10496xi32, #tpu.memory_space<hbm>>
      tpu.wait_dma2 semaphore(%run_scoped3A : memref<!tpu.dma_semaphore, #tpu.memory_space<semaphore_mem>>) src(%dma_wait3A_37 : memref<10496xi32, #tpu.memory_space<hbm>>) dst(%arg9 : memref<10496xi32, #tpu.memory_space<vmem>>)
      tpu.yield
    }) : () -> ()
    "tpu.region"() ({
      %run_scoped3A = tpu.sem_alloc : memref<!tpu.dma_semaphore, #tpu.memory_space<semaphore_mem>>
      %dma_start3A = tpu.memref_slice %arg6[%mul3A_0] : memref<167936xf32, #tpu.memory_space<hbm>> -> memref<10496xf32, #tpu.memory_space<hbm>>
      %dma_start3A_35 = tpu.memref_slice %arg6[%mul3A_0] : memref<167936xf32, #tpu.memory_space<hbm>> -> memref<10496xf32, #tpu.memory_space<hbm>>
      tpu.enqueue_dma source(%dma_start3A_35 : memref<10496xf32, #tpu.memory_space<hbm>>) target(%arg10 : memref<10496xf32, #tpu.memory_space<vmem>>) target_semaphore(%run_scoped3A : memref<!tpu.dma_semaphore, #tpu.memory_space<semaphore_mem>>)
      %dma_wait3A_36 = tpu.memref_slice %arg6[%mul3A_0] : memref<167936xf32, #tpu.memory_space<hbm>> -> memref<10496xf32, #tpu.memory_space<hbm>>
      %dma_wait3A_37 = tpu.memref_slice %arg6[%mul3A_0] : memref<167936xf32, #tpu.memory_space<hbm>> -> memref<10496xf32, #tpu.memory_space<hbm>>
      tpu.wait_dma2 semaphore(%run_scoped3A : memref<!tpu.dma_semaphore, #tpu.memory_space<semaphore_mem>>) src(%dma_wait3A_37 : memref<10496xf32, #tpu.memory_space<hbm>>) dst(%arg10 : memref<10496xf32, #tpu.memory_space<vmem>>)
      tpu.yield
    }) : () -> ()
    "tpu.region"() ({
      %run_scoped3A = tpu.sem_alloc : memref<!tpu.dma_semaphore, #tpu.memory_space<semaphore_mem>>
      %dma_start3A = arith.constant 0 : i32
      %dma_start3A_35 = arith.constant 0 : i32
      %dma_start3A_36 = tpu.memref_slice %arg2[%arg0, %dma_start3A, %dma_start3A_35] : memref<2x4x4096xf32, #tpu.memory_space<hbm>> -> memref<1x4x4096xf32, #tpu.memory_space<hbm>>
      %dma_start3A_37 = tpu.memref_squeeze %dma_start3A_36 : memref<1x4x4096xf32, #tpu.memory_space<hbm>> -> memref<4x4096xf32, #tpu.memory_space<hbm>>
      %dma_start3A_38 = arith.constant 0 : i32
      %dma_start3A_39 = arith.constant 0 : i32
      %dma_start3A_40 = tpu.memref_slice %arg2[%arg0, %dma_start3A_38, %dma_start3A_39] : memref<2x4x4096xf32, #tpu.memory_space<hbm>> -> memref<1x4x4096xf32, #tpu.memory_space<hbm>>
      %dma_start3A_41 = tpu.memref_squeeze %dma_start3A_40 : memref<1x4x4096xf32, #tpu.memory_space<hbm>> -> memref<4x4096xf32, #tpu.memory_space<hbm>>
      tpu.enqueue_dma source(%dma_start3A_41 : memref<4x4096xf32, #tpu.memory_space<hbm>>) target(%arg11 : memref<4x4096xf32, #tpu.memory_space<vmem>>) target_semaphore(%run_scoped3A : memref<!tpu.dma_semaphore, #tpu.memory_space<semaphore_mem>>)
      %dma_wait3A_42 = arith.constant 0 : i32
      %dma_wait3A_43 = arith.constant 0 : i32
      %dma_wait3A_44 = tpu.memref_slice %arg2[%arg0, %dma_wait3A_42, %dma_wait3A_43] : memref<2x4x4096xf32, #tpu.memory_space<hbm>> -> memref<1x4x4096xf32, #tpu.memory_space<hbm>>
      %dma_wait3A_45 = tpu.memref_squeeze %dma_wait3A_44 : memref<1x4x4096xf32, #tpu.memory_space<hbm>> -> memref<4x4096xf32, #tpu.memory_space<hbm>>
      %dma_wait3A_46 = arith.constant 0 : i32
      %dma_wait3A_47 = arith.constant 0 : i32
      %dma_wait3A_48 = tpu.memref_slice %arg2[%arg0, %dma_wait3A_46, %dma_wait3A_47] : memref<2x4x4096xf32, #tpu.memory_space<hbm>> -> memref<1x4x4096xf32, #tpu.memory_space<hbm>>
      %dma_wait3A_49 = tpu.memref_squeeze %dma_wait3A_48 : memref<1x4x4096xf32, #tpu.memory_space<hbm>> -> memref<4x4096xf32, #tpu.memory_space<hbm>>
      tpu.wait_dma2 semaphore(%run_scoped3A : memref<!tpu.dma_semaphore, #tpu.memory_space<semaphore_mem>>) src(%dma_wait3A_49 : memref<4x4096xf32, #tpu.memory_space<hbm>>) dst(%arg11 : memref<4x4096xf32, #tpu.memory_space<vmem>>)
      tpu.yield
    }) : () -> ()
    %mul3A_1 = arith.constant 256 : i32
    %mul3A_2 = arith.muli %arg1, %mul3A_1 : i32
    "tpu.region"() ({
      %run_scoped3A = tpu.sem_alloc : memref<!tpu.dma_semaphore, #tpu.memory_space<semaphore_mem>>
      %dma_start3A = arith.constant 0 : i32
      %dma_start3A_35 = arith.constant 0 : i32
      %dma_start3A_36 = tpu.memref_slice %arg3[%dma_start3A, %arg0, %dma_start3A_35, %mul3A_2] : memref<16x2x4x4096xf32, #tpu.memory_space<hbm>> -> memref<16x1x4x256xf32, #tpu.memory_space<hbm>>
      %dma_start3A_37 = tpu.memref_squeeze %dma_start3A_36 : memref<16x1x4x256xf32, #tpu.memory_space<hbm>> -> memref<16x4x256xf32, #tpu.memory_space<hbm>>
      %dma_start3A_38 = arith.constant 0 : i32
      %dma_start3A_39 = arith.constant 0 : i32
      %dma_start3A_40 = tpu.memref_slice %arg3[%dma_start3A_38, %arg0, %dma_start3A_39, %mul3A_2] : memref<16x2x4x4096xf32, #tpu.memory_space<hbm>> -> memref<16x1x4x256xf32, #tpu.memory_space<hbm>>
      %dma_start3A_41 = tpu.memref_squeeze %dma_start3A_40 : memref<16x1x4x256xf32, #tpu.memory_space<hbm>> -> memref<16x4x256xf32, #tpu.memory_space<hbm>>
      tpu.enqueue_dma source(%dma_start3A_41 : memref<16x4x256xf32, #tpu.memory_space<hbm>>) target(%arg14 : memref<16x4x256xf32, #tpu.memory_space<vmem>>) target_semaphore(%run_scoped3A : memref<!tpu.dma_semaphore, #tpu.memory_space<semaphore_mem>>)
      %dma_wait3A_42 = arith.constant 0 : i32
      %dma_wait3A_43 = arith.constant 0 : i32
      %dma_wait3A_44 = tpu.memref_slice %arg3[%dma_wait3A_42, %arg0, %dma_wait3A_43, %mul3A_2] : memref<16x2x4x4096xf32, #tpu.memory_space<hbm>> -> memref<16x1x4x256xf32, #tpu.memory_space<hbm>>
      %dma_wait3A_45 = tpu.memref_squeeze %dma_wait3A_44 : memref<16x1x4x256xf32, #tpu.memory_space<hbm>> -> memref<16x4x256xf32, #tpu.memory_space<hbm>>
      %dma_wait3A_46 = arith.constant 0 : i32
      %dma_wait3A_47 = arith.constant 0 : i32
      %dma_wait3A_48 = tpu.memref_slice %arg3[%dma_wait3A_46, %arg0, %dma_wait3A_47, %mul3A_2] : memref<16x2x4x4096xf32, #tpu.memory_space<hbm>> -> memref<16x1x4x256xf32, #tpu.memory_space<hbm>>
      %dma_wait3A_49 = tpu.memref_squeeze %dma_wait3A_48 : memref<16x1x4x256xf32, #tpu.memory_space<hbm>> -> memref<16x4x256xf32, #tpu.memory_space<hbm>>
      tpu.wait_dma2 semaphore(%run_scoped3A : memref<!tpu.dma_semaphore, #tpu.memory_space<semaphore_mem>>) src(%dma_wait3A_49 : memref<16x4x256xf32, #tpu.memory_space<hbm>>) dst(%arg14 : memref<16x4x256xf32, #tpu.memory_space<vmem>>)
      tpu.yield
    }) : () -> ()
    %broadcast_in_dim3A = arith.constant 0 : i32
    %broadcast_in_dim3A_3 = vector.broadcast %broadcast_in_dim3A : i32 to vector<16xi32>
    %broadcast_in_dim3A_4 = arith.constant 1 : i32
    %broadcast_in_dim3A_5 = vector.broadcast %broadcast_in_dim3A_4 : i32 to vector<16xi32>
    %broadcast_in_dim3A_6 = arith.constant 2 : i32
    %broadcast_in_dim3A_7 = vector.broadcast %broadcast_in_dim3A_6 : i32 to vector<16xi32>
    %broadcast_in_dim3A_8 = arith.constant 3 : i32
    %broadcast_in_dim3A_9 = vector.broadcast %broadcast_in_dim3A_8 : i32 to vector<16xi32>
    %parallel_loop3A = arith.constant 0 : i32
    %parallel_loop3A_10 = arith.constant 4096 : i32
    %parallel_loop3A_11 = arith.constant 16 : i32
    scf.for %parallel_loop3A_35 = %parallel_loop3A to %parallel_loop3A_10 step %parallel_loop3A_11  : i32 {
      %parallel_loop3A_36 = arith.constant 0.000000e+00 : f32
      %parallel_loop3A_37 = vector.broadcast %parallel_loop3A_36 : f32 to vector<16xf32>
      %parallel_loop3A_38 = arith.constant 0 : i32
      %parallel_loop3A_39 = arith.index_cast %parallel_loop3A_38 : i32 to index
      %parallel_loop3A_40 = arith.index_cast %parallel_loop3A_35 : i32 to index
      %parallel_loop3A_41 = tpu.vector_load %arg12[%parallel_loop3A_39, %parallel_loop3A_40] {strides = array<i32>} : memref<4x4096xf32, #tpu.memory_space<vmem>>, vector<16xf32>,
      tpu.vector_store %arg12[%parallel_loop3A_39, %parallel_loop3A_40], %parallel_loop3A_37 {strides = array<i32>} : memref<4x4096xf32, #tpu.memory_space<vmem>>, vector<16xf32>,
    } {sc.loop_unroll_factor = 1 : i64, sc.parallel_access}
    %parallel_loop3A_12 = arith.constant 0 : i32
    %parallel_loop3A_13 = arith.constant 4096 : i32
    %parallel_loop3A_14 = arith.constant 16 : i32
    scf.for %parallel_loop3A_35 = %parallel_loop3A_12 to %parallel_loop3A_13 step %parallel_loop3A_14  : i32 {
      %parallel_loop3A_36 = arith.constant 0.000000e+00 : f32
      %parallel_loop3A_37 = vector.broadcast %parallel_loop3A_36 : f32 to vector<16xf32>
      %parallel_loop3A_38 = arith.constant 1 : i32
      %parallel_loop3A_39 = arith.index_cast %parallel_loop3A_38 : i32 to index
      %parallel_loop3A_40 = arith.index_cast %parallel_loop3A_35 : i32 to index
      %parallel_loop3A_41 = tpu.vector_load %arg12[%parallel_loop3A_39, %parallel_loop3A_40] {strides = array<i32>} : memref<4x4096xf32, #tpu.memory_space<vmem>>, vector<16xf32>,
      tpu.vector_store %arg12[%parallel_loop3A_39, %parallel_loop3A_40], %parallel_loop3A_37 {strides = array<i32>} : memref<4x4096xf32, #tpu.memory_space<vmem>>, vector<16xf32>,
    } {sc.loop_unroll_factor = 1 : i64, sc.parallel_access}
    %parallel_loop3A_15 = arith.constant 0 : i32
    %parallel_loop3A_16 = arith.constant 4096 : i32
    %parallel_loop3A_17 = arith.constant 16 : i32
    scf.for %parallel_loop3A_35 = %parallel_loop3A_15 to %parallel_loop3A_16 step %parallel_loop3A_17  : i32 {
      %parallel_loop3A_36 = arith.constant 0.000000e+00 : f32
      %parallel_loop3A_37 = vector.broadcast %parallel_loop3A_36 : f32 to vector<16xf32>
      %parallel_loop3A_38 = arith.constant 2 : i32
      %parallel_loop3A_39 = arith.index_cast %parallel_loop3A_38 : i32 to index
      %parallel_loop3A_40 = arith.index_cast %parallel_loop3A_35 : i32 to index
      %parallel_loop3A_41 = tpu.vector_load %arg12[%parallel_loop3A_39, %parallel_loop3A_40] {strides = array<i32>} : memref<4x4096xf32, #tpu.memory_space<vmem>>, vector<16xf32>,
      tpu.vector_store %arg12[%parallel_loop3A_39, %parallel_loop3A_40], %parallel_loop3A_37 {strides = array<i32>} : memref<4x4096xf32, #tpu.memory_space<vmem>>, vector<16xf32>,
    } {sc.loop_unroll_factor = 1 : i64, sc.parallel_access}
    %parallel_loop3A_18 = arith.constant 0 : i32
    %parallel_loop3A_19 = arith.constant 4096 : i32
    %parallel_loop3A_20 = arith.constant 16 : i32
    scf.for %parallel_loop3A_35 = %parallel_loop3A_18 to %parallel_loop3A_19 step %parallel_loop3A_20  : i32 {
      %parallel_loop3A_36 = arith.constant 0.000000e+00 : f32
      %parallel_loop3A_37 = vector.broadcast %parallel_loop3A_36 : f32 to vector<16xf32>
      %parallel_loop3A_38 = arith.constant 3 : i32
      %parallel_loop3A_39 = arith.index_cast %parallel_loop3A_38 : i32 to index
      %parallel_loop3A_40 = arith.index_cast %parallel_loop3A_35 : i32 to index
      %parallel_loop3A_41 = tpu.vector_load %arg12[%parallel_loop3A_39, %parallel_loop3A_40] {strides = array<i32>} : memref<4x4096xf32, #tpu.memory_space<vmem>>, vector<16xf32>,
      tpu.vector_store %arg12[%parallel_loop3A_39, %parallel_loop3A_40], %parallel_loop3A_37 {strides = array<i32>} : memref<4x4096xf32, #tpu.memory_space<vmem>>, vector<16xf32>,
    } {sc.loop_unroll_factor = 1 : i64, sc.parallel_access}
    %eq3A = arith.constant 0 : i32
    %eq3A_21 = arith.cmpi eq, %arg1, %eq3A : i32
    %convert_element_type3A = arith.extui %eq3A_21 : i1 to i32
    %cond3A = arith.constant 0 : i32
    %cond3A_22 = arith.cmpi ne, %convert_element_type3A, %cond3A : i32
    scf.if %cond3A_22 {
      "tpu.region"() ({
        %run_scoped3A = tpu.sem_alloc : memref<!tpu.dma_semaphore, #tpu.memory_space<semaphore_mem>>
        tpu.enqueue_dma source(%arg12 : memref<4x4096xf32, #tpu.memory_space<vmem>>) target(%arg21 : memref<4x4096xf32, #tpu.memory_space<vmem_shared>>) target_semaphore(%run_scoped3A : memref<!tpu.dma_semaphore, #tpu.memory_space<semaphore_mem>>)
        tpu.wait_dma2 semaphore(%run_scoped3A : memref<!tpu.dma_semaphore, #tpu.memory_space<semaphore_mem>>) src(%arg12 : memref<4x4096xf32, #tpu.memory_space<vmem>>) dst(%arg21 : memref<4x4096xf32, #tpu.memory_space<vmem_shared>>)
        tpu.yield
      }) : () -> ()
    } else {
    }
    %barrier3A = arith.constant 0 : index
    tpu.barrier barrier_id(%barrier3A)
    tpu.enqueue_dma source(%arg21 : memref<4x4096xf32, #tpu.memory_space<vmem_shared>>) target(%arg12 : memref<4x4096xf32, #tpu.memory_space<vmem>>) target_semaphore(%arg18 : memref<!tpu.dma_semaphore, #tpu.memory_space<semaphore_mem>>)
    %scan3A = arith.constant 0 : i32
    %scan3A_23 = arith.constant 16 : i32
    %scan3A_24 = arith.addi %scan3A, %scan3A_23 : i32
    %scan3A_25 = arith.constant 1 : i32
    scf.for %scan3A_35 = %scan3A to %scan3A_24 step %scan3A_25  : i32 {
      %mul3A_36 = arith.constant 1 : i32
      %mul3A_37 = arith.muli %scan3A_35, %mul3A_36 : i32
      %add3A = arith.constant 0 : i32
      %add3A_38 = arith.addi %add3A, %mul3A_37 : i32
      %dma_wait3A_39 = arith.constant 0 : i32
      %dma_wait3A_40 = arith.constant 0 : i32
      %dma_wait3A_41 = arith.constant 0 : i32
      %dma_wait3A_42 = tpu.memref_slice %arg7[%dma_wait3A_39, %dma_wait3A_40, %dma_wait3A_41] : memref<16x8x4096xf32, #tpu.memory_space<hbm>> -> memref<1x4x4096xf32, #tpu.memory_space<hbm>>
      %dma_wait3A_43 = tpu.memref_squeeze %dma_wait3A_42 : memref<1x4x4096xf32, #tpu.memory_space<hbm>> -> memref<4x4096xf32, #tpu.memory_space<hbm>>
      %dma_wait3A_44 = arith.constant 0 : i32
      %dma_wait3A_45 = arith.constant 0 : i32
      %dma_wait3A_46 = tpu.memref_slice %arg7[%dma_wait3A_39, %dma_wait3A_44, %dma_wait3A_45] : memref<16x8x4096xf32, #tpu.memory_space<hbm>> -> memref<1x4x4096xf32, #tpu.memory_space<hbm>>
      %dma_wait3A_47 = tpu.memref_squeeze %dma_wait3A_46 : memref<1x4x4096xf32, #tpu.memory_space<hbm>> -> memref<4x4096xf32, #tpu.memory_space<hbm>>
      tpu.wait_dma2 semaphore(%arg18 : memref<!tpu.dma_semaphore, #tpu.memory_space<semaphore_mem>>) src(%dma_wait3A_47 : memref<4x4096xf32, #tpu.memory_space<hbm>>) dst(%arg12 : memref<4x4096xf32, #tpu.memory_space<vmem>>)
      %parallel_loop3A_48 = arith.constant 0 : i32
      %parallel_loop3A_49 = arith.constant 10496 : i32
      %parallel_loop3A_50 = arith.constant 16 : i32
      scf.for %parallel_loop3A_109 = %parallel_loop3A_48 to %parallel_loop3A_49 step %parallel_loop3A_50  : i32 {
        %parallel_loop3A_110 = arith.index_cast %parallel_loop3A_109 : i32 to index
        %parallel_loop3A_111 = tpu.vector_load %arg8[%parallel_loop3A_110] {strides = array<i32>} : memref<10496xi32, #tpu.memory_space<vmem>>, vector<16xi32>,
        %parallel_loop3A_112 = arith.index_cast %parallel_loop3A_109 : i32 to index
        %parallel_loop3A_113 = tpu.vector_load %arg9[%parallel_loop3A_112] {strides = array<i32>} : memref<10496xi32, #tpu.memory_space<vmem>>, vector<16xi32>,
        %parallel_loop3A_114 = arith.index_cast %parallel_loop3A_109 : i32 to index
        %parallel_loop3A_115 = tpu.vector_load %arg10[%parallel_loop3A_114] {strides = array<i32>} : memref<10496xf32, #tpu.memory_space<vmem>>, vector<16xf32>,
        %parallel_loop3A_116 = tpu.vector_load_idx %arg11[%broadcast_in_dim3A_3, %parallel_loop3A_111] : memref<4x4096xf32, #tpu.memory_space<vmem>>[vector<16xi32>, vector<16xi32>], vector<16xf32>,
        %parallel_loop3A_117 = arith.mulf %parallel_loop3A_116, %parallel_loop3A_115 : vector<16xf32>
        tpu.vector_store_idx %arg12[%broadcast_in_dim3A_3, %parallel_loop3A_113], %parallel_loop3A_117 {add = true} : memref<4x4096xf32, #tpu.memory_space<vmem>>[vector<16xi32>, vector<16xi32>], vector<16xf32>,
        %parallel_loop3A_118 = tpu.vector_load_idx %arg11[%broadcast_in_dim3A_5, %parallel_loop3A_111] : memref<4x4096xf32, #tpu.memory_space<vmem>>[vector<16xi32>, vector<16xi32>], vector<16xf32>,
        %parallel_loop3A_119 = arith.mulf %parallel_loop3A_118, %parallel_loop3A_115 : vector<16xf32>
        tpu.vector_store_idx %arg12[%broadcast_in_dim3A_5, %parallel_loop3A_113], %parallel_loop3A_119 {add = true} : memref<4x4096xf32, #tpu.memory_space<vmem>>[vector<16xi32>, vector<16xi32>], vector<16xf32>,
        %parallel_loop3A_120 = tpu.vector_load_idx %arg11[%broadcast_in_dim3A_7, %parallel_loop3A_111] : memref<4x4096xf32, #tpu.memory_space<vmem>>[vector<16xi32>, vector<16xi32>], vector<16xf32>,
        %parallel_loop3A_121 = arith.mulf %parallel_loop3A_120, %parallel_loop3A_115 : vector<16xf32>
        tpu.vector_store_idx %arg12[%broadcast_in_dim3A_7, %parallel_loop3A_113], %parallel_loop3A_121 {add = true} : memref<4x4096xf32, #tpu.memory_space<vmem>>[vector<16xi32>, vector<16xi32>], vector<16xf32>,
        %parallel_loop3A_122 = tpu.vector_load_idx %arg11[%broadcast_in_dim3A_9, %parallel_loop3A_111] : memref<4x4096xf32, #tpu.memory_space<vmem>>[vector<16xi32>, vector<16xi32>], vector<16xf32>,
        %parallel_loop3A_123 = arith.mulf %parallel_loop3A_122, %parallel_loop3A_115 : vector<16xf32>
        tpu.vector_store_idx %arg12[%broadcast_in_dim3A_9, %parallel_loop3A_113], %parallel_loop3A_123 {add = true} : memref<4x4096xf32, #tpu.memory_space<vmem>>[vector<16xi32>, vector<16xi32>], vector<16xf32>,
      } {sc.loop_unroll_factor = 2 : i64, sc.parallel_access}
      %dma_start3A = arith.constant 0 : i32
      %dma_start3A_51 = arith.constant 0 : i32
      %dma_start3A_52 = tpu.memref_slice %arg19[%arg1, %dma_start3A, %dma_start3A_51] : memref<16x4x4096xf32, #tpu.memory_space<vmem_shared>> -> memref<1x4x4096xf32, #tpu.memory_space<vmem_shared>>
      %dma_start3A_53 = tpu.memref_squeeze %dma_start3A_52 : memref<1x4x4096xf32, #tpu.memory_space<vmem_shared>> -> memref<4x4096xf32, #tpu.memory_space<vmem_shared>>
      %dma_start3A_54 = arith.constant 0 : i32
      %dma_start3A_55 = arith.constant 0 : i32
      %dma_start3A_56 = tpu.memref_slice %arg19[%arg1, %dma_start3A_54, %dma_start3A_55] : memref<16x4x4096xf32, #tpu.memory_space<vmem_shared>> -> memref<1x4x4096xf32, #tpu.memory_space<vmem_shared>>
      %dma_start3A_57 = tpu.memref_squeeze %dma_start3A_56 : memref<1x4x4096xf32, #tpu.memory_space<vmem_shared>> -> memref<4x4096xf32, #tpu.memory_space<vmem_shared>>
      tpu.enqueue_dma source(%arg12 : memref<4x4096xf32, #tpu.memory_space<vmem>>) target(%dma_start3A_57 : memref<4x4096xf32, #tpu.memory_space<vmem_shared>>) target_semaphore(%arg16 : memref<!tpu.dma_semaphore, #tpu.memory_space<semaphore_mem>>)
      %dma_wait3A_58 = arith.constant 0 : i32
      %dma_wait3A_59 = arith.constant 0 : i32
      %dma_wait3A_60 = tpu.memref_slice %arg19[%arg1, %dma_wait3A_58, %dma_wait3A_59] : memref<16x4x4096xf32, #tpu.memory_space<vmem_shared>> -> memref<1x4x4096xf32, #tpu.memory_space<vmem_shared>>
      %dma_wait3A_61 = tpu.memref_squeeze %dma_wait3A_60 : memref<1x4x4096xf32, #tpu.memory_space<vmem_shared>> -> memref<4x4096xf32, #tpu.memory_space<vmem_shared>>
      %dma_wait3A_62 = arith.constant 0 : i32
      %dma_wait3A_63 = arith.constant 0 : i32
      %dma_wait3A_64 = tpu.memref_slice %arg19[%arg1, %dma_wait3A_62, %dma_wait3A_63] : memref<16x4x4096xf32, #tpu.memory_space<vmem_shared>> -> memref<1x4x4096xf32, #tpu.memory_space<vmem_shared>>
      %dma_wait3A_65 = tpu.memref_squeeze %dma_wait3A_64 : memref<1x4x4096xf32, #tpu.memory_space<vmem_shared>> -> memref<4x4096xf32, #tpu.memory_space<vmem_shared>>
      tpu.wait_dma2 semaphore(%arg16 : memref<!tpu.dma_semaphore, #tpu.memory_space<semaphore_mem>>) src(%arg12 : memref<4x4096xf32, #tpu.memory_space<vmem>>) dst(%dma_wait3A_65 : memref<4x4096xf32, #tpu.memory_space<vmem_shared>>)
      tpu.enqueue_dma source(%arg21 : memref<4x4096xf32, #tpu.memory_space<vmem_shared>>) target(%arg12 : memref<4x4096xf32, #tpu.memory_space<vmem>>) target_semaphore(%arg18 : memref<!tpu.dma_semaphore, #tpu.memory_space<semaphore_mem>>)
      %barrier3A_66 = arith.constant 0 : index
      tpu.barrier barrier_id(%barrier3A_66)
      %mul3A_67 = arith.constant 256 : i32
      %mul3A_68 = arith.muli %arg1, %mul3A_67 : i32
      %run_scoped3A = arith.constant 0 : i32
      %run_scoped3A_69 = arith.constant 0 : i32
      "tpu.region"() ({
        %run_scoped3A_109 = tpu.sem_alloc : memref<!tpu.dma_semaphore, #tpu.memory_space<semaphore_mem>>
        %dma_start3A_110 = arith.constant 0 : i32
        %dma_start3A_111 = arith.constant 0 : i32
        %dma_start3A_112 = tpu.memref_slice %arg13[%run_scoped3A_69, %dma_start3A_110, %dma_start3A_111] : memref<4x16x256xf32, #tpu.memory_space<vmem>> -> memref<1x16x256xf32, #tpu.memory_space<vmem>>
        %dma_start3A_113 = tpu.memref_squeeze %dma_start3A_112 : memref<1x16x256xf32, #tpu.memory_space<vmem>> -> memref<16x256xf32, #tpu.memory_space<vmem>>
        %dma_start3A_114 = arith.constant 0 : i32
        %dma_start3A_115 = tpu.memref_slice %arg19[%dma_start3A_114, %run_scoped3A, %mul3A_68] : memref<16x4x4096xf32, #tpu.memory_space<vmem_shared>> -> memref<16x1x256xf32, #tpu.memory_space<vmem_shared>>
        %dma_start3A_116 = tpu.memref_squeeze %dma_start3A_115 : memref<16x1x256xf32, #tpu.memory_space<vmem_shared>> -> memref<16x256xf32, #tpu.memory_space<vmem_shared>>
        %dma_start3A_117 = arith.constant 0 : i32
        %dma_start3A_118 = arith.constant 0 : i32
        %dma_start3A_119 = tpu.memref_slice %arg13[%run_scoped3A_69, %dma_start3A_117, %dma_start3A_118] : memref<4x16x256xf32, #tpu.memory_space<vmem>> -> memref<1x16x256xf32, #tpu.memory_space<vmem>>
        %dma_start3A_120 = tpu.memref_squeeze %dma_start3A_119 : memref<1x16x256xf32, #tpu.memory_space<vmem>> -> memref<16x256xf32, #tpu.memory_space<vmem>>
        %dma_start3A_121 = arith.constant 0 : i32
        %dma_start3A_122 = tpu.memref_slice %arg19[%dma_start3A_121, %run_scoped3A, %mul3A_68] : memref<16x4x4096xf32, #tpu.memory_space<vmem_shared>> -> memref<16x1x256xf32, #tpu.memory_space<vmem_shared>>
        %dma_start3A_123 = tpu.memref_squeeze %dma_start3A_122 : memref<16x1x256xf32, #tpu.memory_space<vmem_shared>> -> memref<16x256xf32, #tpu.memory_space<vmem_shared>>
        tpu.enqueue_dma source(%dma_start3A_123 : memref<16x256xf32, #tpu.memory_space<vmem_shared>>) target(%dma_start3A_120 : memref<16x256xf32, #tpu.memory_space<vmem>>) target_semaphore(%run_scoped3A_109 : memref<!tpu.dma_semaphore, #tpu.memory_space<semaphore_mem>>)
        %dma_wait3A_124 = arith.constant 0 : i32
        %dma_wait3A_125 = arith.constant 0 : i32
        %dma_wait3A_126 = tpu.memref_slice %arg13[%run_scoped3A_69, %dma_wait3A_124, %dma_wait3A_125] : memref<4x16x256xf32, #tpu.memory_space<vmem>> -> memref<1x16x256xf32, #tpu.memory_space<vmem>>
        %dma_wait3A_127 = tpu.memref_squeeze %dma_wait3A_126 : memref<1x16x256xf32, #tpu.memory_space<vmem>> -> memref<16x256xf32, #tpu.memory_space<vmem>>
        %dma_wait3A_128 = arith.constant 0 : i32
        %dma_wait3A_129 = tpu.memref_slice %arg19[%dma_wait3A_128, %run_scoped3A, %mul3A_68] : memref<16x4x4096xf32, #tpu.memory_space<vmem_shared>> -> memref<16x1x256xf32, #tpu.memory_space<vmem_shared>>
        %dma_wait3A_130 = tpu.memref_squeeze %dma_wait3A_129 : memref<16x1x256xf32, #tpu.memory_space<vmem_shared>> -> memref<16x256xf32, #tpu.memory_space<vmem_shared>>
        %dma_wait3A_131 = arith.constant 0 : i32
        %dma_wait3A_132 = arith.constant 0 : i32
        %dma_wait3A_133 = tpu.memref_slice %arg13[%run_scoped3A_69, %dma_wait3A_131, %dma_wait3A_132] : memref<4x16x256xf32, #tpu.memory_space<vmem>> -> memref<1x16x256xf32, #tpu.memory_space<vmem>>
        %dma_wait3A_134 = tpu.memref_squeeze %dma_wait3A_133 : memref<1x16x256xf32, #tpu.memory_space<vmem>> -> memref<16x256xf32, #tpu.memory_space<vmem>>
        %dma_wait3A_135 = arith.constant 0 : i32
        %dma_wait3A_136 = tpu.memref_slice %arg19[%dma_wait3A_135, %run_scoped3A, %mul3A_68] : memref<16x4x4096xf32, #tpu.memory_space<vmem_shared>> -> memref<16x1x256xf32, #tpu.memory_space<vmem_shared>>
        %dma_wait3A_137 = tpu.memref_squeeze %dma_wait3A_136 : memref<16x1x256xf32, #tpu.memory_space<vmem_shared>> -> memref<16x256xf32, #tpu.memory_space<vmem_shared>>
        tpu.wait_dma2 semaphore(%run_scoped3A_109 : memref<!tpu.dma_semaphore, #tpu.memory_space<semaphore_mem>>) src(%dma_wait3A_137 : memref<16x256xf32, #tpu.memory_space<vmem_shared>>) dst(%dma_wait3A_134 : memref<16x256xf32, #tpu.memory_space<vmem>>)
        tpu.yield
      }) : () -> ()
      %mul3A_70 = arith.constant 256 : i32
      %mul3A_71 = arith.muli %arg1, %mul3A_70 : i32
      %run_scoped3A_72 = arith.constant 1 : i32
      %run_scoped3A_73 = arith.constant 1 : i32
      "tpu.region"() ({
        %run_scoped3A_109 = tpu.sem_alloc : memref<!tpu.dma_semaphore, #tpu.memory_space<semaphore_mem>>
        %dma_start3A_110 = arith.constant 0 : i32
        %dma_start3A_111 = arith.constant 0 : i32
        %dma_start3A_112 = tpu.memref_slice %arg13[%run_scoped3A_73, %dma_start3A_110, %dma_start3A_111] : memref<4x16x256xf32, #tpu.memory_space<vmem>> -> memref<1x16x256xf32, #tpu.memory_space<vmem>>
        %dma_start3A_113 = tpu.memref_squeeze %dma_start3A_112 : memref<1x16x256xf32, #tpu.memory_space<vmem>> -> memref<16x256xf32, #tpu.memory_space<vmem>>
        %dma_start3A_114 = arith.constant 0 : i32
        %dma_start3A_115 = tpu.memref_slice %arg19[%dma_start3A_114, %run_scoped3A_72, %mul3A_71] : memref<16x4x4096xf32, #tpu.memory_space<vmem_shared>> -> memref<16x1x256xf32, #tpu.memory_space<vmem_shared>>
        %dma_start3A_116 = tpu.memref_squeeze %dma_start3A_115 : memref<16x1x256xf32, #tpu.memory_space<vmem_shared>> -> memref<16x256xf32, #tpu.memory_space<vmem_shared>>
        %dma_start3A_117 = arith.constant 0 : i32
        %dma_start3A_118 = arith.constant 0 : i32
        %dma_start3A_119 = tpu.memref_slice %arg13[%run_scoped3A_73, %dma_start3A_117, %dma_start3A_118] : memref<4x16x256xf32, #tpu.memory_space<vmem>> -> memref<1x16x256xf32, #tpu.memory_space<vmem>>
        %dma_start3A_120 = tpu.memref_squeeze %dma_start3A_119 : memref<1x16x256xf32, #tpu.memory_space<vmem>> -> memref<16x256xf32, #tpu.memory_space<vmem>>
        %dma_start3A_121 = arith.constant 0 : i32
        %dma_start3A_122 = tpu.memref_slice %arg19[%dma_start3A_121, %run_scoped3A_72, %mul3A_71] : memref<16x4x4096xf32, #tpu.memory_space<vmem_shared>> -> memref<16x1x256xf32, #tpu.memory_space<vmem_shared>>
        %dma_start3A_123 = tpu.memref_squeeze %dma_start3A_122 : memref<16x1x256xf32, #tpu.memory_space<vmem_shared>> -> memref<16x256xf32, #tpu.memory_space<vmem_shared>>
        tpu.enqueue_dma source(%dma_start3A_123 : memref<16x256xf32, #tpu.memory_space<vmem_shared>>) target(%dma_start3A_120 : memref<16x256xf32, #tpu.memory_space<vmem>>) target_semaphore(%run_scoped3A_109 : memref<!tpu.dma_semaphore, #tpu.memory_space<semaphore_mem>>)
        %dma_wait3A_124 = arith.constant 0 : i32
        %dma_wait3A_125 = arith.constant 0 : i32
        %dma_wait3A_126 = tpu.memref_slice %arg13[%run_scoped3A_73, %dma_wait3A_124, %dma_wait3A_125] : memref<4x16x256xf32, #tpu.memory_space<vmem>> -> memref<1x16x256xf32, #tpu.memory_space<vmem>>
        %dma_wait3A_127 = tpu.memref_squeeze %dma_wait3A_126 : memref<1x16x256xf32, #tpu.memory_space<vmem>> -> memref<16x256xf32, #tpu.memory_space<vmem>>
        %dma_wait3A_128 = arith.constant 0 : i32
        %dma_wait3A_129 = tpu.memref_slice %arg19[%dma_wait3A_128, %run_scoped3A_72, %mul3A_71] : memref<16x4x4096xf32, #tpu.memory_space<vmem_shared>> -> memref<16x1x256xf32, #tpu.memory_space<vmem_shared>>
        %dma_wait3A_130 = tpu.memref_squeeze %dma_wait3A_129 : memref<16x1x256xf32, #tpu.memory_space<vmem_shared>> -> memref<16x256xf32, #tpu.memory_space<vmem_shared>>
        %dma_wait3A_131 = arith.constant 0 : i32
        %dma_wait3A_132 = arith.constant 0 : i32
        %dma_wait3A_133 = tpu.memref_slice %arg13[%run_scoped3A_73, %dma_wait3A_131, %dma_wait3A_132] : memref<4x16x256xf32, #tpu.memory_space<vmem>> -> memref<1x16x256xf32, #tpu.memory_space<vmem>>
        %dma_wait3A_134 = tpu.memref_squeeze %dma_wait3A_133 : memref<1x16x256xf32, #tpu.memory_space<vmem>> -> memref<16x256xf32, #tpu.memory_space<vmem>>
        %dma_wait3A_135 = arith.constant 0 : i32
        %dma_wait3A_136 = tpu.memref_slice %arg19[%dma_wait3A_135, %run_scoped3A_72, %mul3A_71] : memref<16x4x4096xf32, #tpu.memory_space<vmem_shared>> -> memref<16x1x256xf32, #tpu.memory_space<vmem_shared>>
        %dma_wait3A_137 = tpu.memref_squeeze %dma_wait3A_136 : memref<16x1x256xf32, #tpu.memory_space<vmem_shared>> -> memref<16x256xf32, #tpu.memory_space<vmem_shared>>
        tpu.wait_dma2 semaphore(%run_scoped3A_109 : memref<!tpu.dma_semaphore, #tpu.memory_space<semaphore_mem>>) src(%dma_wait3A_137 : memref<16x256xf32, #tpu.memory_space<vmem_shared>>) dst(%dma_wait3A_134 : memref<16x256xf32, #tpu.memory_space<vmem>>)
        tpu.yield
      }) : () -> ()
      %mul3A_74 = arith.constant 256 : i32
      %mul3A_75 = arith.muli %arg1, %mul3A_74 : i32
      %run_scoped3A_76 = arith.constant 2 : i32
      %run_scoped3A_77 = arith.constant 2 : i32
      "tpu.region"() ({
        %run_scoped3A_109 = tpu.sem_alloc : memref<!tpu.dma_semaphore, #tpu.memory_space<semaphore_mem>>
        %dma_start3A_110 = arith.constant 0 : i32
        %dma_start3A_111 = arith.constant 0 : i32
        %dma_start3A_112 = tpu.memref_slice %arg13[%run_scoped3A_77, %dma_start3A_110, %dma_start3A_111] : memref<4x16x256xf32, #tpu.memory_space<vmem>> -> memref<1x16x256xf32, #tpu.memory_space<vmem>>
        %dma_start3A_113 = tpu.memref_squeeze %dma_start3A_112 : memref<1x16x256xf32, #tpu.memory_space<vmem>> -> memref<16x256xf32, #tpu.memory_space<vmem>>
        %dma_start3A_114 = arith.constant 0 : i32
        %dma_start3A_115 = tpu.memref_slice %arg19[%dma_start3A_114, %run_scoped3A_76, %mul3A_75] : memref<16x4x4096xf32, #tpu.memory_space<vmem_shared>> -> memref<16x1x256xf32, #tpu.memory_space<vmem_shared>>
        %dma_start3A_116 = tpu.memref_squeeze %dma_start3A_115 : memref<16x1x256xf32, #tpu.memory_space<vmem_shared>> -> memref<16x256xf32, #tpu.memory_space<vmem_shared>>
        %dma_start3A_117 = arith.constant 0 : i32
        %dma_start3A_118 = arith.constant 0 : i32
        %dma_start3A_119 = tpu.memref_slice %arg13[%run_scoped3A_77, %dma_start3A_117, %dma_start3A_118] : memref<4x16x256xf32, #tpu.memory_space<vmem>> -> memref<1x16x256xf32, #tpu.memory_space<vmem>>
        %dma_start3A_120 = tpu.memref_squeeze %dma_start3A_119 : memref<1x16x256xf32, #tpu.memory_space<vmem>> -> memref<16x256xf32, #tpu.memory_space<vmem>>
        %dma_start3A_121 = arith.constant 0 : i32
        %dma_start3A_122 = tpu.memref_slice %arg19[%dma_start3A_121, %run_scoped3A_76, %mul3A_75] : memref<16x4x4096xf32, #tpu.memory_space<vmem_shared>> -> memref<16x1x256xf32, #tpu.memory_space<vmem_shared>>
        %dma_start3A_123 = tpu.memref_squeeze %dma_start3A_122 : memref<16x1x256xf32, #tpu.memory_space<vmem_shared>> -> memref<16x256xf32, #tpu.memory_space<vmem_shared>>
        tpu.enqueue_dma source(%dma_start3A_123 : memref<16x256xf32, #tpu.memory_space<vmem_shared>>) target(%dma_start3A_120 : memref<16x256xf32, #tpu.memory_space<vmem>>) target_semaphore(%run_scoped3A_109 : memref<!tpu.dma_semaphore, #tpu.memory_space<semaphore_mem>>)
        %dma_wait3A_124 = arith.constant 0 : i32
        %dma_wait3A_125 = arith.constant 0 : i32
        %dma_wait3A_126 = tpu.memref_slice %arg13[%run_scoped3A_77, %dma_wait3A_124, %dma_wait3A_125] : memref<4x16x256xf32, #tpu.memory_space<vmem>> -> memref<1x16x256xf32, #tpu.memory_space<vmem>>
        %dma_wait3A_127 = tpu.memref_squeeze %dma_wait3A_126 : memref<1x16x256xf32, #tpu.memory_space<vmem>> -> memref<16x256xf32, #tpu.memory_space<vmem>>
        %dma_wait3A_128 = arith.constant 0 : i32
        %dma_wait3A_129 = tpu.memref_slice %arg19[%dma_wait3A_128, %run_scoped3A_76, %mul3A_75] : memref<16x4x4096xf32, #tpu.memory_space<vmem_shared>> -> memref<16x1x256xf32, #tpu.memory_space<vmem_shared>>
        %dma_wait3A_130 = tpu.memref_squeeze %dma_wait3A_129 : memref<16x1x256xf32, #tpu.memory_space<vmem_shared>> -> memref<16x256xf32, #tpu.memory_space<vmem_shared>>
        %dma_wait3A_131 = arith.constant 0 : i32
        %dma_wait3A_132 = arith.constant 0 : i32
        %dma_wait3A_133 = tpu.memref_slice %arg13[%run_scoped3A_77, %dma_wait3A_131, %dma_wait3A_132] : memref<4x16x256xf32, #tpu.memory_space<vmem>> -> memref<1x16x256xf32, #tpu.memory_space<vmem>>
        %dma_wait3A_134 = tpu.memref_squeeze %dma_wait3A_133 : memref<1x16x256xf32, #tpu.memory_space<vmem>> -> memref<16x256xf32, #tpu.memory_space<vmem>>
        %dma_wait3A_135 = arith.constant 0 : i32
        %dma_wait3A_136 = tpu.memref_slice %arg19[%dma_wait3A_135, %run_scoped3A_76, %mul3A_75] : memref<16x4x4096xf32, #tpu.memory_space<vmem_shared>> -> memref<16x1x256xf32, #tpu.memory_space<vmem_shared>>
        %dma_wait3A_137 = tpu.memref_squeeze %dma_wait3A_136 : memref<16x1x256xf32, #tpu.memory_space<vmem_shared>> -> memref<16x256xf32, #tpu.memory_space<vmem_shared>>
        tpu.wait_dma2 semaphore(%run_scoped3A_109 : memref<!tpu.dma_semaphore, #tpu.memory_space<semaphore_mem>>) src(%dma_wait3A_137 : memref<16x256xf32, #tpu.memory_space<vmem_shared>>) dst(%dma_wait3A_134 : memref<16x256xf32, #tpu.memory_space<vmem>>)
        tpu.yield
      }) : () -> ()
      %mul3A_78 = arith.constant 256 : i32
      %mul3A_79 = arith.muli %arg1, %mul3A_78 : i32
      %run_scoped3A_80 = arith.constant 3 : i32
      %run_scoped3A_81 = arith.constant 3 : i32
      "tpu.region"() ({
        %run_scoped3A_109 = tpu.sem_alloc : memref<!tpu.dma_semaphore, #tpu.memory_space<semaphore_mem>>
        %dma_start3A_110 = arith.constant 0 : i32
        %dma_start3A_111 = arith.constant 0 : i32
        %dma_start3A_112 = tpu.memref_slice %arg13[%run_scoped3A_81, %dma_start3A_110, %dma_start3A_111] : memref<4x16x256xf32, #tpu.memory_space<vmem>> -> memref<1x16x256xf32, #tpu.memory_space<vmem>>
        %dma_start3A_113 = tpu.memref_squeeze %dma_start3A_112 : memref<1x16x256xf32, #tpu.memory_space<vmem>> -> memref<16x256xf32, #tpu.memory_space<vmem>>
        %dma_start3A_114 = arith.constant 0 : i32
        %dma_start3A_115 = tpu.memref_slice %arg19[%dma_start3A_114, %run_scoped3A_80, %mul3A_79] : memref<16x4x4096xf32, #tpu.memory_space<vmem_shared>> -> memref<16x1x256xf32, #tpu.memory_space<vmem_shared>>
        %dma_start3A_116 = tpu.memref_squeeze %dma_start3A_115 : memref<16x1x256xf32, #tpu.memory_space<vmem_shared>> -> memref<16x256xf32, #tpu.memory_space<vmem_shared>>
        %dma_start3A_117 = arith.constant 0 : i32
        %dma_start3A_118 = arith.constant 0 : i32
        %dma_start3A_119 = tpu.memref_slice %arg13[%run_scoped3A_81, %dma_start3A_117, %dma_start3A_118] : memref<4x16x256xf32, #tpu.memory_space<vmem>> -> memref<1x16x256xf32, #tpu.memory_space<vmem>>
        %dma_start3A_120 = tpu.memref_squeeze %dma_start3A_119 : memref<1x16x256xf32, #tpu.memory_space<vmem>> -> memref<16x256xf32, #tpu.memory_space<vmem>>
        %dma_start3A_121 = arith.constant 0 : i32
        %dma_start3A_122 = tpu.memref_slice %arg19[%dma_start3A_121, %run_scoped3A_80, %mul3A_79] : memref<16x4x4096xf32, #tpu.memory_space<vmem_shared>> -> memref<16x1x256xf32, #tpu.memory_space<vmem_shared>>
        %dma_start3A_123 = tpu.memref_squeeze %dma_start3A_122 : memref<16x1x256xf32, #tpu.memory_space<vmem_shared>> -> memref<16x256xf32, #tpu.memory_space<vmem_shared>>
        tpu.enqueue_dma source(%dma_start3A_123 : memref<16x256xf32, #tpu.memory_space<vmem_shared>>) target(%dma_start3A_120 : memref<16x256xf32, #tpu.memory_space<vmem>>) target_semaphore(%run_scoped3A_109 : memref<!tpu.dma_semaphore, #tpu.memory_space<semaphore_mem>>)
        %dma_wait3A_124 = arith.constant 0 : i32
        %dma_wait3A_125 = arith.constant 0 : i32
        %dma_wait3A_126 = tpu.memref_slice %arg13[%run_scoped3A_81, %dma_wait3A_124, %dma_wait3A_125] : memref<4x16x256xf32, #tpu.memory_space<vmem>> -> memref<1x16x256xf32, #tpu.memory_space<vmem>>
        %dma_wait3A_127 = tpu.memref_squeeze %dma_wait3A_126 : memref<1x16x256xf32, #tpu.memory_space<vmem>> -> memref<16x256xf32, #tpu.memory_space<vmem>>
        %dma_wait3A_128 = arith.constant 0 : i32
        %dma_wait3A_129 = tpu.memref_slice %arg19[%dma_wait3A_128, %run_scoped3A_80, %mul3A_79] : memref<16x4x4096xf32, #tpu.memory_space<vmem_shared>> -> memref<16x1x256xf32, #tpu.memory_space<vmem_shared>>
        %dma_wait3A_130 = tpu.memref_squeeze %dma_wait3A_129 : memref<16x1x256xf32, #tpu.memory_space<vmem_shared>> -> memref<16x256xf32, #tpu.memory_space<vmem_shared>>
        %dma_wait3A_131 = arith.constant 0 : i32
        %dma_wait3A_132 = arith.constant 0 : i32
        %dma_wait3A_133 = tpu.memref_slice %arg13[%run_scoped3A_81, %dma_wait3A_131, %dma_wait3A_132] : memref<4x16x256xf32, #tpu.memory_space<vmem>> -> memref<1x16x256xf32, #tpu.memory_space<vmem>>
        %dma_wait3A_134 = tpu.memref_squeeze %dma_wait3A_133 : memref<1x16x256xf32, #tpu.memory_space<vmem>> -> memref<16x256xf32, #tpu.memory_space<vmem>>
        %dma_wait3A_135 = arith.constant 0 : i32
        %dma_wait3A_136 = tpu.memref_slice %arg19[%dma_wait3A_135, %run_scoped3A_80, %mul3A_79] : memref<16x4x4096xf32, #tpu.memory_space<vmem_shared>> -> memref<16x1x256xf32, #tpu.memory_space<vmem_shared>>
        %dma_wait3A_137 = tpu.memref_squeeze %dma_wait3A_136 : memref<16x1x256xf32, #tpu.memory_space<vmem_shared>> -> memref<16x256xf32, #tpu.memory_space<vmem_shared>>
        tpu.wait_dma2 semaphore(%run_scoped3A_109 : memref<!tpu.dma_semaphore, #tpu.memory_space<semaphore_mem>>) src(%dma_wait3A_137 : memref<16x256xf32, #tpu.memory_space<vmem_shared>>) dst(%dma_wait3A_134 : memref<16x256xf32, #tpu.memory_space<vmem>>)
        tpu.yield
      }) : () -> ()
      %parallel_loop3A_82 = arith.constant 0 : i32
      %parallel_loop3A_83 = arith.constant 256 : i32
      %parallel_loop3A_84 = arith.constant 16 : i32
      scf.for %parallel_loop3A_109 = %parallel_loop3A_82 to %parallel_loop3A_83 step %parallel_loop3A_84  : i32 {
        %parallel_loop3A_110 = arith.constant 0 : i32
        %parallel_loop3A_111 = arith.index_cast %add3A_38 : i32 to index
        %parallel_loop3A_112 = arith.index_cast %parallel_loop3A_110 : i32 to index
        %parallel_loop3A_113 = arith.index_cast %parallel_loop3A_109 : i32 to index
        %parallel_loop3A_114 = tpu.vector_load %arg14[%parallel_loop3A_111, %parallel_loop3A_112, %parallel_loop3A_113] {strides = array<i32>} : memref<16x4x256xf32, #tpu.memory_space<vmem>>, vector<16xf32>,
        %parallel_loop3A_115 = arith.constant 0 : i32
        %parallel_loop3A_116 = arith.constant 0 : i32
        %parallel_loop3A_117 = arith.index_cast %parallel_loop3A_115 : i32 to index
        %parallel_loop3A_118 = arith.index_cast %parallel_loop3A_116 : i32 to index
        %parallel_loop3A_119 = arith.index_cast %parallel_loop3A_109 : i32 to index
        %parallel_loop3A_120 = tpu.vector_load %arg13[%parallel_loop3A_117, %parallel_loop3A_118, %parallel_loop3A_119] {strides = array<i32>} : memref<4x16x256xf32, #tpu.memory_space<vmem>>, vector<16xf32>,
        %parallel_loop3A_121 = arith.addf %parallel_loop3A_114, %parallel_loop3A_120 : vector<16xf32>
        %parallel_loop3A_122 = arith.constant 0 : i32
        %parallel_loop3A_123 = arith.constant 1 : i32
        %parallel_loop3A_124 = arith.index_cast %parallel_loop3A_122 : i32 to index
        %parallel_loop3A_125 = arith.index_cast %parallel_loop3A_123 : i32 to index
        %parallel_loop3A_126 = arith.index_cast %parallel_loop3A_109 : i32 to index
        %parallel_loop3A_127 = tpu.vector_load %arg13[%parallel_loop3A_124, %parallel_loop3A_125, %parallel_loop3A_126] {strides = array<i32>} : memref<4x16x256xf32, #tpu.memory_space<vmem>>, vector<16xf32>,
        %parallel_loop3A_128 = arith.addf %parallel_loop3A_121, %parallel_loop3A_127 : vector<16xf32>
        %parallel_loop3A_129 = arith.constant 0 : i32
        %parallel_loop3A_130 = arith.constant 2 : i32
        %parallel_loop3A_131 = arith.index_cast %parallel_loop3A_129 : i32 to index
        %parallel_loop3A_132 = arith.index_cast %parallel_loop3A_130 : i32 to index
        %parallel_loop3A_133 = arith.index_cast %parallel_loop3A_109 : i32 to index
        %parallel_loop3A_134 = tpu.vector_load %arg13[%parallel_loop3A_131, %parallel_loop3A_132, %parallel_loop3A_133] {strides = array<i32>} : memref<4x16x256xf32, #tpu.memory_space<vmem>>, vector<16xf32>,
        %parallel_loop3A_135 = arith.addf %parallel_loop3A_128, %parallel_loop3A_134 : vector<16xf32>
        %parallel_loop3A_136 = arith.constant 0 : i32
        %parallel_loop3A_137 = arith.constant 3 : i32
        %parallel_loop3A_138 = arith.index_cast %parallel_loop3A_136 : i32 to index
        %parallel_loop3A_139 = arith.index_cast %parallel_loop3A_137 : i32 to index
        %parallel_loop3A_140 = arith.index_cast %parallel_loop3A_109 : i32 to index
        %parallel_loop3A_141 = tpu.vector_load %arg13[%parallel_loop3A_138, %parallel_loop3A_139, %parallel_loop3A_140] {strides = array<i32>} : memref<4x16x256xf32, #tpu.memory_space<vmem>>, vector<16xf32>,
        %parallel_loop3A_142 = arith.addf %parallel_loop3A_135, %parallel_loop3A_141 : vector<16xf32>
        %parallel_loop3A_143 = arith.constant 0 : i32
        %parallel_loop3A_144 = arith.constant 4 : i32
        %parallel_loop3A_145 = arith.index_cast %parallel_loop3A_143 : i32 to index
        %parallel_loop3A_146 = arith.index_cast %parallel_loop3A_144 : i32 to index
        %parallel_loop3A_147 = arith.index_cast %parallel_loop3A_109 : i32 to index
        %parallel_loop3A_148 = tpu.vector_load %arg13[%parallel_loop3A_145, %parallel_loop3A_146, %parallel_loop3A_147] {strides = array<i32>} : memref<4x16x256xf32, #tpu.memory_space<vmem>>, vector<16xf32>,
        %parallel_loop3A_149 = arith.addf %parallel_loop3A_142, %parallel_loop3A_148 : vector<16xf32>
        %parallel_loop3A_150 = arith.constant 0 : i32
        %parallel_loop3A_151 = arith.constant 5 : i32
        %parallel_loop3A_152 = arith.index_cast %parallel_loop3A_150 : i32 to index
        %parallel_loop3A_153 = arith.index_cast %parallel_loop3A_151 : i32 to index
        %parallel_loop3A_154 = arith.index_cast %parallel_loop3A_109 : i32 to index
        %parallel_loop3A_155 = tpu.vector_load %arg13[%parallel_loop3A_152, %parallel_loop3A_153, %parallel_loop3A_154] {strides = array<i32>} : memref<4x16x256xf32, #tpu.memory_space<vmem>>, vector<16xf32>,
        %parallel_loop3A_156 = arith.addf %parallel_loop3A_149, %parallel_loop3A_155 : vector<16xf32>
        %parallel_loop3A_157 = arith.constant 0 : i32
        %parallel_loop3A_158 = arith.constant 6 : i32
        %parallel_loop3A_159 = arith.index_cast %parallel_loop3A_157 : i32 to index
        %parallel_loop3A_160 = arith.index_cast %parallel_loop3A_158 : i32 to index
        %parallel_loop3A_161 = arith.index_cast %parallel_loop3A_109 : i32 to index
        %parallel_loop3A_162 = tpu.vector_load %arg13[%parallel_loop3A_159, %parallel_loop3A_160, %parallel_loop3A_161] {strides = array<i32>} : memref<4x16x256xf32, #tpu.memory_space<vmem>>, vector<16xf32>,
        %parallel_loop3A_163 = arith.addf %parallel_loop3A_156, %parallel_loop3A_162 : vector<16xf32>
        %parallel_loop3A_164 = arith.constant 0 : i32
        %parallel_loop3A_165 = arith.constant 7 : i32
        %parallel_loop3A_166 = arith.index_cast %parallel_loop3A_164 : i32 to index
        %parallel_loop3A_167 = arith.index_cast %parallel_loop3A_165 : i32 to index
        %parallel_loop3A_168 = arith.index_cast %parallel_loop3A_109 : i32 to index
        %parallel_loop3A_169 = tpu.vector_load %arg13[%parallel_loop3A_166, %parallel_loop3A_167, %parallel_loop3A_168] {strides = array<i32>} : memref<4x16x256xf32, #tpu.memory_space<vmem>>, vector<16xf32>,
        %parallel_loop3A_170 = arith.addf %parallel_loop3A_163, %parallel_loop3A_169 : vector<16xf32>
        %parallel_loop3A_171 = arith.constant 0 : i32
        %parallel_loop3A_172 = arith.constant 8 : i32
        %parallel_loop3A_173 = arith.index_cast %parallel_loop3A_171 : i32 to index
        %parallel_loop3A_174 = arith.index_cast %parallel_loop3A_172 : i32 to index
        %parallel_loop3A_175 = arith.index_cast %parallel_loop3A_109 : i32 to index
        %parallel_loop3A_176 = tpu.vector_load %arg13[%parallel_loop3A_173, %parallel_loop3A_174, %parallel_loop3A_175] {strides = array<i32>} : memref<4x16x256xf32, #tpu.memory_space<vmem>>, vector<16xf32>,
        %parallel_loop3A_177 = arith.addf %parallel_loop3A_170, %parallel_loop3A_176 : vector<16xf32>
        %parallel_loop3A_178 = arith.constant 0 : i32
        %parallel_loop3A_179 = arith.constant 9 : i32
        %parallel_loop3A_180 = arith.index_cast %parallel_loop3A_178 : i32 to index
        %parallel_loop3A_181 = arith.index_cast %parallel_loop3A_179 : i32 to index
        %parallel_loop3A_182 = arith.index_cast %parallel_loop3A_109 : i32 to index
        %parallel_loop3A_183 = tpu.vector_load %arg13[%parallel_loop3A_180, %parallel_loop3A_181, %parallel_loop3A_182] {strides = array<i32>} : memref<4x16x256xf32, #tpu.memory_space<vmem>>, vector<16xf32>,
        %parallel_loop3A_184 = arith.addf %parallel_loop3A_177, %parallel_loop3A_183 : vector<16xf32>
        %parallel_loop3A_185 = arith.constant 0 : i32
        %parallel_loop3A_186 = arith.constant 10 : i32
        %parallel_loop3A_187 = arith.index_cast %parallel_loop3A_185 : i32 to index
        %parallel_loop3A_188 = arith.index_cast %parallel_loop3A_186 : i32 to index
        %parallel_loop3A_189 = arith.index_cast %parallel_loop3A_109 : i32 to index
        %parallel_loop3A_190 = tpu.vector_load %arg13[%parallel_loop3A_187, %parallel_loop3A_188, %parallel_loop3A_189] {strides = array<i32>} : memref<4x16x256xf32, #tpu.memory_space<vmem>>, vector<16xf32>,
        %parallel_loop3A_191 = arith.addf %parallel_loop3A_184, %parallel_loop3A_190 : vector<16xf32>
        %parallel_loop3A_192 = arith.constant 0 : i32
        %parallel_loop3A_193 = arith.constant 11 : i32
        %parallel_loop3A_194 = arith.index_cast %parallel_loop3A_192 : i32 to index
        %parallel_loop3A_195 = arith.index_cast %parallel_loop3A_193 : i32 to index
        %parallel_loop3A_196 = arith.index_cast %parallel_loop3A_109 : i32 to index
        %parallel_loop3A_197 = tpu.vector_load %arg13[%parallel_loop3A_194, %parallel_loop3A_195, %parallel_loop3A_196] {strides = array<i32>} : memref<4x16x256xf32, #tpu.memory_space<vmem>>, vector<16xf32>,
        %parallel_loop3A_198 = arith.addf %parallel_loop3A_191, %parallel_loop3A_197 : vector<16xf32>
        %parallel_loop3A_199 = arith.constant 0 : i32
        %parallel_loop3A_200 = arith.constant 12 : i32
        %parallel_loop3A_201 = arith.index_cast %parallel_loop3A_199 : i32 to index
        %parallel_loop3A_202 = arith.index_cast %parallel_loop3A_200 : i32 to index
        %parallel_loop3A_203 = arith.index_cast %parallel_loop3A_109 : i32 to index
        %parallel_loop3A_204 = tpu.vector_load %arg13[%parallel_loop3A_201, %parallel_loop3A_202, %parallel_loop3A_203] {strides = array<i32>} : memref<4x16x256xf32, #tpu.memory_space<vmem>>, vector<16xf32>,
        %parallel_loop3A_205 = arith.addf %parallel_loop3A_198, %parallel_loop3A_204 : vector<16xf32>
        %parallel_loop3A_206 = arith.constant 0 : i32
        %parallel_loop3A_207 = arith.constant 13 : i32
        %parallel_loop3A_208 = arith.index_cast %parallel_loop3A_206 : i32 to index
        %parallel_loop3A_209 = arith.index_cast %parallel_loop3A_207 : i32 to index
        %parallel_loop3A_210 = arith.index_cast %parallel_loop3A_109 : i32 to index
        %parallel_loop3A_211 = tpu.vector_load %arg13[%parallel_loop3A_208, %parallel_loop3A_209, %parallel_loop3A_210] {strides = array<i32>} : memref<4x16x256xf32, #tpu.memory_space<vmem>>, vector<16xf32>,
        %parallel_loop3A_212 = arith.addf %parallel_loop3A_205, %parallel_loop3A_211 : vector<16xf32>
        %parallel_loop3A_213 = arith.constant 0 : i32
        %parallel_loop3A_214 = arith.constant 14 : i32
        %parallel_loop3A_215 = arith.index_cast %parallel_loop3A_213 : i32 to index
        %parallel_loop3A_216 = arith.index_cast %parallel_loop3A_214 : i32 to index
        %parallel_loop3A_217 = arith.index_cast %parallel_loop3A_109 : i32 to index
        %parallel_loop3A_218 = tpu.vector_load %arg13[%parallel_loop3A_215, %parallel_loop3A_216, %parallel_loop3A_217] {strides = array<i32>} : memref<4x16x256xf32, #tpu.memory_space<vmem>>, vector<16xf32>,
        %parallel_loop3A_219 = arith.addf %parallel_loop3A_212, %parallel_loop3A_218 : vector<16xf32>
        %parallel_loop3A_220 = arith.constant 0 : i32
        %parallel_loop3A_221 = arith.constant 15 : i32
        %parallel_loop3A_222 = arith.index_cast %parallel_loop3A_220 : i32 to index
        %parallel_loop3A_223 = arith.index_cast %parallel_loop3A_221 : i32 to index
        %parallel_loop3A_224 = arith.index_cast %parallel_loop3A_109 : i32 to index
        %parallel_loop3A_225 = tpu.vector_load %arg13[%parallel_loop3A_222, %parallel_loop3A_223, %parallel_loop3A_224] {strides = array<i32>} : memref<4x16x256xf32, #tpu.memory_space<vmem>>, vector<16xf32>,
        %parallel_loop3A_226 = arith.addf %parallel_loop3A_219, %parallel_loop3A_225 : vector<16xf32>
        %parallel_loop3A_227 = arith.constant 256 : i32
        %parallel_loop3A_228 = arith.muli %arg1, %parallel_loop3A_227 : i32
        %parallel_loop3A_229 = arith.addi %parallel_loop3A_228, %parallel_loop3A_109 : i32
        %parallel_loop3A_230 = arith.constant 0 : i32
        %parallel_loop3A_231 = arith.index_cast %parallel_loop3A_230 : i32 to index
        %parallel_loop3A_232 = arith.index_cast %parallel_loop3A_229 : i32 to index
        %parallel_loop3A_233 = tpu.vector_load %arg11[%parallel_loop3A_231, %parallel_loop3A_232] {strides = array<i32>} : memref<4x4096xf32, #tpu.memory_space<vmem>>, vector<16xf32>,
        %parallel_loop3A_234 = arith.constant 2.000000e+00 : f32
        %parallel_loop3A_235 = vector.broadcast %parallel_loop3A_234 : f32 to vector<16xf32>
        %parallel_loop3A_236 = arith.mulf %parallel_loop3A_226, %parallel_loop3A_235 : vector<16xf32>
        %parallel_loop3A_237 = math.exp %parallel_loop3A_236 : vector<16xf32>
        %parallel_loop3A_238 = arith.constant 1.000000e+00 : f32
        %parallel_loop3A_239 = vector.broadcast %parallel_loop3A_238 : f32 to vector<16xf32>
        %parallel_loop3A_240 = arith.addf %parallel_loop3A_237, %parallel_loop3A_239 : vector<16xf32>
        %parallel_loop3A_241 = arith.constant 2.000000e+00 : f32
        %parallel_loop3A_242 = vector.broadcast %parallel_loop3A_241 : f32 to vector<16xf32>
        %parallel_loop3A_243 = arith.divf %parallel_loop3A_242, %parallel_loop3A_240 : vector<16xf32>
        %parallel_loop3A_244 = arith.constant 1.000000e+00 : f32
        %parallel_loop3A_245 = vector.broadcast %parallel_loop3A_244 : f32 to vector<16xf32>
        %parallel_loop3A_246 = arith.subf %parallel_loop3A_245, %parallel_loop3A_243 : vector<16xf32>
        %parallel_loop3A_247 = arith.constant 0.699999988 : f32
        %parallel_loop3A_248 = vector.broadcast %parallel_loop3A_247 : f32 to vector<16xf32>
        %parallel_loop3A_249 = arith.mulf %parallel_loop3A_248, %parallel_loop3A_233 : vector<16xf32>
        %parallel_loop3A_250 = arith.constant 3.000000e-01 : f32
        %parallel_loop3A_251 = vector.broadcast %parallel_loop3A_250 : f32 to vector<16xf32>
        %parallel_loop3A_252 = arith.mulf %parallel_loop3A_251, %parallel_loop3A_246 : vector<16xf32>
        %parallel_loop3A_253 = arith.addf %parallel_loop3A_249, %parallel_loop3A_252 : vector<16xf32>
        %parallel_loop3A_254 = arith.constant 0 : i32
        %parallel_loop3A_255 = arith.index_cast %parallel_loop3A_254 : i32 to index
        %parallel_loop3A_256 = arith.index_cast %parallel_loop3A_109 : i32 to index
        %parallel_loop3A_257 = tpu.vector_load %arg15[%parallel_loop3A_255, %parallel_loop3A_256] {strides = array<i32>} : memref<4x256xf32, #tpu.memory_space<vmem>>, vector<16xf32>,
        tpu.vector_store %arg15[%parallel_loop3A_255, %parallel_loop3A_256], %parallel_loop3A_253 {strides = array<i32>} : memref<4x256xf32, #tpu.memory_space<vmem>>, vector<16xf32>,
      } {sc.loop_unroll_factor = 1 : i64, sc.parallel_access}
      %parallel_loop3A_85 = arith.constant 0 : i32
      %parallel_loop3A_86 = arith.constant 256 : i32
      %parallel_loop3A_87 = arith.constant 16 : i32
      scf.for %parallel_loop3A_109 = %parallel_loop3A_85 to %parallel_loop3A_86 step %parallel_loop3A_87  : i32 {
        %parallel_loop3A_110 = arith.constant 1 : i32
        %parallel_loop3A_111 = arith.index_cast %add3A_38 : i32 to index
        %parallel_loop3A_112 = arith.index_cast %parallel_loop3A_110 : i32 to index
        %parallel_loop3A_113 = arith.index_cast %parallel_loop3A_109 : i32 to index
        %parallel_loop3A_114 = tpu.vector_load %arg14[%parallel_loop3A_111, %parallel_loop3A_112, %parallel_loop3A_113] {strides = array<i32>} : memref<16x4x256xf32, #tpu.memory_space<vmem>>, vector<16xf32>,
        %parallel_loop3A_115 = arith.constant 1 : i32
        %parallel_loop3A_116 = arith.constant 0 : i32
        %parallel_loop3A_117 = arith.index_cast %parallel_loop3A_115 : i32 to index
        %parallel_loop3A_118 = arith.index_cast %parallel_loop3A_116 : i32 to index
        %parallel_loop3A_119 = arith.index_cast %parallel_loop3A_109 : i32 to index
        %parallel_loop3A_120 = tpu.vector_load %arg13[%parallel_loop3A_117, %parallel_loop3A_118, %parallel_loop3A_119] {strides = array<i32>} : memref<4x16x256xf32, #tpu.memory_space<vmem>>, vector<16xf32>,
        %parallel_loop3A_121 = arith.addf %parallel_loop3A_114, %parallel_loop3A_120 : vector<16xf32>
        %parallel_loop3A_122 = arith.constant 1 : i32
        %parallel_loop3A_123 = arith.constant 1 : i32
        %parallel_loop3A_124 = arith.index_cast %parallel_loop3A_122 : i32 to index
        %parallel_loop3A_125 = arith.index_cast %parallel_loop3A_123 : i32 to index
        %parallel_loop3A_126 = arith.index_cast %parallel_loop3A_109 : i32 to index
        %parallel_loop3A_127 = tpu.vector_load %arg13[%parallel_loop3A_124, %parallel_loop3A_125, %parallel_loop3A_126] {strides = array<i32>} : memref<4x16x256xf32, #tpu.memory_space<vmem>>, vector<16xf32>,
        %parallel_loop3A_128 = arith.addf %parallel_loop3A_121, %parallel_loop3A_127 : vector<16xf32>
        %parallel_loop3A_129 = arith.constant 1 : i32
        %parallel_loop3A_130 = arith.constant 2 : i32
        %parallel_loop3A_131 = arith.index_cast %parallel_loop3A_129 : i32 to index
        %parallel_loop3A_132 = arith.index_cast %parallel_loop3A_130 : i32 to index
        %parallel_loop3A_133 = arith.index_cast %parallel_loop3A_109 : i32 to index
        %parallel_loop3A_134 = tpu.vector_load %arg13[%parallel_loop3A_131, %parallel_loop3A_132, %parallel_loop3A_133] {strides = array<i32>} : memref<4x16x256xf32, #tpu.memory_space<vmem>>, vector<16xf32>,
        %parallel_loop3A_135 = arith.addf %parallel_loop3A_128, %parallel_loop3A_134 : vector<16xf32>
        %parallel_loop3A_136 = arith.constant 1 : i32
        %parallel_loop3A_137 = arith.constant 3 : i32
        %parallel_loop3A_138 = arith.index_cast %parallel_loop3A_136 : i32 to index
        %parallel_loop3A_139 = arith.index_cast %parallel_loop3A_137 : i32 to index
        %parallel_loop3A_140 = arith.index_cast %parallel_loop3A_109 : i32 to index
        %parallel_loop3A_141 = tpu.vector_load %arg13[%parallel_loop3A_138, %parallel_loop3A_139, %parallel_loop3A_140] {strides = array<i32>} : memref<4x16x256xf32, #tpu.memory_space<vmem>>, vector<16xf32>,
        %parallel_loop3A_142 = arith.addf %parallel_loop3A_135, %parallel_loop3A_141 : vector<16xf32>
        %parallel_loop3A_143 = arith.constant 1 : i32
        %parallel_loop3A_144 = arith.constant 4 : i32
        %parallel_loop3A_145 = arith.index_cast %parallel_loop3A_143 : i32 to index
        %parallel_loop3A_146 = arith.index_cast %parallel_loop3A_144 : i32 to index
        %parallel_loop3A_147 = arith.index_cast %parallel_loop3A_109 : i32 to index
        %parallel_loop3A_148 = tpu.vector_load %arg13[%parallel_loop3A_145, %parallel_loop3A_146, %parallel_loop3A_147] {strides = array<i32>} : memref<4x16x256xf32, #tpu.memory_space<vmem>>, vector<16xf32>,
        %parallel_loop3A_149 = arith.addf %parallel_loop3A_142, %parallel_loop3A_148 : vector<16xf32>
        %parallel_loop3A_150 = arith.constant 1 : i32
        %parallel_loop3A_151 = arith.constant 5 : i32
        %parallel_loop3A_152 = arith.index_cast %parallel_loop3A_150 : i32 to index
        %parallel_loop3A_153 = arith.index_cast %parallel_loop3A_151 : i32 to index
        %parallel_loop3A_154 = arith.index_cast %parallel_loop3A_109 : i32 to index
        %parallel_loop3A_155 = tpu.vector_load %arg13[%parallel_loop3A_152, %parallel_loop3A_153, %parallel_loop3A_154] {strides = array<i32>} : memref<4x16x256xf32, #tpu.memory_space<vmem>>, vector<16xf32>,
        %parallel_loop3A_156 = arith.addf %parallel_loop3A_149, %parallel_loop3A_155 : vector<16xf32>
        %parallel_loop3A_157 = arith.constant 1 : i32
        %parallel_loop3A_158 = arith.constant 6 : i32
        %parallel_loop3A_159 = arith.index_cast %parallel_loop3A_157 : i32 to index
        %parallel_loop3A_160 = arith.index_cast %parallel_loop3A_158 : i32 to index
        %parallel_loop3A_161 = arith.index_cast %parallel_loop3A_109 : i32 to index
        %parallel_loop3A_162 = tpu.vector_load %arg13[%parallel_loop3A_159, %parallel_loop3A_160, %parallel_loop3A_161] {strides = array<i32>} : memref<4x16x256xf32, #tpu.memory_space<vmem>>, vector<16xf32>,
        %parallel_loop3A_163 = arith.addf %parallel_loop3A_156, %parallel_loop3A_162 : vector<16xf32>
        %parallel_loop3A_164 = arith.constant 1 : i32
        %parallel_loop3A_165 = arith.constant 7 : i32
        %parallel_loop3A_166 = arith.index_cast %parallel_loop3A_164 : i32 to index
        %parallel_loop3A_167 = arith.index_cast %parallel_loop3A_165 : i32 to index
        %parallel_loop3A_168 = arith.index_cast %parallel_loop3A_109 : i32 to index
        %parallel_loop3A_169 = tpu.vector_load %arg13[%parallel_loop3A_166, %parallel_loop3A_167, %parallel_loop3A_168] {strides = array<i32>} : memref<4x16x256xf32, #tpu.memory_space<vmem>>, vector<16xf32>,
        %parallel_loop3A_170 = arith.addf %parallel_loop3A_163, %parallel_loop3A_169 : vector<16xf32>
        %parallel_loop3A_171 = arith.constant 1 : i32
        %parallel_loop3A_172 = arith.constant 8 : i32
        %parallel_loop3A_173 = arith.index_cast %parallel_loop3A_171 : i32 to index
        %parallel_loop3A_174 = arith.index_cast %parallel_loop3A_172 : i32 to index
        %parallel_loop3A_175 = arith.index_cast %parallel_loop3A_109 : i32 to index
        %parallel_loop3A_176 = tpu.vector_load %arg13[%parallel_loop3A_173, %parallel_loop3A_174, %parallel_loop3A_175] {strides = array<i32>} : memref<4x16x256xf32, #tpu.memory_space<vmem>>, vector<16xf32>,
        %parallel_loop3A_177 = arith.addf %parallel_loop3A_170, %parallel_loop3A_176 : vector<16xf32>
        %parallel_loop3A_178 = arith.constant 1 : i32
        %parallel_loop3A_179 = arith.constant 9 : i32
        %parallel_loop3A_180 = arith.index_cast %parallel_loop3A_178 : i32 to index
        %parallel_loop3A_181 = arith.index_cast %parallel_loop3A_179 : i32 to index
        %parallel_loop3A_182 = arith.index_cast %parallel_loop3A_109 : i32 to index
        %parallel_loop3A_183 = tpu.vector_load %arg13[%parallel_loop3A_180, %parallel_loop3A_181, %parallel_loop3A_182] {strides = array<i32>} : memref<4x16x256xf32, #tpu.memory_space<vmem>>, vector<16xf32>,
        %parallel_loop3A_184 = arith.addf %parallel_loop3A_177, %parallel_loop3A_183 : vector<16xf32>
        %parallel_loop3A_185 = arith.constant 1 : i32
        %parallel_loop3A_186 = arith.constant 10 : i32
        %parallel_loop3A_187 = arith.index_cast %parallel_loop3A_185 : i32 to index
        %parallel_loop3A_188 = arith.index_cast %parallel_loop3A_186 : i32 to index
        %parallel_loop3A_189 = arith.index_cast %parallel_loop3A_109 : i32 to index
        %parallel_loop3A_190 = tpu.vector_load %arg13[%parallel_loop3A_187, %parallel_loop3A_188, %parallel_loop3A_189] {strides = array<i32>} : memref<4x16x256xf32, #tpu.memory_space<vmem>>, vector<16xf32>,
        %parallel_loop3A_191 = arith.addf %parallel_loop3A_184, %parallel_loop3A_190 : vector<16xf32>
        %parallel_loop3A_192 = arith.constant 1 : i32
        %parallel_loop3A_193 = arith.constant 11 : i32
        %parallel_loop3A_194 = arith.index_cast %parallel_loop3A_192 : i32 to index
        %parallel_loop3A_195 = arith.index_cast %parallel_loop3A_193 : i32 to index
        %parallel_loop3A_196 = arith.index_cast %parallel_loop3A_109 : i32 to index
        %parallel_loop3A_197 = tpu.vector_load %arg13[%parallel_loop3A_194, %parallel_loop3A_195, %parallel_loop3A_196] {strides = array<i32>} : memref<4x16x256xf32, #tpu.memory_space<vmem>>, vector<16xf32>,
        %parallel_loop3A_198 = arith.addf %parallel_loop3A_191, %parallel_loop3A_197 : vector<16xf32>
        %parallel_loop3A_199 = arith.constant 1 : i32
        %parallel_loop3A_200 = arith.constant 12 : i32
        %parallel_loop3A_201 = arith.index_cast %parallel_loop3A_199 : i32 to index
        %parallel_loop3A_202 = arith.index_cast %parallel_loop3A_200 : i32 to index
        %parallel_loop3A_203 = arith.index_cast %parallel_loop3A_109 : i32 to index
        %parallel_loop3A_204 = tpu.vector_load %arg13[%parallel_loop3A_201, %parallel_loop3A_202, %parallel_loop3A_203] {strides = array<i32>} : memref<4x16x256xf32, #tpu.memory_space<vmem>>, vector<16xf32>,
        %parallel_loop3A_205 = arith.addf %parallel_loop3A_198, %parallel_loop3A_204 : vector<16xf32>
        %parallel_loop3A_206 = arith.constant 1 : i32
        %parallel_loop3A_207 = arith.constant 13 : i32
        %parallel_loop3A_208 = arith.index_cast %parallel_loop3A_206 : i32 to index
        %parallel_loop3A_209 = arith.index_cast %parallel_loop3A_207 : i32 to index
        %parallel_loop3A_210 = arith.index_cast %parallel_loop3A_109 : i32 to index
        %parallel_loop3A_211 = tpu.vector_load %arg13[%parallel_loop3A_208, %parallel_loop3A_209, %parallel_loop3A_210] {strides = array<i32>} : memref<4x16x256xf32, #tpu.memory_space<vmem>>, vector<16xf32>,
        %parallel_loop3A_212 = arith.addf %parallel_loop3A_205, %parallel_loop3A_211 : vector<16xf32>
        %parallel_loop3A_213 = arith.constant 1 : i32
        %parallel_loop3A_214 = arith.constant 14 : i32
        %parallel_loop3A_215 = arith.index_cast %parallel_loop3A_213 : i32 to index
        %parallel_loop3A_216 = arith.index_cast %parallel_loop3A_214 : i32 to index
        %parallel_loop3A_217 = arith.index_cast %parallel_loop3A_109 : i32 to index
        %parallel_loop3A_218 = tpu.vector_load %arg13[%parallel_loop3A_215, %parallel_loop3A_216, %parallel_loop3A_217] {strides = array<i32>} : memref<4x16x256xf32, #tpu.memory_space<vmem>>, vector<16xf32>,
        %parallel_loop3A_219 = arith.addf %parallel_loop3A_212, %parallel_loop3A_218 : vector<16xf32>
        %parallel_loop3A_220 = arith.constant 1 : i32
        %parallel_loop3A_221 = arith.constant 15 : i32
        %parallel_loop3A_222 = arith.index_cast %parallel_loop3A_220 : i32 to index
        %parallel_loop3A_223 = arith.index_cast %parallel_loop3A_221 : i32 to index
        %parallel_loop3A_224 = arith.index_cast %parallel_loop3A_109 : i32 to index
        %parallel_loop3A_225 = tpu.vector_load %arg13[%parallel_loop3A_222, %parallel_loop3A_223, %parallel_loop3A_224] {strides = array<i32>} : memref<4x16x256xf32, #tpu.memory_space<vmem>>, vector<16xf32>,
        %parallel_loop3A_226 = arith.addf %parallel_loop3A_219, %parallel_loop3A_225 : vector<16xf32>
        %parallel_loop3A_227 = arith.constant 256 : i32
        %parallel_loop3A_228 = arith.muli %arg1, %parallel_loop3A_227 : i32
        %parallel_loop3A_229 = arith.addi %parallel_loop3A_228, %parallel_loop3A_109 : i32
        %parallel_loop3A_230 = arith.constant 1 : i32
        %parallel_loop3A_231 = arith.index_cast %parallel_loop3A_230 : i32 to index
        %parallel_loop3A_232 = arith.index_cast %parallel_loop3A_229 : i32 to index
        %parallel_loop3A_233 = tpu.vector_load %arg11[%parallel_loop3A_231, %parallel_loop3A_232] {strides = array<i32>} : memref<4x4096xf32, #tpu.memory_space<vmem>>, vector<16xf32>,
        %parallel_loop3A_234 = arith.constant 2.000000e+00 : f32
        %parallel_loop3A_235 = vector.broadcast %parallel_loop3A_234 : f32 to vector<16xf32>
        %parallel_loop3A_236 = arith.mulf %parallel_loop3A_226, %parallel_loop3A_235 : vector<16xf32>
        %parallel_loop3A_237 = math.exp %parallel_loop3A_236 : vector<16xf32>
        %parallel_loop3A_238 = arith.constant 1.000000e+00 : f32
        %parallel_loop3A_239 = vector.broadcast %parallel_loop3A_238 : f32 to vector<16xf32>
        %parallel_loop3A_240 = arith.addf %parallel_loop3A_237, %parallel_loop3A_239 : vector<16xf32>
        %parallel_loop3A_241 = arith.constant 2.000000e+00 : f32
        %parallel_loop3A_242 = vector.broadcast %parallel_loop3A_241 : f32 to vector<16xf32>
        %parallel_loop3A_243 = arith.divf %parallel_loop3A_242, %parallel_loop3A_240 : vector<16xf32>
        %parallel_loop3A_244 = arith.constant 1.000000e+00 : f32
        %parallel_loop3A_245 = vector.broadcast %parallel_loop3A_244 : f32 to vector<16xf32>
        %parallel_loop3A_246 = arith.subf %parallel_loop3A_245, %parallel_loop3A_243 : vector<16xf32>
        %parallel_loop3A_247 = arith.constant 0.699999988 : f32
        %parallel_loop3A_248 = vector.broadcast %parallel_loop3A_247 : f32 to vector<16xf32>
        %parallel_loop3A_249 = arith.mulf %parallel_loop3A_248, %parallel_loop3A_233 : vector<16xf32>
        %parallel_loop3A_250 = arith.constant 3.000000e-01 : f32
        %parallel_loop3A_251 = vector.broadcast %parallel_loop3A_250 : f32 to vector<16xf32>
        %parallel_loop3A_252 = arith.mulf %parallel_loop3A_251, %parallel_loop3A_246 : vector<16xf32>
        %parallel_loop3A_253 = arith.addf %parallel_loop3A_249, %parallel_loop3A_252 : vector<16xf32>
        %parallel_loop3A_254 = arith.constant 1 : i32
        %parallel_loop3A_255 = arith.index_cast %parallel_loop3A_254 : i32 to index
        %parallel_loop3A_256 = arith.index_cast %parallel_loop3A_109 : i32 to index
        %parallel_loop3A_257 = tpu.vector_load %arg15[%parallel_loop3A_255, %parallel_loop3A_256] {strides = array<i32>} : memref<4x256xf32, #tpu.memory_space<vmem>>, vector<16xf32>,
        tpu.vector_store %arg15[%parallel_loop3A_255, %parallel_loop3A_256], %parallel_loop3A_253 {strides = array<i32>} : memref<4x256xf32, #tpu.memory_space<vmem>>, vector<16xf32>,
      } {sc.loop_unroll_factor = 1 : i64, sc.parallel_access}
      %parallel_loop3A_88 = arith.constant 0 : i32
      %parallel_loop3A_89 = arith.constant 256 : i32
      %parallel_loop3A_90 = arith.constant 16 : i32
      scf.for %parallel_loop3A_109 = %parallel_loop3A_88 to %parallel_loop3A_89 step %parallel_loop3A_90  : i32 {
        %parallel_loop3A_110 = arith.constant 2 : i32
        %parallel_loop3A_111 = arith.index_cast %add3A_38 : i32 to index
        %parallel_loop3A_112 = arith.index_cast %parallel_loop3A_110 : i32 to index
        %parallel_loop3A_113 = arith.index_cast %parallel_loop3A_109 : i32 to index
        %parallel_loop3A_114 = tpu.vector_load %arg14[%parallel_loop3A_111, %parallel_loop3A_112, %parallel_loop3A_113] {strides = array<i32>} : memref<16x4x256xf32, #tpu.memory_space<vmem>>, vector<16xf32>,
        %parallel_loop3A_115 = arith.constant 2 : i32
        %parallel_loop3A_116 = arith.constant 0 : i32
        %parallel_loop3A_117 = arith.index_cast %parallel_loop3A_115 : i32 to index
        %parallel_loop3A_118 = arith.index_cast %parallel_loop3A_116 : i32 to index
        %parallel_loop3A_119 = arith.index_cast %parallel_loop3A_109 : i32 to index
        %parallel_loop3A_120 = tpu.vector_load %arg13[%parallel_loop3A_117, %parallel_loop3A_118, %parallel_loop3A_119] {strides = array<i32>} : memref<4x16x256xf32, #tpu.memory_space<vmem>>, vector<16xf32>,
        %parallel_loop3A_121 = arith.addf %parallel_loop3A_114, %parallel_loop3A_120 : vector<16xf32>
        %parallel_loop3A_122 = arith.constant 2 : i32
        %parallel_loop3A_123 = arith.constant 1 : i32
        %parallel_loop3A_124 = arith.index_cast %parallel_loop3A_122 : i32 to index
        %parallel_loop3A_125 = arith.index_cast %parallel_loop3A_123 : i32 to index
        %parallel_loop3A_126 = arith.index_cast %parallel_loop3A_109 : i32 to index
        %parallel_loop3A_127 = tpu.vector_load %arg13[%parallel_loop3A_124, %parallel_loop3A_125, %parallel_loop3A_126] {strides = array<i32>} : memref<4x16x256xf32, #tpu.memory_space<vmem>>, vector<16xf32>,
        %parallel_loop3A_128 = arith.addf %parallel_loop3A_121, %parallel_loop3A_127 : vector<16xf32>
        %parallel_loop3A_129 = arith.constant 2 : i32
        %parallel_loop3A_130 = arith.constant 2 : i32
        %parallel_loop3A_131 = arith.index_cast %parallel_loop3A_129 : i32 to index
        %parallel_loop3A_132 = arith.index_cast %parallel_loop3A_130 : i32 to index
        %parallel_loop3A_133 = arith.index_cast %parallel_loop3A_109 : i32 to index
        %parallel_loop3A_134 = tpu.vector_load %arg13[%parallel_loop3A_131, %parallel_loop3A_132, %parallel_loop3A_133] {strides = array<i32>} : memref<4x16x256xf32, #tpu.memory_space<vmem>>, vector<16xf32>,
        %parallel_loop3A_135 = arith.addf %parallel_loop3A_128, %parallel_loop3A_134 : vector<16xf32>
        %parallel_loop3A_136 = arith.constant 2 : i32
        %parallel_loop3A_137 = arith.constant 3 : i32
        %parallel_loop3A_138 = arith.index_cast %parallel_loop3A_136 : i32 to index
        %parallel_loop3A_139 = arith.index_cast %parallel_loop3A_137 : i32 to index
        %parallel_loop3A_140 = arith.index_cast %parallel_loop3A_109 : i32 to index
        %parallel_loop3A_141 = tpu.vector_load %arg13[%parallel_loop3A_138, %parallel_loop3A_139, %parallel_loop3A_140] {strides = array<i32>} : memref<4x16x256xf32, #tpu.memory_space<vmem>>, vector<16xf32>,
        %parallel_loop3A_142 = arith.addf %parallel_loop3A_135, %parallel_loop3A_141 : vector<16xf32>
        %parallel_loop3A_143 = arith.constant 2 : i32
        %parallel_loop3A_144 = arith.constant 4 : i32
        %parallel_loop3A_145 = arith.index_cast %parallel_loop3A_143 : i32 to index
        %parallel_loop3A_146 = arith.index_cast %parallel_loop3A_144 : i32 to index
        %parallel_loop3A_147 = arith.index_cast %parallel_loop3A_109 : i32 to index
        %parallel_loop3A_148 = tpu.vector_load %arg13[%parallel_loop3A_145, %parallel_loop3A_146, %parallel_loop3A_147] {strides = array<i32>} : memref<4x16x256xf32, #tpu.memory_space<vmem>>, vector<16xf32>,
        %parallel_loop3A_149 = arith.addf %parallel_loop3A_142, %parallel_loop3A_148 : vector<16xf32>
        %parallel_loop3A_150 = arith.constant 2 : i32
        %parallel_loop3A_151 = arith.constant 5 : i32
        %parallel_loop3A_152 = arith.index_cast %parallel_loop3A_150 : i32 to index
        %parallel_loop3A_153 = arith.index_cast %parallel_loop3A_151 : i32 to index
        %parallel_loop3A_154 = arith.index_cast %parallel_loop3A_109 : i32 to index
        %parallel_loop3A_155 = tpu.vector_load %arg13[%parallel_loop3A_152, %parallel_loop3A_153, %parallel_loop3A_154] {strides = array<i32>} : memref<4x16x256xf32, #tpu.memory_space<vmem>>, vector<16xf32>,
        %parallel_loop3A_156 = arith.addf %parallel_loop3A_149, %parallel_loop3A_155 : vector<16xf32>
        %parallel_loop3A_157 = arith.constant 2 : i32
        %parallel_loop3A_158 = arith.constant 6 : i32
        %parallel_loop3A_159 = arith.index_cast %parallel_loop3A_157 : i32 to index
        %parallel_loop3A_160 = arith.index_cast %parallel_loop3A_158 : i32 to index
        %parallel_loop3A_161 = arith.index_cast %parallel_loop3A_109 : i32 to index
        %parallel_loop3A_162 = tpu.vector_load %arg13[%parallel_loop3A_159, %parallel_loop3A_160, %parallel_loop3A_161] {strides = array<i32>} : memref<4x16x256xf32, #tpu.memory_space<vmem>>, vector<16xf32>,
        %parallel_loop3A_163 = arith.addf %parallel_loop3A_156, %parallel_loop3A_162 : vector<16xf32>
        %parallel_loop3A_164 = arith.constant 2 : i32
        %parallel_loop3A_165 = arith.constant 7 : i32
        %parallel_loop3A_166 = arith.index_cast %parallel_loop3A_164 : i32 to index
        %parallel_loop3A_167 = arith.index_cast %parallel_loop3A_165 : i32 to index
        %parallel_loop3A_168 = arith.index_cast %parallel_loop3A_109 : i32 to index
        %parallel_loop3A_169 = tpu.vector_load %arg13[%parallel_loop3A_166, %parallel_loop3A_167, %parallel_loop3A_168] {strides = array<i32>} : memref<4x16x256xf32, #tpu.memory_space<vmem>>, vector<16xf32>,
        %parallel_loop3A_170 = arith.addf %parallel_loop3A_163, %parallel_loop3A_169 : vector<16xf32>
        %parallel_loop3A_171 = arith.constant 2 : i32
        %parallel_loop3A_172 = arith.constant 8 : i32
        %parallel_loop3A_173 = arith.index_cast %parallel_loop3A_171 : i32 to index
        %parallel_loop3A_174 = arith.index_cast %parallel_loop3A_172 : i32 to index
        %parallel_loop3A_175 = arith.index_cast %parallel_loop3A_109 : i32 to index
        %parallel_loop3A_176 = tpu.vector_load %arg13[%parallel_loop3A_173, %parallel_loop3A_174, %parallel_loop3A_175] {strides = array<i32>} : memref<4x16x256xf32, #tpu.memory_space<vmem>>, vector<16xf32>,
        %parallel_loop3A_177 = arith.addf %parallel_loop3A_170, %parallel_loop3A_176 : vector<16xf32>
        %parallel_loop3A_178 = arith.constant 2 : i32
        %parallel_loop3A_179 = arith.constant 9 : i32
        %parallel_loop3A_180 = arith.index_cast %parallel_loop3A_178 : i32 to index
        %parallel_loop3A_181 = arith.index_cast %parallel_loop3A_179 : i32 to index
        %parallel_loop3A_182 = arith.index_cast %parallel_loop3A_109 : i32 to index
        %parallel_loop3A_183 = tpu.vector_load %arg13[%parallel_loop3A_180, %parallel_loop3A_181, %parallel_loop3A_182] {strides = array<i32>} : memref<4x16x256xf32, #tpu.memory_space<vmem>>, vector<16xf32>,
        %parallel_loop3A_184 = arith.addf %parallel_loop3A_177, %parallel_loop3A_183 : vector<16xf32>
        %parallel_loop3A_185 = arith.constant 2 : i32
        %parallel_loop3A_186 = arith.constant 10 : i32
        %parallel_loop3A_187 = arith.index_cast %parallel_loop3A_185 : i32 to index
        %parallel_loop3A_188 = arith.index_cast %parallel_loop3A_186 : i32 to index
        %parallel_loop3A_189 = arith.index_cast %parallel_loop3A_109 : i32 to index
        %parallel_loop3A_190 = tpu.vector_load %arg13[%parallel_loop3A_187, %parallel_loop3A_188, %parallel_loop3A_189] {strides = array<i32>} : memref<4x16x256xf32, #tpu.memory_space<vmem>>, vector<16xf32>,
        %parallel_loop3A_191 = arith.addf %parallel_loop3A_184, %parallel_loop3A_190 : vector<16xf32>
        %parallel_loop3A_192 = arith.constant 2 : i32
        %parallel_loop3A_193 = arith.constant 11 : i32
        %parallel_loop3A_194 = arith.index_cast %parallel_loop3A_192 : i32 to index
        %parallel_loop3A_195 = arith.index_cast %parallel_loop3A_193 : i32 to index
        %parallel_loop3A_196 = arith.index_cast %parallel_loop3A_109 : i32 to index
        %parallel_loop3A_197 = tpu.vector_load %arg13[%parallel_loop3A_194, %parallel_loop3A_195, %parallel_loop3A_196] {strides = array<i32>} : memref<4x16x256xf32, #tpu.memory_space<vmem>>, vector<16xf32>,
        %parallel_loop3A_198 = arith.addf %parallel_loop3A_191, %parallel_loop3A_197 : vector<16xf32>
        %parallel_loop3A_199 = arith.constant 2 : i32
        %parallel_loop3A_200 = arith.constant 12 : i32
        %parallel_loop3A_201 = arith.index_cast %parallel_loop3A_199 : i32 to index
        %parallel_loop3A_202 = arith.index_cast %parallel_loop3A_200 : i32 to index
        %parallel_loop3A_203 = arith.index_cast %parallel_loop3A_109 : i32 to index
        %parallel_loop3A_204 = tpu.vector_load %arg13[%parallel_loop3A_201, %parallel_loop3A_202, %parallel_loop3A_203] {strides = array<i32>} : memref<4x16x256xf32, #tpu.memory_space<vmem>>, vector<16xf32>,
        %parallel_loop3A_205 = arith.addf %parallel_loop3A_198, %parallel_loop3A_204 : vector<16xf32>
        %parallel_loop3A_206 = arith.constant 2 : i32
        %parallel_loop3A_207 = arith.constant 13 : i32
        %parallel_loop3A_208 = arith.index_cast %parallel_loop3A_206 : i32 to index
        %parallel_loop3A_209 = arith.index_cast %parallel_loop3A_207 : i32 to index
        %parallel_loop3A_210 = arith.index_cast %parallel_loop3A_109 : i32 to index
        %parallel_loop3A_211 = tpu.vector_load %arg13[%parallel_loop3A_208, %parallel_loop3A_209, %parallel_loop3A_210] {strides = array<i32>} : memref<4x16x256xf32, #tpu.memory_space<vmem>>, vector<16xf32>,
        %parallel_loop3A_212 = arith.addf %parallel_loop3A_205, %parallel_loop3A_211 : vector<16xf32>
        %parallel_loop3A_213 = arith.constant 2 : i32
        %parallel_loop3A_214 = arith.constant 14 : i32
        %parallel_loop3A_215 = arith.index_cast %parallel_loop3A_213 : i32 to index
        %parallel_loop3A_216 = arith.index_cast %parallel_loop3A_214 : i32 to index
        %parallel_loop3A_217 = arith.index_cast %parallel_loop3A_109 : i32 to index
        %parallel_loop3A_218 = tpu.vector_load %arg13[%parallel_loop3A_215, %parallel_loop3A_216, %parallel_loop3A_217] {strides = array<i32>} : memref<4x16x256xf32, #tpu.memory_space<vmem>>, vector<16xf32>,
        %parallel_loop3A_219 = arith.addf %parallel_loop3A_212, %parallel_loop3A_218 : vector<16xf32>
        %parallel_loop3A_220 = arith.constant 2 : i32
        %parallel_loop3A_221 = arith.constant 15 : i32
        %parallel_loop3A_222 = arith.index_cast %parallel_loop3A_220 : i32 to index
        %parallel_loop3A_223 = arith.index_cast %parallel_loop3A_221 : i32 to index
        %parallel_loop3A_224 = arith.index_cast %parallel_loop3A_109 : i32 to index
        %parallel_loop3A_225 = tpu.vector_load %arg13[%parallel_loop3A_222, %parallel_loop3A_223, %parallel_loop3A_224] {strides = array<i32>} : memref<4x16x256xf32, #tpu.memory_space<vmem>>, vector<16xf32>,
        %parallel_loop3A_226 = arith.addf %parallel_loop3A_219, %parallel_loop3A_225 : vector<16xf32>
        %parallel_loop3A_227 = arith.constant 256 : i32
        %parallel_loop3A_228 = arith.muli %arg1, %parallel_loop3A_227 : i32
        %parallel_loop3A_229 = arith.addi %parallel_loop3A_228, %parallel_loop3A_109 : i32
        %parallel_loop3A_230 = arith.constant 2 : i32
        %parallel_loop3A_231 = arith.index_cast %parallel_loop3A_230 : i32 to index
        %parallel_loop3A_232 = arith.index_cast %parallel_loop3A_229 : i32 to index
        %parallel_loop3A_233 = tpu.vector_load %arg11[%parallel_loop3A_231, %parallel_loop3A_232] {strides = array<i32>} : memref<4x4096xf32, #tpu.memory_space<vmem>>, vector<16xf32>,
        %parallel_loop3A_234 = arith.constant 2.000000e+00 : f32
        %parallel_loop3A_235 = vector.broadcast %parallel_loop3A_234 : f32 to vector<16xf32>
        %parallel_loop3A_236 = arith.mulf %parallel_loop3A_226, %parallel_loop3A_235 : vector<16xf32>
        %parallel_loop3A_237 = math.exp %parallel_loop3A_236 : vector<16xf32>
        %parallel_loop3A_238 = arith.constant 1.000000e+00 : f32
        %parallel_loop3A_239 = vector.broadcast %parallel_loop3A_238 : f32 to vector<16xf32>
        %parallel_loop3A_240 = arith.addf %parallel_loop3A_237, %parallel_loop3A_239 : vector<16xf32>
        %parallel_loop3A_241 = arith.constant 2.000000e+00 : f32
        %parallel_loop3A_242 = vector.broadcast %parallel_loop3A_241 : f32 to vector<16xf32>
        %parallel_loop3A_243 = arith.divf %parallel_loop3A_242, %parallel_loop3A_240 : vector<16xf32>
        %parallel_loop3A_244 = arith.constant 1.000000e+00 : f32
        %parallel_loop3A_245 = vector.broadcast %parallel_loop3A_244 : f32 to vector<16xf32>
        %parallel_loop3A_246 = arith.subf %parallel_loop3A_245, %parallel_loop3A_243 : vector<16xf32>
        %parallel_loop3A_247 = arith.constant 0.699999988 : f32
        %parallel_loop3A_248 = vector.broadcast %parallel_loop3A_247 : f32 to vector<16xf32>
        %parallel_loop3A_249 = arith.mulf %parallel_loop3A_248, %parallel_loop3A_233 : vector<16xf32>
        %parallel_loop3A_250 = arith.constant 3.000000e-01 : f32
        %parallel_loop3A_251 = vector.broadcast %parallel_loop3A_250 : f32 to vector<16xf32>
        %parallel_loop3A_252 = arith.mulf %parallel_loop3A_251, %parallel_loop3A_246 : vector<16xf32>
        %parallel_loop3A_253 = arith.addf %parallel_loop3A_249, %parallel_loop3A_252 : vector<16xf32>
        %parallel_loop3A_254 = arith.constant 2 : i32
        %parallel_loop3A_255 = arith.index_cast %parallel_loop3A_254 : i32 to index
        %parallel_loop3A_256 = arith.index_cast %parallel_loop3A_109 : i32 to index
        %parallel_loop3A_257 = tpu.vector_load %arg15[%parallel_loop3A_255, %parallel_loop3A_256] {strides = array<i32>} : memref<4x256xf32, #tpu.memory_space<vmem>>, vector<16xf32>,
        tpu.vector_store %arg15[%parallel_loop3A_255, %parallel_loop3A_256], %parallel_loop3A_253 {strides = array<i32>} : memref<4x256xf32, #tpu.memory_space<vmem>>, vector<16xf32>,
      } {sc.loop_unroll_factor = 1 : i64, sc.parallel_access}
      %parallel_loop3A_91 = arith.constant 0 : i32
      %parallel_loop3A_92 = arith.constant 256 : i32
      %parallel_loop3A_93 = arith.constant 16 : i32
      scf.for %parallel_loop3A_109 = %parallel_loop3A_91 to %parallel_loop3A_92 step %parallel_loop3A_93  : i32 {
        %parallel_loop3A_110 = arith.constant 3 : i32
        %parallel_loop3A_111 = arith.index_cast %add3A_38 : i32 to index
        %parallel_loop3A_112 = arith.index_cast %parallel_loop3A_110 : i32 to index
        %parallel_loop3A_113 = arith.index_cast %parallel_loop3A_109 : i32 to index
        %parallel_loop3A_114 = tpu.vector_load %arg14[%parallel_loop3A_111, %parallel_loop3A_112, %parallel_loop3A_113] {strides = array<i32>} : memref<16x4x256xf32, #tpu.memory_space<vmem>>, vector<16xf32>,
        %parallel_loop3A_115 = arith.constant 3 : i32
        %parallel_loop3A_116 = arith.constant 0 : i32
        %parallel_loop3A_117 = arith.index_cast %parallel_loop3A_115 : i32 to index
        %parallel_loop3A_118 = arith.index_cast %parallel_loop3A_116 : i32 to index
        %parallel_loop3A_119 = arith.index_cast %parallel_loop3A_109 : i32 to index
        %parallel_loop3A_120 = tpu.vector_load %arg13[%parallel_loop3A_117, %parallel_loop3A_118, %parallel_loop3A_119] {strides = array<i32>} : memref<4x16x256xf32, #tpu.memory_space<vmem>>, vector<16xf32>,
        %parallel_loop3A_121 = arith.addf %parallel_loop3A_114, %parallel_loop3A_120 : vector<16xf32>
        %parallel_loop3A_122 = arith.constant 3 : i32
        %parallel_loop3A_123 = arith.constant 1 : i32
        %parallel_loop3A_124 = arith.index_cast %parallel_loop3A_122 : i32 to index
        %parallel_loop3A_125 = arith.index_cast %parallel_loop3A_123 : i32 to index
        %parallel_loop3A_126 = arith.index_cast %parallel_loop3A_109 : i32 to index
        %parallel_loop3A_127 = tpu.vector_load %arg13[%parallel_loop3A_124, %parallel_loop3A_125, %parallel_loop3A_126] {strides = array<i32>} : memref<4x16x256xf32, #tpu.memory_space<vmem>>, vector<16xf32>,
        %parallel_loop3A_128 = arith.addf %parallel_loop3A_121, %parallel_loop3A_127 : vector<16xf32>
        %parallel_loop3A_129 = arith.constant 3 : i32
        %parallel_loop3A_130 = arith.constant 2 : i32
        %parallel_loop3A_131 = arith.index_cast %parallel_loop3A_129 : i32 to index
        %parallel_loop3A_132 = arith.index_cast %parallel_loop3A_130 : i32 to index
        %parallel_loop3A_133 = arith.index_cast %parallel_loop3A_109 : i32 to index
        %parallel_loop3A_134 = tpu.vector_load %arg13[%parallel_loop3A_131, %parallel_loop3A_132, %parallel_loop3A_133] {strides = array<i32>} : memref<4x16x256xf32, #tpu.memory_space<vmem>>, vector<16xf32>,
        %parallel_loop3A_135 = arith.addf %parallel_loop3A_128, %parallel_loop3A_134 : vector<16xf32>
        %parallel_loop3A_136 = arith.constant 3 : i32
        %parallel_loop3A_137 = arith.constant 3 : i32
        %parallel_loop3A_138 = arith.index_cast %parallel_loop3A_136 : i32 to index
        %parallel_loop3A_139 = arith.index_cast %parallel_loop3A_137 : i32 to index
        %parallel_loop3A_140 = arith.index_cast %parallel_loop3A_109 : i32 to index
        %parallel_loop3A_141 = tpu.vector_load %arg13[%parallel_loop3A_138, %parallel_loop3A_139, %parallel_loop3A_140] {strides = array<i32>} : memref<4x16x256xf32, #tpu.memory_space<vmem>>, vector<16xf32>,
        %parallel_loop3A_142 = arith.addf %parallel_loop3A_135, %parallel_loop3A_141 : vector<16xf32>
        %parallel_loop3A_143 = arith.constant 3 : i32
        %parallel_loop3A_144 = arith.constant 4 : i32
        %parallel_loop3A_145 = arith.index_cast %parallel_loop3A_143 : i32 to index
        %parallel_loop3A_146 = arith.index_cast %parallel_loop3A_144 : i32 to index
        %parallel_loop3A_147 = arith.index_cast %parallel_loop3A_109 : i32 to index
        %parallel_loop3A_148 = tpu.vector_load %arg13[%parallel_loop3A_145, %parallel_loop3A_146, %parallel_loop3A_147] {strides = array<i32>} : memref<4x16x256xf32, #tpu.memory_space<vmem>>, vector<16xf32>,
        %parallel_loop3A_149 = arith.addf %parallel_loop3A_142, %parallel_loop3A_148 : vector<16xf32>
        %parallel_loop3A_150 = arith.constant 3 : i32
        %parallel_loop3A_151 = arith.constant 5 : i32
        %parallel_loop3A_152 = arith.index_cast %parallel_loop3A_150 : i32 to index
        %parallel_loop3A_153 = arith.index_cast %parallel_loop3A_151 : i32 to index
        %parallel_loop3A_154 = arith.index_cast %parallel_loop3A_109 : i32 to index
        %parallel_loop3A_155 = tpu.vector_load %arg13[%parallel_loop3A_152, %parallel_loop3A_153, %parallel_loop3A_154] {strides = array<i32>} : memref<4x16x256xf32, #tpu.memory_space<vmem>>, vector<16xf32>,
        %parallel_loop3A_156 = arith.addf %parallel_loop3A_149, %parallel_loop3A_155 : vector<16xf32>
        %parallel_loop3A_157 = arith.constant 3 : i32
        %parallel_loop3A_158 = arith.constant 6 : i32
        %parallel_loop3A_159 = arith.index_cast %parallel_loop3A_157 : i32 to index
        %parallel_loop3A_160 = arith.index_cast %parallel_loop3A_158 : i32 to index
        %parallel_loop3A_161 = arith.index_cast %parallel_loop3A_109 : i32 to index
        %parallel_loop3A_162 = tpu.vector_load %arg13[%parallel_loop3A_159, %parallel_loop3A_160, %parallel_loop3A_161] {strides = array<i32>} : memref<4x16x256xf32, #tpu.memory_space<vmem>>, vector<16xf32>,
        %parallel_loop3A_163 = arith.addf %parallel_loop3A_156, %parallel_loop3A_162 : vector<16xf32>
        %parallel_loop3A_164 = arith.constant 3 : i32
        %parallel_loop3A_165 = arith.constant 7 : i32
        %parallel_loop3A_166 = arith.index_cast %parallel_loop3A_164 : i32 to index
        %parallel_loop3A_167 = arith.index_cast %parallel_loop3A_165 : i32 to index
        %parallel_loop3A_168 = arith.index_cast %parallel_loop3A_109 : i32 to index
        %parallel_loop3A_169 = tpu.vector_load %arg13[%parallel_loop3A_166, %parallel_loop3A_167, %parallel_loop3A_168] {strides = array<i32>} : memref<4x16x256xf32, #tpu.memory_space<vmem>>, vector<16xf32>,
        %parallel_loop3A_170 = arith.addf %parallel_loop3A_163, %parallel_loop3A_169 : vector<16xf32>
        %parallel_loop3A_171 = arith.constant 3 : i32
        %parallel_loop3A_172 = arith.constant 8 : i32
        %parallel_loop3A_173 = arith.index_cast %parallel_loop3A_171 : i32 to index
        %parallel_loop3A_174 = arith.index_cast %parallel_loop3A_172 : i32 to index
        %parallel_loop3A_175 = arith.index_cast %parallel_loop3A_109 : i32 to index
        %parallel_loop3A_176 = tpu.vector_load %arg13[%parallel_loop3A_173, %parallel_loop3A_174, %parallel_loop3A_175] {strides = array<i32>} : memref<4x16x256xf32, #tpu.memory_space<vmem>>, vector<16xf32>,
        %parallel_loop3A_177 = arith.addf %parallel_loop3A_170, %parallel_loop3A_176 : vector<16xf32>
        %parallel_loop3A_178 = arith.constant 3 : i32
        %parallel_loop3A_179 = arith.constant 9 : i32
        %parallel_loop3A_180 = arith.index_cast %parallel_loop3A_178 : i32 to index
        %parallel_loop3A_181 = arith.index_cast %parallel_loop3A_179 : i32 to index
        %parallel_loop3A_182 = arith.index_cast %parallel_loop3A_109 : i32 to index
        %parallel_loop3A_183 = tpu.vector_load %arg13[%parallel_loop3A_180, %parallel_loop3A_181, %parallel_loop3A_182] {strides = array<i32>} : memref<4x16x256xf32, #tpu.memory_space<vmem>>, vector<16xf32>,
        %parallel_loop3A_184 = arith.addf %parallel_loop3A_177, %parallel_loop3A_183 : vector<16xf32>
        %parallel_loop3A_185 = arith.constant 3 : i32
        %parallel_loop3A_186 = arith.constant 10 : i32
        %parallel_loop3A_187 = arith.index_cast %parallel_loop3A_185 : i32 to index
        %parallel_loop3A_188 = arith.index_cast %parallel_loop3A_186 : i32 to index
        %parallel_loop3A_189 = arith.index_cast %parallel_loop3A_109 : i32 to index
        %parallel_loop3A_190 = tpu.vector_load %arg13[%parallel_loop3A_187, %parallel_loop3A_188, %parallel_loop3A_189] {strides = array<i32>} : memref<4x16x256xf32, #tpu.memory_space<vmem>>, vector<16xf32>,
        %parallel_loop3A_191 = arith.addf %parallel_loop3A_184, %parallel_loop3A_190 : vector<16xf32>
        %parallel_loop3A_192 = arith.constant 3 : i32
        %parallel_loop3A_193 = arith.constant 11 : i32
        %parallel_loop3A_194 = arith.index_cast %parallel_loop3A_192 : i32 to index
        %parallel_loop3A_195 = arith.index_cast %parallel_loop3A_193 : i32 to index
        %parallel_loop3A_196 = arith.index_cast %parallel_loop3A_109 : i32 to index
        %parallel_loop3A_197 = tpu.vector_load %arg13[%parallel_loop3A_194, %parallel_loop3A_195, %parallel_loop3A_196] {strides = array<i32>} : memref<4x16x256xf32, #tpu.memory_space<vmem>>, vector<16xf32>,
        %parallel_loop3A_198 = arith.addf %parallel_loop3A_191, %parallel_loop3A_197 : vector<16xf32>
        %parallel_loop3A_199 = arith.constant 3 : i32
        %parallel_loop3A_200 = arith.constant 12 : i32
        %parallel_loop3A_201 = arith.index_cast %parallel_loop3A_199 : i32 to index
        %parallel_loop3A_202 = arith.index_cast %parallel_loop3A_200 : i32 to index
        %parallel_loop3A_203 = arith.index_cast %parallel_loop3A_109 : i32 to index
        %parallel_loop3A_204 = tpu.vector_load %arg13[%parallel_loop3A_201, %parallel_loop3A_202, %parallel_loop3A_203] {strides = array<i32>} : memref<4x16x256xf32, #tpu.memory_space<vmem>>, vector<16xf32>,
        %parallel_loop3A_205 = arith.addf %parallel_loop3A_198, %parallel_loop3A_204 : vector<16xf32>
        %parallel_loop3A_206 = arith.constant 3 : i32
        %parallel_loop3A_207 = arith.constant 13 : i32
        %parallel_loop3A_208 = arith.index_cast %parallel_loop3A_206 : i32 to index
        %parallel_loop3A_209 = arith.index_cast %parallel_loop3A_207 : i32 to index
        %parallel_loop3A_210 = arith.index_cast %parallel_loop3A_109 : i32 to index
        %parallel_loop3A_211 = tpu.vector_load %arg13[%parallel_loop3A_208, %parallel_loop3A_209, %parallel_loop3A_210] {strides = array<i32>} : memref<4x16x256xf32, #tpu.memory_space<vmem>>, vector<16xf32>,
        %parallel_loop3A_212 = arith.addf %parallel_loop3A_205, %parallel_loop3A_211 : vector<16xf32>
        %parallel_loop3A_213 = arith.constant 3 : i32
        %parallel_loop3A_214 = arith.constant 14 : i32
        %parallel_loop3A_215 = arith.index_cast %parallel_loop3A_213 : i32 to index
        %parallel_loop3A_216 = arith.index_cast %parallel_loop3A_214 : i32 to index
        %parallel_loop3A_217 = arith.index_cast %parallel_loop3A_109 : i32 to index
        %parallel_loop3A_218 = tpu.vector_load %arg13[%parallel_loop3A_215, %parallel_loop3A_216, %parallel_loop3A_217] {strides = array<i32>} : memref<4x16x256xf32, #tpu.memory_space<vmem>>, vector<16xf32>,
        %parallel_loop3A_219 = arith.addf %parallel_loop3A_212, %parallel_loop3A_218 : vector<16xf32>
        %parallel_loop3A_220 = arith.constant 3 : i32
        %parallel_loop3A_221 = arith.constant 15 : i32
        %parallel_loop3A_222 = arith.index_cast %parallel_loop3A_220 : i32 to index
        %parallel_loop3A_223 = arith.index_cast %parallel_loop3A_221 : i32 to index
        %parallel_loop3A_224 = arith.index_cast %parallel_loop3A_109 : i32 to index
        %parallel_loop3A_225 = tpu.vector_load %arg13[%parallel_loop3A_222, %parallel_loop3A_223, %parallel_loop3A_224] {strides = array<i32>} : memref<4x16x256xf32, #tpu.memory_space<vmem>>, vector<16xf32>,
        %parallel_loop3A_226 = arith.addf %parallel_loop3A_219, %parallel_loop3A_225 : vector<16xf32>
        %parallel_loop3A_227 = arith.constant 256 : i32
        %parallel_loop3A_228 = arith.muli %arg1, %parallel_loop3A_227 : i32
        %parallel_loop3A_229 = arith.addi %parallel_loop3A_228, %parallel_loop3A_109 : i32
        %parallel_loop3A_230 = arith.constant 3 : i32
        %parallel_loop3A_231 = arith.index_cast %parallel_loop3A_230 : i32 to index
        %parallel_loop3A_232 = arith.index_cast %parallel_loop3A_229 : i32 to index
        %parallel_loop3A_233 = tpu.vector_load %arg11[%parallel_loop3A_231, %parallel_loop3A_232] {strides = array<i32>} : memref<4x4096xf32, #tpu.memory_space<vmem>>, vector<16xf32>,
        %parallel_loop3A_234 = arith.constant 2.000000e+00 : f32
        %parallel_loop3A_235 = vector.broadcast %parallel_loop3A_234 : f32 to vector<16xf32>
        %parallel_loop3A_236 = arith.mulf %parallel_loop3A_226, %parallel_loop3A_235 : vector<16xf32>
        %parallel_loop3A_237 = math.exp %parallel_loop3A_236 : vector<16xf32>
        %parallel_loop3A_238 = arith.constant 1.000000e+00 : f32
        %parallel_loop3A_239 = vector.broadcast %parallel_loop3A_238 : f32 to vector<16xf32>
        %parallel_loop3A_240 = arith.addf %parallel_loop3A_237, %parallel_loop3A_239 : vector<16xf32>
        %parallel_loop3A_241 = arith.constant 2.000000e+00 : f32
        %parallel_loop3A_242 = vector.broadcast %parallel_loop3A_241 : f32 to vector<16xf32>
        %parallel_loop3A_243 = arith.divf %parallel_loop3A_242, %parallel_loop3A_240 : vector<16xf32>
        %parallel_loop3A_244 = arith.constant 1.000000e+00 : f32
        %parallel_loop3A_245 = vector.broadcast %parallel_loop3A_244 : f32 to vector<16xf32>
        %parallel_loop3A_246 = arith.subf %parallel_loop3A_245, %parallel_loop3A_243 : vector<16xf32>
        %parallel_loop3A_247 = arith.constant 0.699999988 : f32
        %parallel_loop3A_248 = vector.broadcast %parallel_loop3A_247 : f32 to vector<16xf32>
        %parallel_loop3A_249 = arith.mulf %parallel_loop3A_248, %parallel_loop3A_233 : vector<16xf32>
        %parallel_loop3A_250 = arith.constant 3.000000e-01 : f32
        %parallel_loop3A_251 = vector.broadcast %parallel_loop3A_250 : f32 to vector<16xf32>
        %parallel_loop3A_252 = arith.mulf %parallel_loop3A_251, %parallel_loop3A_246 : vector<16xf32>
        %parallel_loop3A_253 = arith.addf %parallel_loop3A_249, %parallel_loop3A_252 : vector<16xf32>
        %parallel_loop3A_254 = arith.constant 3 : i32
        %parallel_loop3A_255 = arith.index_cast %parallel_loop3A_254 : i32 to index
        %parallel_loop3A_256 = arith.index_cast %parallel_loop3A_109 : i32 to index
        %parallel_loop3A_257 = tpu.vector_load %arg15[%parallel_loop3A_255, %parallel_loop3A_256] {strides = array<i32>} : memref<4x256xf32, #tpu.memory_space<vmem>>, vector<16xf32>,
        tpu.vector_store %arg15[%parallel_loop3A_255, %parallel_loop3A_256], %parallel_loop3A_253 {strides = array<i32>} : memref<4x256xf32, #tpu.memory_space<vmem>>, vector<16xf32>,
      } {sc.loop_unroll_factor = 1 : i64, sc.parallel_access}
      %mul3A_94 = arith.constant 4 : i32
      %mul3A_95 = arith.muli %arg0, %mul3A_94 : i32
      %mul3A_96 = arith.constant 256 : i32
      %mul3A_97 = arith.muli %arg1, %mul3A_96 : i32
      %dma_start3A_98 = tpu.memref_slice %arg7[%add3A_38, %mul3A_95, %mul3A_97] : memref<16x8x4096xf32, #tpu.memory_space<hbm>> -> memref<1x4x256xf32, #tpu.memory_space<hbm>>
      %dma_start3A_99 = tpu.memref_squeeze %dma_start3A_98 : memref<1x4x256xf32, #tpu.memory_space<hbm>> -> memref<4x256xf32, #tpu.memory_space<hbm>>
      %dma_start3A_100 = tpu.memref_slice %arg7[%add3A_38, %mul3A_95, %mul3A_97] : memref<16x8x4096xf32, #tpu.memory_space<hbm>> -> memref<1x4x256xf32, #tpu.memory_space<hbm>>
      %dma_start3A_101 = tpu.memref_squeeze %dma_start3A_100 : memref<1x4x256xf32, #tpu.memory_space<hbm>> -> memref<4x256xf32, #tpu.memory_space<hbm>>
      tpu.enqueue_dma source(%arg15 : memref<4x256xf32, #tpu.memory_space<vmem>>) target(%dma_start3A_101 : memref<4x256xf32, #tpu.memory_space<hbm>>) target_semaphore(%arg17 : memref<!tpu.dma_semaphore, #tpu.memory_space<semaphore_mem>>)
      %mul3A_102 = arith.constant 256 : i32
      %mul3A_103 = arith.muli %arg1, %mul3A_102 : i32
      "tpu.region"() ({
        %run_scoped3A_109 = tpu.sem_alloc : memref<!tpu.dma_semaphore, #tpu.memory_space<semaphore_mem>>
        %dma_start3A_110 = arith.constant 0 : i32
        %dma_start3A_111 = tpu.memref_slice %arg20[%dma_start3A_110, %mul3A_103] : memref<4x4096xf32, #tpu.memory_space<vmem_shared>> -> memref<4x256xf32, #tpu.memory_space<vmem_shared>>
        %dma_start3A_112 = arith.constant 0 : i32
        %dma_start3A_113 = tpu.memref_slice %arg20[%dma_start3A_112, %mul3A_103] : memref<4x4096xf32, #tpu.memory_space<vmem_shared>> -> memref<4x256xf32, #tpu.memory_space<vmem_shared>>
        tpu.enqueue_dma source(%arg15 : memref<4x256xf32, #tpu.memory_space<vmem>>) target(%dma_start3A_113 : memref<4x256xf32, #tpu.memory_space<vmem_shared>>) target_semaphore(%run_scoped3A_109 : memref<!tpu.dma_semaphore, #tpu.memory_space<semaphore_mem>>)
        %dma_wait3A_114 = arith.constant 0 : i32
        %dma_wait3A_115 = tpu.memref_slice %arg20[%dma_wait3A_114, %mul3A_103] : memref<4x4096xf32, #tpu.memory_space<vmem_shared>> -> memref<4x256xf32, #tpu.memory_space<vmem_shared>>
        %dma_wait3A_116 = arith.constant 0 : i32
        %dma_wait3A_117 = tpu.memref_slice %arg20[%dma_wait3A_116, %mul3A_103] : memref<4x4096xf32, #tpu.memory_space<vmem_shared>> -> memref<4x256xf32, #tpu.memory_space<vmem_shared>>
        tpu.wait_dma2 semaphore(%run_scoped3A_109 : memref<!tpu.dma_semaphore, #tpu.memory_space<semaphore_mem>>) src(%arg15 : memref<4x256xf32, #tpu.memory_space<vmem>>) dst(%dma_wait3A_117 : memref<4x256xf32, #tpu.memory_space<vmem_shared>>)
        tpu.yield
      }) : () -> ()
      %dma_wait3A_104 = tpu.memref_slice %arg7[%add3A_38, %mul3A_95, %mul3A_97] : memref<16x8x4096xf32, #tpu.memory_space<hbm>> -> memref<1x4x256xf32, #tpu.memory_space<hbm>>
      %dma_wait3A_105 = tpu.memref_squeeze %dma_wait3A_104 : memref<1x4x256xf32, #tpu.memory_space<hbm>> -> memref<4x256xf32, #tpu.memory_space<hbm>>
      %dma_wait3A_106 = tpu.memref_slice %arg7[%add3A_38, %mul3A_95, %mul3A_97] : memref<16x8x4096xf32, #tpu.memory_space<hbm>> -> memref<1x4x256xf32, #tpu.memory_space<hbm>>
      %dma_wait3A_107 = tpu.memref_squeeze %dma_wait3A_106 : memref<1x4x256xf32, #tpu.memory_space<hbm>> -> memref<4x256xf32, #tpu.memory_space<hbm>>
      tpu.wait_dma2 semaphore(%arg17 : memref<!tpu.dma_semaphore, #tpu.memory_space<semaphore_mem>>) src(%arg15 : memref<4x256xf32, #tpu.memory_space<vmem>>) dst(%dma_wait3A_107 : memref<4x256xf32, #tpu.memory_space<hbm>>)
      %barrier3A_108 = arith.constant 0 : index
      tpu.barrier barrier_id(%barrier3A_108)
      "tpu.region"() ({
        %run_scoped3A_109 = tpu.sem_alloc : memref<!tpu.dma_semaphore, #tpu.memory_space<semaphore_mem>>
        tpu.enqueue_dma source(%arg20 : memref<4x4096xf32, #tpu.memory_space<vmem_shared>>) target(%arg11 : memref<4x4096xf32, #tpu.memory_space<vmem>>) target_semaphore(%run_scoped3A_109 : memref<!tpu.dma_semaphore, #tpu.memory_space<semaphore_mem>>)
        tpu.wait_dma2 semaphore(%run_scoped3A_109 : memref<!tpu.dma_semaphore, #tpu.memory_space<semaphore_mem>>) src(%arg20 : memref<4x4096xf32, #tpu.memory_space<vmem_shared>>) dst(%arg11 : memref<4x4096xf32, #tpu.memory_space<vmem>>)
        tpu.yield
      }) : () -> ()
    }
    %scan3A_26 = arith.constant 16 : i32
    %dma_wait3A = arith.constant 0 : i32
    %dma_wait3A_27 = arith.constant 0 : i32
    %dma_wait3A_28 = arith.constant 0 : i32
    %dma_wait3A_29 = tpu.memref_slice %arg7[%dma_wait3A, %dma_wait3A_27, %dma_wait3A_28] : memref<16x8x4096xf32, #tpu.memory_space<hbm>> -> memref<1x4x4096xf32, #tpu.memory_space<hbm>>
    %dma_wait3A_30 = tpu.memref_squeeze %dma_wait3A_29 : memref<1x4x4096xf32, #tpu.memory_space<hbm>> -> memref<4x4096xf32, #tpu.memory_space<hbm>>
    %dma_wait3A_31 = arith.constant 0 : i32
    %dma_wait3A_32 = arith.constant 0 : i32
    %dma_wait3A_33 = tpu.memref_slice %arg7[%dma_wait3A, %dma_wait3A_31, %dma_wait3A_32] : memref<16x8x4096xf32, #tpu.memory_space<hbm>> -> memref<1x4x4096xf32, #tpu.memory_space<hbm>>
    %dma_wait3A_34 = tpu.memref_squeeze %dma_wait3A_33 : memref<1x4x4096xf32, #tpu.memory_space<hbm>> -> memref<4x4096xf32, #tpu.memory_space<hbm>>
    tpu.wait_dma2 semaphore(%arg18 : memref<!tpu.dma_semaphore, #tpu.memory_space<semaphore_mem>>) src(%dma_wait3A_34 : memref<4x4096xf32, #tpu.memory_space<hbm>>) dst(%arg12 : memref<4x4096xf32, #tpu.memory_space<vmem>>)
    return
  }
}

module attributes {stable_mosaic.version = 14 : i64} {
  func.func @_proj_kernel(%arg0: memref<128x1025xf32, #tpu.memory_space<vmem>>, %arg1: memref<4096x1025xf32, #tpu.memory_space<vmem>>, %arg2: memref<1024x1024xf32, #tpu.memory_space<vmem>>, %arg3: memref<128x4096xf32, #tpu.memory_space<vmem>>, %arg4: memref<128x1024xf32, #tpu.memory_space<vmem>>) attributes {dimension_semantics = [], scalar_prefetch = 0 : i64, scratch_operands = 0 : i64, tpu.core_type = #tpu.core_type<tc>} {
    %get3A = arith.constant 0 : index
    %get3A_0 = arith.constant 0 : index
    %get3A_1 = vector.load %arg0[%get3A, %get3A_0] : memref<128x1025xf32, #tpu.memory_space<vmem>>, vector<128x1025xf32>
    %get3A_2 = arith.constant 0 : index
    %get3A_3 = arith.constant 0 : index
    %get3A_4 = vector.load %arg1[%get3A_2, %get3A_3] : memref<4096x1025xf32, #tpu.memory_space<vmem>>, vector<4096x1025xf32>
    %dot_general3A = arith.constant dense<0.000000e+00> : vector<128x4096xf32>
    %dot_general3A_5 = tpu.matmul %get3A_1, %get3A_4, %dot_general3A {dimension_numbers = #tpu.dot_dimension_numbers<[1], [1], [0], [0], [0, 0, 1, 0], [], []>, precision = #tpu.contract_precision<fp32>, transpose_lhs_hint = false} : vector<128x1025xf32>, vector<4096x1025xf32>, vector<128x4096xf32> -> vector<128x4096xf32>
    %swap3A = arith.constant 0 : index
    %swap3A_6 = arith.constant 0 : index
    %swap3A_7 = vector.load %arg3[%swap3A, %swap3A_6] : memref<128x4096xf32, #tpu.memory_space<vmem>>, vector<128x4096xf32>
    tpu.vector_store %arg3[%swap3A, %swap3A_6], %dot_general3A_5 {strides = array<i32>} : memref<128x4096xf32, #tpu.memory_space<vmem>>, vector<128x4096xf32>,
    %slice3A = vector.extract_strided_slice %get3A_1 {offsets = [0, 1], sizes = [128, 1024], strides = [1, 1]} : vector<128x1025xf32> to vector<128x1024xf32>
    %get3A_8 = arith.constant 0 : index
    %get3A_9 = arith.constant 0 : index
    %get3A_10 = vector.load %arg2[%get3A_8, %get3A_9] : memref<1024x1024xf32, #tpu.memory_space<vmem>>, vector<1024x1024xf32>
    %dot_general3A_11 = arith.constant dense<0.000000e+00> : vector<128x1024xf32>
    %dot_general3A_12 = tpu.matmul %slice3A, %get3A_10, %dot_general3A_11 {dimension_numbers = #tpu.dot_dimension_numbers<[1], [1], [0], [0], [0, 0, 1, 0], [], []>, transpose_lhs_hint = false} : vector<128x1024xf32>, vector<1024x1024xf32>, vector<128x1024xf32> -> vector<128x1024xf32>
    %swap3A_13 = arith.constant 0 : index
    %swap3A_14 = arith.constant 0 : index
    %swap3A_15 = vector.load %arg4[%swap3A_13, %swap3A_14] : memref<128x1024xf32, #tpu.memory_space<vmem>>, vector<128x1024xf32>
    tpu.vector_store %arg4[%swap3A_13, %swap3A_14], %dot_general3A_12 {strides = array<i32>} : memref<128x1024xf32, #tpu.memory_space<vmem>>, vector<128x1024xf32>,
    return
  }
}

module attributes {stable_mosaic.version = 14 : i64} {
  func.func @_attnw_kernel(%arg0: i32, %arg1: memref<128x128xf32, #tpu.memory_space<vmem>>, %arg2: memref<4096x128xf32, #tpu.memory_space<vmem>>, %arg3: memref<2x128x4096xf32, #tpu.memory_space<vmem>>) attributes {dimension_semantics = [#tpu.dimension_semantics<arbitrary>], iteration_bounds = array<i64: 8>, scalar_prefetch = 0 : i64, scratch_operands = 0 : i64, tpu.core_type = #tpu.core_type<tc>, window_params = [{transform_indices = @transform_0, window_bounds = array<i64: 128, 128>}, {transform_indices = @transform_1, window_bounds = array<i64: 4096, 128>}, {transform_indices = @transform_2, window_bounds = array<i64: 2, 128, 4096>}]} {
    %get3A = arith.constant 0 : index
    %get3A_0 = arith.constant 0 : index
    %get3A_1 = vector.load %arg1[%get3A, %get3A_0] : memref<128x128xf32, #tpu.memory_space<vmem>>, vector<128x64xf32>
    %get3A_2 = arith.constant 0 : index
    %get3A_3 = arith.constant 0 : index
    %get3A_4 = vector.load %arg2[%get3A_2, %get3A_3] : memref<4096x128xf32, #tpu.memory_space<vmem>>, vector<4096x64xf32>
    %dot_general3A = arith.constant dense<0.000000e+00> : vector<128x4096xf32>
    %dot_general3A_5 = tpu.matmul %get3A_1, %get3A_4, %dot_general3A {dimension_numbers = #tpu.dot_dimension_numbers<[1], [1], [0], [0], [0, 0, 1, 0], [], []>, transpose_lhs_hint = false} : vector<128x64xf32>, vector<4096x64xf32>, vector<128x4096xf32> -> vector<128x4096xf32>
    %mul3A = arith.constant 1.250000e-01 : f32
    %mul3A_6 = vector.broadcast %mul3A : f32 to vector<128x4096xf32>
    %mul3A_7 = arith.mulf %dot_general3A_5, %mul3A_6 : vector<128x4096xf32>
    %reduce_max3A = arith.constant dense<0xFF800000> : vector<128xf32>
    %reduce_max3A_8 = vector.multi_reduction <maximumf>, %mul3A_7, %reduce_max3A [1] : vector<128x4096xf32> to vector<128xf32>
    %broadcast_in_dim3A = vector.shape_cast %reduce_max3A_8 : vector<128xf32> to vector<128x1xf32>
    %sub3A = vector.broadcast %broadcast_in_dim3A : vector<128x1xf32> to vector<128x4096xf32>
    %sub3A_9 = arith.subf %mul3A_7, %sub3A : vector<128x4096xf32>
    %exp3A = math.exp %sub3A_9 : vector<128x4096xf32>
    %reduce_sum3A = arith.constant dense<0.000000e+00> : vector<128xf32>
    %reduce_sum3A_10 = vector.multi_reduction <add>, %exp3A, %reduce_sum3A [1] : vector<128x4096xf32> to vector<128xf32>
    %broadcast_in_dim3A_11 = vector.shape_cast %reduce_sum3A_10 : vector<128xf32> to vector<128x1xf32>
    %div3A = vector.broadcast %broadcast_in_dim3A_11 : vector<128x1xf32> to vector<128x4096xf32>
    %div3A_12 = arith.divf %exp3A, %div3A : vector<128x4096xf32>
    %swap3A = arith.constant 0 : index
    %swap3A_13 = arith.constant 0 : index
    %swap3A_14 = arith.constant 0 : index
    %swap3A_15 = vector.load %arg3[%swap3A, %swap3A_13, %swap3A_14] : memref<2x128x4096xf32, #tpu.memory_space<vmem>>, vector<1x128x4096xf32>
    %swap3A_16 = vector.shape_cast %swap3A_15 : vector<1x128x4096xf32> to vector<128x4096xf32>
    %swap3A_17 = vector.shape_cast %div3A_12 : vector<128x4096xf32> to vector<1x128x4096xf32>
    tpu.vector_store %arg3[%swap3A, %swap3A_13, %swap3A_14], %swap3A_17 {strides = array<i32>} : memref<2x128x4096xf32, #tpu.memory_space<vmem>>, vector<1x128x4096xf32>,
    %get3A_18 = arith.constant 0 : index
    %get3A_19 = arith.constant 64 : index
    %get3A_20 = vector.load %arg1[%get3A_18, %get3A_19] : memref<128x128xf32, #tpu.memory_space<vmem>>, vector<128x64xf32>
    %get3A_21 = arith.constant 0 : index
    %get3A_22 = arith.constant 64 : index
    %get3A_23 = vector.load %arg2[%get3A_21, %get3A_22] : memref<4096x128xf32, #tpu.memory_space<vmem>>, vector<4096x64xf32>
    %dot_general3A_24 = arith.constant dense<0.000000e+00> : vector<128x4096xf32>
    %dot_general3A_25 = tpu.matmul %get3A_20, %get3A_23, %dot_general3A_24 {dimension_numbers = #tpu.dot_dimension_numbers<[1], [1], [0], [0], [0, 0, 1, 0], [], []>, transpose_lhs_hint = false} : vector<128x64xf32>, vector<4096x64xf32>, vector<128x4096xf32> -> vector<128x4096xf32>
    %mul3A_26 = arith.constant 1.250000e-01 : f32
    %mul3A_27 = vector.broadcast %mul3A_26 : f32 to vector<128x4096xf32>
    %mul3A_28 = arith.mulf %dot_general3A_25, %mul3A_27 : vector<128x4096xf32>
    %reduce_max3A_29 = arith.constant dense<0xFF800000> : vector<128xf32>
    %reduce_max3A_30 = vector.multi_reduction <maximumf>, %mul3A_28, %reduce_max3A_29 [1] : vector<128x4096xf32> to vector<128xf32>
    %broadcast_in_dim3A_31 = vector.shape_cast %reduce_max3A_30 : vector<128xf32> to vector<128x1xf32>
    %sub3A_32 = vector.broadcast %broadcast_in_dim3A_31 : vector<128x1xf32> to vector<128x4096xf32>
    %sub3A_33 = arith.subf %mul3A_28, %sub3A_32 : vector<128x4096xf32>
    %exp3A_34 = math.exp %sub3A_33 : vector<128x4096xf32>
    %reduce_sum3A_35 = arith.constant dense<0.000000e+00> : vector<128xf32>
    %reduce_sum3A_36 = vector.multi_reduction <add>, %exp3A_34, %reduce_sum3A_35 [1] : vector<128x4096xf32> to vector<128xf32>
    %broadcast_in_dim3A_37 = vector.shape_cast %reduce_sum3A_36 : vector<128xf32> to vector<128x1xf32>
    %div3A_38 = vector.broadcast %broadcast_in_dim3A_37 : vector<128x1xf32> to vector<128x4096xf32>
    %div3A_39 = arith.divf %exp3A_34, %div3A_38 : vector<128x4096xf32>
    %swap3A_40 = arith.constant 1 : index
    %swap3A_41 = arith.constant 0 : index
    %swap3A_42 = arith.constant 0 : index
    %swap3A_43 = vector.load %arg3[%swap3A_40, %swap3A_41, %swap3A_42] : memref<2x128x4096xf32, #tpu.memory_space<vmem>>, vector<1x128x4096xf32>
    %swap3A_44 = vector.shape_cast %swap3A_43 : vector<1x128x4096xf32> to vector<128x4096xf32>
    %swap3A_45 = vector.shape_cast %div3A_39 : vector<128x4096xf32> to vector<1x128x4096xf32>
    tpu.vector_store %arg3[%swap3A_40, %swap3A_41, %swap3A_42], %swap3A_45 {strides = array<i32>} : memref<2x128x4096xf32, #tpu.memory_space<vmem>>, vector<1x128x4096xf32>,
    return
  }
  func.func @transform_0(%arg0: i32) -> (i32, i32) {
    %c0_i32 = arith.constant 0 : i32
    %c0_i32_0 = arith.constant 0 : i32
    return %c0_i32, %arg0 : i32, i32
  }
  func.func @transform_1(%arg0: i32) -> (i32, i32) {
    %c0_i32 = arith.constant 0 : i32
    %c0_i32_0 = arith.constant 0 : i32
    return %c0_i32, %arg0 : i32, i32
  }
  func.func @transform_2(%arg0: i32) -> (i32, i32, i32) {
    %c0_i32 = arith.constant 0 : i32
    %c0_i32_0 = arith.constant 0 : i32
    %c0_i32_1 = arith.constant 0 : i32
    return %arg0, %c0_i32, %c0_i32_0 : i32, i32, i32
  }
}

module attributes {stable_mosaic.version = 14 : i64} {
  func.func @_readout_kernel(%arg0: i32, %arg1: memref<2x128x4096xf32, #tpu.memory_space<vmem>>, %arg2: memref<128x4096xf32, #tpu.memory_space<vmem>>, %arg3: memref<4096x128xf32, #tpu.memory_space<vmem>>, %arg4: memref<2x128x64xf32, #tpu.memory_space<vmem>>) attributes {dimension_semantics = [#tpu.dimension_semantics<arbitrary>], iteration_bounds = array<i64: 8>, scalar_prefetch = 0 : i64, scratch_operands = 0 : i64, tpu.core_type = #tpu.core_type<tc>, window_params = [{transform_indices = @transform_0, window_bounds = array<i64: 2, 128, 4096>}, {pipeline_mode = #tpu.pipeline_mode<synchronous>, transform_indices = @transform_1, window_bounds = array<i64: 128, 4096>}, {transform_indices = @transform_2, window_bounds = array<i64: 4096, 128>}, {transform_indices = @transform_3, window_bounds = array<i64: 2, 128, 64>}]} {
    %get3A = arith.constant 0 : index
    %get3A_0 = arith.constant 0 : index
    %get3A_1 = vector.load %arg2[%get3A, %get3A_0] : memref<128x4096xf32, #tpu.memory_space<vmem>>, vector<128x4096xf32>
    %get3A_2 = arith.constant 0 : index
    %get3A_3 = arith.constant 0 : index
    %get3A_4 = arith.constant 0 : index
    %get3A_5 = vector.load %arg1[%get3A_2, %get3A_3, %get3A_4] : memref<2x128x4096xf32, #tpu.memory_space<vmem>>, vector<1x128x4096xf32>
    %get3A_6 = vector.shape_cast %get3A_5 : vector<1x128x4096xf32> to vector<128x4096xf32>
    %mul3A = arith.mulf %get3A_6, %get3A_1 : vector<128x4096xf32>
    %get3A_7 = arith.constant 0 : index
    %get3A_8 = arith.constant 0 : index
    %get3A_9 = vector.load %arg3[%get3A_7, %get3A_8] : memref<4096x128xf32, #tpu.memory_space<vmem>>, vector<4096x64xf32>
    %dot_general3A = arith.constant dense<0.000000e+00> : vector<128x64xf32>
    %dot_general3A_10 = tpu.matmul %mul3A, %get3A_9, %dot_general3A {dimension_numbers = #tpu.dot_dimension_numbers<[1], [0], [0], [1], [0, 0, 1, 1], [], []>, transpose_lhs_hint = false} : vector<128x4096xf32>, vector<4096x64xf32>, vector<128x64xf32> -> vector<128x64xf32>
    %swap3A = arith.constant 0 : index
    %swap3A_11 = arith.constant 0 : index
    %swap3A_12 = arith.constant 0 : index
    %swap3A_13 = vector.load %arg4[%swap3A, %swap3A_11, %swap3A_12] : memref<2x128x64xf32, #tpu.memory_space<vmem>>, vector<1x128x64xf32>
    %swap3A_14 = vector.shape_cast %swap3A_13 : vector<1x128x64xf32> to vector<128x64xf32>
    %swap3A_15 = vector.shape_cast %dot_general3A_10 : vector<128x64xf32> to vector<1x128x64xf32>
    tpu.vector_store %arg4[%swap3A, %swap3A_11, %swap3A_12], %swap3A_15 {strides = array<i32>} : memref<2x128x64xf32, #tpu.memory_space<vmem>>, vector<1x128x64xf32>,
    %get3A_16 = arith.constant 1 : index
    %get3A_17 = arith.constant 0 : index
    %get3A_18 = arith.constant 0 : index
    %get3A_19 = vector.load %arg1[%get3A_16, %get3A_17, %get3A_18] : memref<2x128x4096xf32, #tpu.memory_space<vmem>>, vector<1x128x4096xf32>
    %get3A_20 = vector.shape_cast %get3A_19 : vector<1x128x4096xf32> to vector<128x4096xf32>
    %mul3A_21 = arith.mulf %get3A_20, %get3A_1 : vector<128x4096xf32>
    %get3A_22 = arith.constant 0 : index
    %get3A_23 = arith.constant 64 : index
    %get3A_24 = vector.load %arg3[%get3A_22, %get3A_23] : memref<4096x128xf32, #tpu.memory_space<vmem>>, vector<4096x64xf32>
    %dot_general3A_25 = arith.constant dense<0.000000e+00> : vector<128x64xf32>
    %dot_general3A_26 = tpu.matmul %mul3A_21, %get3A_24, %dot_general3A_25 {dimension_numbers = #tpu.dot_dimension_numbers<[1], [0], [0], [1], [0, 0, 1, 1], [], []>, transpose_lhs_hint = false} : vector<128x4096xf32>, vector<4096x64xf32>, vector<128x64xf32> -> vector<128x64xf32>
    %swap3A_27 = arith.constant 1 : index
    %swap3A_28 = arith.constant 0 : index
    %swap3A_29 = arith.constant 0 : index
    %swap3A_30 = vector.load %arg4[%swap3A_27, %swap3A_28, %swap3A_29] : memref<2x128x64xf32, #tpu.memory_space<vmem>>, vector<1x128x64xf32>
    %swap3A_31 = vector.shape_cast %swap3A_30 : vector<1x128x64xf32> to vector<128x64xf32>
    %swap3A_32 = vector.shape_cast %dot_general3A_26 : vector<128x64xf32> to vector<1x128x64xf32>
    tpu.vector_store %arg4[%swap3A_27, %swap3A_28, %swap3A_29], %swap3A_32 {strides = array<i32>} : memref<2x128x64xf32, #tpu.memory_space<vmem>>, vector<1x128x64xf32>,
    return
  }
  func.func @transform_0(%arg0: i32) -> (i32, i32, i32) {
    %c0_i32 = arith.constant 0 : i32
    %c0_i32_0 = arith.constant 0 : i32
    %c0_i32_1 = arith.constant 0 : i32
    return %arg0, %c0_i32, %c0_i32_0 : i32, i32, i32
  }
  func.func @transform_1(%arg0: i32) -> (i32, i32) {
    %c0_i32 = arith.constant 0 : i32
    %c0_i32_0 = arith.constant 0 : i32
    %c0_i32_1 = arith.constant 0 : i32
    return %c0_i32, %c0_i32_0 : i32, i32
  }
  func.func @transform_2(%arg0: i32) -> (i32, i32) {
    %c0_i32 = arith.constant 0 : i32
    %c0_i32_0 = arith.constant 0 : i32
    return %c0_i32, %arg0 : i32, i32
  }
  func.func @transform_3(%arg0: i32) -> (i32, i32, i32) {
    %c0_i32 = arith.constant 0 : i32
    %c0_i32_0 = arith.constant 0 : i32
    %c0_i32_1 = arith.constant 0 : i32
    return %arg0, %c0_i32, %c0_i32_0 : i32, i32, i32
  }
}

</mosaic_0001>

<sc_bundles>
// kernel: kernel.6.cloned.1.call-start
scs
__scs_entry_jumppad:
0x0: {  	(pc) =	sbr.rel $0x88, $3  }
0x1: {  	(tag) =	ssettag $0x0;
	lr =	simm.s32 $0x1  }
0x2: {  	[smem:$0x3F98] =	sst lr;
	_ =	strace $0xD0000000  }
0x3: {  	_ = 	snop  }
0x4: {  	_ = 	snop  }
0x5: {  	_ = 	snop  }
0x6: {  	_ = 	snop  }
0x7: {  	_ = 	snop  }
__scs_overlays_trampoline_lowered:
0x8: {  	[smem:$0x3FA7] =	sst s0  }
0x9: {  	[smem:$0x3FA8] =	sst s1  }
0xa: {  	[smem:$0x3FA9] =	sst s2  }
0xb: {  	[smem:$0x3FAA] =	sst s3  }
0xc: {  	[smem:$0x3FAB] =	sst s4  }
0xd: {  	[smem:$0x3FAC] =	sst s5  }
0xe: {  	[smem:$0x3FAD] =	sst s6  }
0xf: {  	[smem:$0x3FAE] =	sst s7  }
0x10: {  	[smem:$0x3FAF] =	sst s8  }
0x11: {  	[smem:$0x3FB0] =	sst s9;
	s0 =	simm.s32 @!p0 $0x0  }
0x12: {  	s1 =	sld [smem:$0x3F96];
	s0 =	simm.s32 @p0 $0x1  }
0x13: {  	[smem:$0x3FB1] =	sst s0;
	s0 =	simm.s32 @!p1 $0x0  }
0x14: {  	s2 =	sld [smem:$0x3F95];
	s0 =	simm.s32 @p1 $0x1  }
0x15: {  	[smem:$0x3FB2] =	sst s0;
	s0 =	simm.s32 @!p2 $0x0  }
0x16: {  	s3 =	sld [smem:$0x3FDB];
	s0 =	simm.s32 @p2 $0x1  }
0x17: {  	s4 =	simm.s32 $0x1BF5;
	[smem:$0x3FB4] =	sst s0  }
0x18: {  	s0 =	sld [smem:$0x3F97];
	_ =	swait.ge [sflag:s4], $0x0  }
0x19: {  	s7 =	sld [smem:$0x3F98]  }
0x1a: {  	s8 =	sadd.s32 $0xFFFFE003, lr  }
0x1b: {  	s9 =	sadd.s32 $0xFFFFFEF7, lr;
	s5 =	simm.s32 $0xFFFFFFFF;
	p2 =	slt.u32 s8, $0xFFFFF086  }
0x1c: {  	p1 =	slt.u32 s9, $0xF7A;
	s5 =	simm.s32 @!p2 $0x0  }
0x1d: {  	s5 =	simm.s32 @p1 $0x1;
	p0 =	seq.s32 s7, s2  }
0x1e: {  	s7 =	smul.u32 @!p0 $0xF7A, s2;
	p2 =	seq.s32 @!p0 s5, $0x0  }
0x1f: {  	s9 =	smul.u32 $0xF7A, s1;
	s8 =	simm.s32 @!p0 $0x1BF5;
	p2 =	por !p2, p0  }
0x20: {  	[sflag:s8] =	ssyncset.s32 @!p0 $0xFFFFF086;
	s6 =	sadd.s32 @!p0 s3, s7;
	s7 =	simm.s32 @!p0 $0x108  }
0x21: {  	s3 =	sadd.s32 s3, s9;
	s6 =	sadd.s32 @!p0 $0x88, s6;
	s7 =	simm.s32 @p2 $0x1082  }
0x22: {  	[simem:s7], [sflag:s8] =	dma.local @!p0 [hbm:s6], $0xF7A  }
0x23: {  	s9 =	sor.u32 $0xD0000000, s2;
	s6 =	simm.s32 $0x108;
	_ =	swait.ge @!p0 [sflag:s8], $0x0  }
0x24: {  	s3 =	sadd.s32 $0x88, s3;
	s6 =	simm.s32 @!p1 $0x1082;
	[sflag:s4] =	ssyncset.s32 $0xFFFFF086  }
0x25: {  	[simem:s6], [sflag:s4] =	dma.local [hbm:s3], $0xF7A  }
0x26: {  	[smem:$0x3F98] =	sst s1;
	(tag) =	ssettag s2;
	_ =	strace s9  }
0x27: {  	s1 =	sld [smem:$0x3FA8]  }
0x28: {  	s2 =	sld [smem:$0x3FA9]  }
0x29: {  	s4 =	sld [smem:$0x3FAB]  }
0x2a: {  	p0 =	seq.s32 s5, $0x0;
	s5 =	sld [smem:$0x3FAC]  }
0x2b: {  	s6 =	sld [smem:$0x3FAD]  }
0x2c: {  	s7 =	sld [smem:$0x3FAE]  }
0x2d: {  	s3 =	simm.s32 $0x108;
	s8 =	sld [smem:$0x3FAF]  }
0x2e: {  	s3 =	simm.s32 @!p0 $0x1082;
	s9 =	sld [smem:$0x3FB0]  }
0x2f: {  	lr =	sadd.s32 s0, s3;
	s0 =	sld [smem:$0x3FA7]  }
0x30: {  	s3 =	sld [smem:$0x3FAA]  }
0x31: {  	[smem:$0x3FB3] =	sst s10  }
0x32: {  	s10 =	sld [smem:$0x3FB1];
	_ =	sdelay $0x3  }
0x33: {  	p0 =	seq.s32 s10, $0x1;
	s10 =	sld [smem:$0x3FB3];
	_ =	sdelay $0x3  }
0x34: {  	[smem:$0x3FB3] =	sst s10  }
0x35: {  	s10 =	sld [smem:$0x3FB2];
	_ =	sdelay $0x3  }
0x36: {  	p1 =	seq.s32 s10, $0x1;
	s10 =	sld [smem:$0x3FB3];
	_ =	sdelay $0x3  }
0x37: {  	[smem:$0x3FB3] =	sst s10  }
0x38: {  	s10 =	sld [smem:$0x3FB4]  }
0x39: {  	_ = 	snop;
	(pc) =	sbr.ind lr, $3  }
0x3a: {  	_ = 	snop  }
0x3b: {  	_ = 	snop  }
0x3c: {  	p2 =	seq.s32 s10, $0x1;
	s10 =	sld [smem:$0x3FB3]  }
0x3d: {  	_ =	shalt  }
0x3e: {  	_ =	shalt  }
0x3f: {  	_ =	shalt  }
0x40: {  	_ =	shalt  }
0x41: {  	_ =	shalt  }
0x42: {  	_ =	shalt  }
0x43: {  	_ =	shalt  }
0x44: {  	_ =	shalt  }
0x45: {  	_ =	shalt  }
0x46: {  	_ =	shalt  }
0x47: {  	_ =	shalt  }
0x48: {  	_ =	shalt  }
0x49: {  	_ =	shalt  }
0x4a: {  	_ =	shalt  }
0x4b: {  	_ =	shalt  }
0x4c: {  	_ =	shalt  }
0x4d: {  	_ =	shalt  }
0x4e: {  	_ =	shalt  }
0x4f: {  	_ =	shalt  }
0x50: {  	_ =	shalt  }
0x51: {  	_ =	shalt  }
0x52: {  	_ =	shalt  }
0x53: {  	_ =	shalt  }
0x54: {  	_ =	shalt  }
0x55: {  	_ =	shalt  }
0x56: {  	_ =	shalt  }
0x57: {  	_ =	shalt  }
0x58: {  	_ =	shalt  }
0x59: {  	_ =	shalt  }
0x5a: {  	_ =	shalt  }
0x5b: {  	_ =	shalt  }
0x5c: {  	_ =	shalt  }
0x5d: {  	_ =	shalt  }
0x5e: {  	_ =	shalt  }
0x5f: {  	_ =	shalt  }
0x60: {  	_ =	shalt  }
0x61: {  	_ =	shalt  }
0x62: {  	_ =	shalt  }
0x63: {  	_ =	shalt  }
0x64: {  	_ =	shalt  }
0x65: {  	_ =	shalt  }
0x66: {  	_ =	shalt  }
0x67: {  	_ =	shalt  }
0x68: {  	_ =	shalt  }
0x69: {  	_ =	shalt  }
0x6a: {  	_ =	shalt  }
0x6b: {  	_ =	shalt  }
0x6c: {  	_ =	shalt  }
0x6d: {  	_ =	shalt  }
0x6e: {  	_ =	shalt  }
0x6f: {  	_ =	shalt  }
0x70: {  	_ =	shalt  }
0x71: {  	_ =	shalt  }
0x72: {  	_ =	shalt  }
0x73: {  	_ =	shalt  }
0x74: {  	_ =	shalt  }
0x75: {  	_ =	shalt  }
0x76: {  	_ =	shalt  }
0x77: {  	_ =	shalt  }
0x78: {  	_ =	shalt  }
0x79: {  	_ =	shalt  }
0x7a: {  	_ =	shalt  }
0x7b: {  	_ =	shalt  }
0x7c: {  	_ =	shalt  }
0x7d: {  	_ =	shalt  }
0x7e: {  	_ =	shalt  }
0x7f: {  	_ =	shalt  }
0x80: {  	_ =	shalt  }
0x81: {  	_ =	shalt  }
0x82: {  	_ =	shalt  }
0x83: {  	_ =	shalt  }
0x84: {  	_ =	shalt  }
0x85: {  	_ =	shalt  }
0x86: {  	_ =	shalt  }
0x87: {  	_ =	shalt  }
.Lfunc_end0:
.L_simem_size_0:
called_computation_lowered:
.L_overlay_start_0:
0x88: {  	s2 =	sld [smem:$0x3FD9]  }
0x89: {  	s3 =	sld [smem:$0x3FFE];
	_ =	sdelay $0x1  }
0x8a: {  	s1 =	srdreg.scid  }
0x8b: {  	s0 =	sand.u32 $0x1, s1  }
0x8c: {  	s14 =	sshll.u32 s0, $0xA;
	s2 =	sadd.s32 s3, s2  }
0x8d: {  	s2 =	sadd.s32 s2, s14  }
0x8e: {  	[smem:$0x3FBF] =	sst s2  }
0x8f: {  	_ = 	snop  }
0x90: {  	s2 =	sld [smem:$0x3FD0];
	_ =	sdelay $0x2  }
0x91: {  	s15 =	simm.s32 $0xA;
	s4 =	simm.s32 $0x10  }
0x92: {  	[smem:s4], [sflag:s15] =	dma.local [hbm:s2], $0x1  }
0x93: {  	_ =	swait.eq [sflag:s15], $0x1  }
0x94: {  	[sflag:s15] =	ssyncset.done $0x0  }
0x95: {  	[sflag:s15] =	ssyncadd.s32 $0xFFFFFFFF  }
0x96: {  	s16 =	sld [smem:$0x11];
	(tm) =	ssettm $0x1  }
0x97: {  	s17 =	sld [smem:$0x3FFB];
	_ =	sdelay $0x3  }
0x98: {  	_ =	strace s17  }
0x99: {  	s3 =	sld [smem:$0x3FFC];
	_ =	sdelay $0x3  }
0x9a: {  	_ =	strace s3  }
0x9b: {  	s3 =	sld [smem:$0x3FFD];
	_ =	sdelay $0x3  }
0x9c: {  	_ =	strace s3  }
0x9d: {  	_ =	strace $0x8FFFFFFF  }
0x9e: {  	s18 =	sld [smem:$0x3FDB];
	_ =	sdelay $0x1  }
0x9f: {  	s19 =	simm.s32 $_scs_section_size  }
0xa0: {  	s5 =	simm.s32 $_size__tile_overlayer_lowered;
	s6 =	simm.s32 $_tile_overlayer_lowered  }
0xa1: {  	s22 =	simm.s32 $0x1BFF;
	s21 =	sshll.u32 s6, $0x1;
	s3 =	sadd.s32 s19, s18  }
0xa2: {  	s7 =	simm.s32 $0x0;
	s20 =	sshll.u32 s5, $0x1;
	s5 =	sadd.s32 s21, s3  }
0xa3: {  	[timem:s7], [sflag:s22] =	dma.local [hbm:s5], s20  }
0xa4: {  	_ =	swait.ge [sflag:s22], s20  }
0xa5: {  	s4 =	ssub.s32 $0x0, s20;
	[sflag:s22] =	ssyncset.done $0x0  }
0xa6: {  	[sflag:s22] =	ssyncadd.s32 s4;
	_ =	sdelay $0x1  }
0xa7: {  	s23 =	simm.s32 $0x1B8B  }
0xa8: {  	_ =	swait.ge [sflag:s23], $0x1  }
0xa9: {  	[sflag:s23] =	ssyncset.done $0x0  }
0xaa: {  	s25 =	simm.s32 $0x1B8E;
	s24 =	sld [smem:$0x3FFE];
	[sflag:s23] =	ssyncadd.s32 $0xFFFFFFFF  }
0xab: {  	s26 =	simm.s32 $execute0_lowered;
	[smem:$0x3FD2] =	sst s25  }
0xac: {  	s5 =	sshll.u32 s26, $0x1;
	_ =	strace $0x80000046;
	[dreg:$0x1] =	wrdreg $0xFFFFFFFF  }
0xad: {  	s28 =	simm.s32 $_size_execute0_lowered;
	s3 =	sadd.s32 s3, s5;
	[dreg:$0x0] =	wrdreg $0x0  }
0xae: {  	s5 =	sshll.u32 s28, $0x1;
	[dreg:$0x2] =	wrdreg s3  }
0xaf: {  	[dreg:$0x3] =	wrdreg s5  }
0xb0: {  	[dreg:$0x4] =	wrdreg $0xC0  }
0xb1: {  	_ =	task [dreg:s7], $0x5FFFF  }
0xb2: {  	[dreg:$0x1] =	wrdreg $0xFFFFFFFF  }
0xb3: {  	[dreg:$0x0] =	wrdreg $0x60  }
0xb4: {  	[dreg:$0x2] =	wrdreg s16  }
0xb5: {  	[dreg:$0x3] =	wrdreg s24  }
0xb6: {  	[dreg:$0x4] =	wrdreg $0x1C3000  }
0xb7: {  	[dreg:$0x5] =	wrdreg $0x17F000  }
0xb8: {  	[dreg:$0x6] =	wrdreg $0x1BF000  }
0xb9: {  	[dreg:$0x7] =	wrdreg $0x9  }
0xba: {  	_ =	task.clear_ibuf [dreg:s7], $0x8FFFF;
	_ =	strace $0x90000046  }
0xbb: {  	s29 =	simm.s32 $0x9;
	_ =	strace $0x80000048  }
0xbc: {  	_ =	swait.ge [sflag:s29], $0x1  }
0xbd: {  	[sflag:s29] =	ssyncadd.s32 $0xFFFFFFFF  }
0xbe: {  	_ =	strace $0x90000048  }
0xbf: {  	_ =	sfence  }
0xc0: {  	s30 =	sld [smem:$0x0];
	_ =	sdelay $0x2  }
0xc1: {  	s31 =	sshll.u32 s1, $0xD;
	s1 =	sshrl.u32 s1, $0x2  }
0xc2: {  	s3 =	sand.u32 $0x4000, s31;
	s1 =	sadd.s32 s1, s30  }
0xc3: {  	s0 =	sor.u32 s3, s0;
	s1 =	sshll.u32 s1, $0x11  }
0xc4: {  	s0 =	sor.u32 s1, s0  }
0xc5: {  	s0 =	sadd.s32 $0x8F2B, s0  }
0xc6: {  	[sflag:s0] =	ssyncadd.remote.s32 $0x1  }
0xc7: {  	_ =	sfence.sel $0xFFFF  }
0xc8: {  	[dreg:$0x0] =	wrdreg $0xFFFFFFFF;
	(pc) =	sbr.abs _section_cstart, $3  }
0xc9: {  	[dreg:$0x1] =	wrdreg $0xFFFFFFFF  }
0xca: {  	_ =	task.clear_ibuf [dreg:s7], $0x2FFFF;
	_ =	strace $0x9FFFFFFF  }
0xcb: {  	(tm) =	ssettm $0x7FFFFFFF  }
tec
execute0_lowered:
.L_overlay_start_1:
0x0: {  	(tag) =	ssettag $0x1  }
0x1: {  	s0 =	rddreg [dreg:$0x0]  }
0x2: {  	s1 =	rddreg [dreg:$0x1]  }
0x3: {  	s2 =	rddreg [dreg:$0x3]  }
0x4: {  	s9 =	rddreg [dreg:$0x4]  }
0x5: {  	s3 =	srdreg.scid;
	s4 =	stileid.u32;
	s6 =	simm.s32 $0x0  }
0x6: {  	s31 =	sshll.u32 s4, $0xA;
	[smem:$0x7FF] =	sst s6;
	s11 =	sshll.u32 s4, $0xE  }
0x7: {  	_ =	strace $0x80000047;
	s12 =	sadd.s32 s11, s2;
	[dreg:$0x6] =	wrdreg s31  }
0x8: {  	s3 =	sand.u32 $0x1, s3;
	s16 =	sadd.s32 s31, s9;
	[dreg:$0xc] =	wrdreg s12  }
0x9: {  	s30 =	sshll.u32 s3, $0xB;
	s13 =	sadd.s32 s31, s2;
	[dreg:$0x12] =	wrdreg s16  }
0xa: {  	s0 =	sadd.s32 s0, s30;
	[dreg:$0xd] =	wrdreg s13  }
0xb: {  	s2 =	sadd.s32 $0x80, s13;
	[dreg:$0xa] =	wrdreg s0  }
0xc: {  	s14 =	sadd.s32 $0x100, s13;
	[dreg:$0xe] =	wrdreg s2  }
0xd: {  	s15 =	sadd.s32 $0x180, s13;
	[dreg:$0xf] =	wrdreg s14  }
0xe: {  	s18 =	sadd.s32 $0x200, s13;
	[dreg:$0x10] =	wrdreg s15  }
0xf: {  	s19 =	sadd.s32 $0x20000, s13;
	[dreg:$0x14] =	wrdreg s18  }
0x10: {  	s26 =	smul.u32 $0x520, s4;
	s20 =	sadd.s32 $0x20200, s13;
	[dreg:$0x15] =	wrdreg s19  }
0x11: {  	s7 =	sshll.u32 s4, $0x8;
	s21 =	sadd.s32 $0x280, s13;
	[dreg:$0x16] =	wrdreg s20  }
0x12: {  	p0 =	sne.s32 s4, $0x0;
	s22 =	sadd.s32 $0x20080, s13;
	[dreg:$0x17] =	wrdreg s21  }
0x13: {  	s5 =	sshll.u32 s3, $0xE;
	s23 =	sadd.s32 $0x20280, s13;
	[dreg:$0x18] =	wrdreg s22  }
0x14: {  	s8 =	ssub.s32 $0x2, s3;
	s24 =	sadd.s32 $0x300, s13;
	[dreg:$0x19] =	wrdreg s23  }
0x15: {  	s5 =	sor.u32 s31, s5;
	s25 =	sadd.s32 $0x20100, s13;
	[dreg:$0x1a] =	wrdreg s24  }
0x16: {  	s6 =	sadd.s32 s26, s1;
	s26 =	sadd.s32 $0x20300, s13;
	[dreg:$0x1b] =	wrdreg s25  }
0x17: {  	s28 =	sshrl.u32 s8, $0x1;
	s30 =	sadd.s32 $0x20380, s13;
	[dreg:$0x1c] =	wrdreg s26  }
0x18: {  	s5 =	sshrl.u32 s5, $0x3;
	s29 =	sadd.s32 $0x11200, s6;
	[dreg:$0x1f] =	wrdreg s30  }
0x19: {  	s10 =	sadd.s32 $0x16400, s6;
	s6 =	sadd.s32 $0x1B600, s6;
	[dreg:$0x7] =	wrdreg s29  }
0x1a: {  	s5 =	sadd.s32 s5, s1;
	s1 =	sadd.s32 s7, s1;
	[dreg:$0x8] =	wrdreg s10  }
0x1b: {  	s7 =	ssub.s32 s8, s28;
	[dreg:$0x9] =	wrdreg s6;
	s28 =	sadd.s32 $0x380, s13  }
0x1c: {  	s11 =	simm.s32 $0x4;
	s29 =	sadd.s32 $0x20180, s13;
	[dreg:$0x1d] =	wrdreg s28  }
0x1d: {  	s10 =	sshll.u32 s3, $0x6;
	s8 =	sadd.s32 $0x1200, s5;
	[dreg:$0x1e] =	wrdreg s29  }
0x1e: {  	s0 =	sadd.s32 s10, s1;
	s17 =	smax.u32 s7, $0x1;
	[dreg:$0xb] =	wrdreg s8  }
0x1f: {  	s6 =	simm.s32 $0xBB00;
	s0 =	sadd.s32 $0x20800, s0;
	[dreg:$0x13] =	wrdreg s17  }
0x20: {  	v0 =	vimm.f32 $0.0e+00;
	s3 =	simm.s32 $0x0;
	[dreg:$0x11] =	wrdreg s0;
	s0 =	simm.s32 $0x7B00  }
.LBB2_1:
0x21: {  	[smem:$0x7FD] =	sst s3  }
0x22: {  	s22 =	simm.s32 $0x0;
	s1 =	rddreg [dreg:$0x7]  }
0x23: {  	[tilespmem:s22], [sflag:$0x4] =	stream.linear.gather [hbm4b:s1+s22], $0x2900, $0x38;
	[tilespmem:$0x1C700] =	vst v63  }
0x24: {  	_ =	swait.ge [sflag:s11], $0x2900  }
0x25: {  	[sflag:s11] =	ssyncset.done $0x0  }
0x26: {  	s2 =	simm.s32 $0x2900;
	s23 =	rddreg [dreg:$0x8];
	[sflag:s11] =	ssyncadd.s32 $0xFFFFD700  }
0x27: {  	[tilespmem:s2], [sflag:$0x4] =	stream.linear.gather [hbm4b:s23+s22], $0x2900, $0x38;
	[tilespmem:$0x1C700] =	vst v63  }
0x28: {  	_ =	swait.ge [sflag:s11], $0x2900  }
0x29: {  	[sflag:s11] =	ssyncset.done $0x0  }
0x2a: {  	s25 =	simm.s32 $0x5200;
	s24 =	rddreg [dreg:$0x9];
	[sflag:s11] =	ssyncadd.s32 $0xFFFFD700  }
0x2b: {  	[tilespmem:s25], [sflag:$0x4] =	stream.linear.gather [hbm4b:s24+s22], $0x2900, $0x38;
	[tilespmem:$0x1C700] =	vst v63  }
0x2c: {  	_ =	swait.ge [sflag:s11], $0x2900  }
0x2d: {  	[sflag:s11] =	ssyncset.done $0x0  }
0x2e: {  	s26 =	rddreg [dreg:$0xa];
	[sflag:s11] =	ssyncadd.s32 $0xFFFFD700  }
0x2f: {  	[tilespmem:s0], [sflag:$0x4] =	stream.linear.gather [hbm4b:s26+s22], $0x4000, $0x38;
	[tilespmem:$0x1C700] =	vst v63  }
0x30: {  	_ =	swait.ge [sflag:s11], $0x4000  }
0x31: {  	s29 =	simm.s32 $0x400;
	s4 =	simm.s32 $0x8000;
	[sflag:s11] =	ssyncset.done $0x0  }
0x32: {  	s5 =	simm.s32 $0x13B00;
	s28 =	rddreg [dreg:$0xb];
	[sflag:s11] =	ssyncadd.s32 $0xFFFFC000  }
0x33: {  	[tilespmem:s5], [sflag:$0x4] =	stream.strided.gather [hbm4b:s28+s29], $0x4000, s4, s29, $0x38;
	[tilespmem:$0x1C700] =	vst v63  }
0x34: {  	s1 =	simm.s32 $0x0;
	_ =	swait.ge [sflag:s11], $0x4000  }
0x35: {  	s3 =	sand.u32 $0x3E00, s22;
	s30 =	sand.u32 $0x70, s1;
	[sflag:s11] =	ssyncset.done $0x0  }
0x36: {  	s2 =	sor.u32 s30, s3;
	[sflag:s11] =	ssyncadd.s32 $0xFFFFC000  }
0x37: {  	[tilespmem:s2+$0xBB00] =	vst v0;
	s2 =	simm.s32 $0x0  }
.LBB2_2:
0x38: {  	s1 =	sadd.s32 $0x10, s1  }
0x39: {  	p1 =	slt.u32 s1, $0xFF0  }
.Ltmp0:
0x3a: {  	_ = 	snop;
	(pc) =	sbr.rel @p1 .LBB2_2-.Ltmp0, $4  }
0x3b: {  	s2 =	sadd.s32 $0x40, s2  }
0x3c: {  	s3 =	sand.u32 $0x70, s1;
	s4 =	sand.u32 $0x3E00, s2  }
0x3d: {  	s3 =	sor.u32 s3, s4  }
0x3e: {  	[tilespmem:s3+$0xBB00] =	vst v0  }
0x3f: {  	s1 =	simm.s32 $0x0;
	s3 =	simm.s32 $0x0  }
0x40: {  	s4 =	sand.u32 $0x70, s3;
	s2 =	sand.u32 $0x3E00, s1  }
0x41: {  	s4 =	sor.u32 s4, s2  }
0x42: {  	[tilespmem:s4+$0xBB80] =	vst v0;
	s4 =	simm.s32 $0x0  }
.LBB2_4:
0x43: {  	s3 =	sadd.s32 $0x10, s3  }
0x44: {  	p1 =	slt.u32 s3, $0xFF0  }
.Ltmp1:
0x45: {  	_ = 	snop;
	(pc) =	sbr.rel @p1 .LBB2_4-.Ltmp1, $4  }
0x46: {  	s4 =	sadd.s32 $0x40, s4  }
0x47: {  	s5 =	sand.u32 $0x70, s3;
	s7 =	sand.u32 $0x3E00, s4  }
0x48: {  	s5 =	sor.u32 s5, s7  }
0x49: {  	[tilespmem:s5+$0xBB80] =	vst v0  }
0x4a: {  	s3 =	simm.s32 $0x0  }
0x4b: {  	s4 =	sand.u32 $0x70, s3  }
0x4c: {  	s2 =	sor.u32 s4, s2  }
0x4d: {  	[tilespmem:s2+$0xBC00] =	vst v0  }
.LBB2_6:
0x4e: {  	s3 =	sadd.s32 $0x10, s3  }
0x4f: {  	p1 =	slt.u32 s3, $0xFF0  }
.Ltmp2:
0x50: {  	_ = 	snop;
	(pc) =	sbr.rel @p1 .LBB2_6-.Ltmp2, $4  }
0x51: {  	s1 =	sadd.s32 $0x40, s1  }
0x52: {  	s2 =	sand.u32 $0x70, s3;
	s4 =	sand.u32 $0x3E00, s1  }
0x53: {  	s2 =	sor.u32 s2, s4  }
0x54: {  	[tilespmem:s2+$0xBC00] =	vst v0  }
0x55: {  	s1 =	simm.s32 $0x0;
	s2 =	simm.s32 $0x0  }
0x56: {  	s3 =	sand.u32 $0x70, s2;
	s4 =	sand.u32 $0x3E00, s1  }
0x57: {  	s3 =	sor.u32 s3, s4  }
0x58: {  	[tilespmem:s3+$0xBC80] =	vst v0  }
.LBB2_8:
0x59: {  	s2 =	sadd.s32 $0x10, s2  }
0x5a: {  	p1 =	slt.u32 s2, $0xFF0  }
.Ltmp3:
0x5b: {  	_ = 	snop;
	(pc) =	sbr.rel @p1 .LBB2_8-.Ltmp3, $4  }
0x5c: {  	s1 =	sadd.s32 $0x40, s1  }
0x5d: {  	s3 =	sand.u32 $0x70, s2;
	s4 =	sand.u32 $0x3E00, s1  }
0x5e: {  	s3 =	sor.u32 s3, s4  }
0x5f: {  	[tilespmem:s3+$0xBC80] =	vst v0  }
0x60: {  	s1 =	simm.s32 @!p0 $0xBB00;
	s2 =	rddreg [dreg:$0x2]  }
0x61: {  	[spmem:s2] =	stream.linear.scatter @!p0 [tilespmem:s1], [sflag:$0x4], $0x4000, $0x38;
	[tilespmem:$0x1C700] =	vst v63  }
0x62: {  	s1 =	simm.s32 @!p0 $0x4  }
0x63: {  	_ =	swait.ge @!p0 [sflag:s1], $0x4000  }
0x64: {  	[sflag:s1] =	ssyncset.done @!p0 $0x0  }
0x65: {  	[sflag:s1] =	ssyncadd.s32 @!p0 $0xFFFFC000  }
0x66: {  	s7 =	simm.s32 $0x0;
	[bflag:$0x0] =	sbarrier.arrive $0xFFFF  }
0x67: {  	[tilespmem:s6], [sflag:$0x3] =	stream.linear.gather [spmem:s2], $0x4000, $0x38;
	[tilespmem:$0x1C700] =	vst v63  }
.LBB2_10:
0x68: {  	s1 =	simm.s32 $0x3  }
0x69: {  	_ =	swait.ge [sflag:s1], $0x4000  }
0x6a: {  	[sflag:s1] =	ssyncset.done $0x0  }
0x6b: {  	s2 =	simm.s32 $0x10;
	[sflag:s1] =	ssyncadd.s32 $0xFFFFC000  }
0x6c: {  	v1 =	vld [tilespmem:s2+$0x0];
	_ =	sdelay $0x3  }
0x6d: {  	v3 =	vld [tilespmem:s2+$0xFFFFFFF0]  }
0x6e: {  	v2 =	vshll.u32 v1, $0x2  }
0x6f: {  	s25 =	simm.s32 $0x2910;
	v1 =	vand.u32 $0x7F, v1;
	v2 =	vand.u32 $0xFFFFFE00, v2  }
0x70: {  	v1 =	vor.u32 v1, v2;
	v2 =	vld [tilespmem:s25+$0x0];
	_ =	sdelay $0x1  }
0x71: {  	v4 =	vshll.u32 v3, $0x2  }
0x72: {  	s3 =	simm.s32 $0x5210;
	v3 =	vand.u32 $0x7F, v3;
	v4 =	vand.u32 $0xFFFFFE00, v4  }
0x73: {  	v3 =	vor.u32 v3, v4;
	v4 =	vld [tilespmem:s3+$0x0]  }
0x74: {  	v5 =	vld.idx.msk [tilespmem:v1+s0+$0x0], $0xffff;
	v6 =	vshll.u32 v2, $0x2  }
0x75: {  	v2 =	vand.u32 $0x7F, v2;
	v6 =	vand.u32 $0xFFFFFE00, v6  }
0x76: {  	v7 =	vld [tilespmem:s25+$0xFFFFFFF0];
	v6 =	vor.u32 v2, v6;
	_ =	sdelay $0x1  }
0x77: {  	v2 =	vor.u32 $0x80, v1  }
0x78: {  	v12 =	vld [tilespmem:s3+$0xFFFFFFF0];
	v5 =	vmul.f32 v5, v4  }
0x79: {  	v8 =	vld.idx.msk [tilespmem:v3+s0+$0x0], $0xffff  }
0x7a: {  	s26 =	simm.s32 $0x30;
	v9 =	vshll.u32 v7, $0x2;
	[tilespmem:v6+s6+$0x0] =	vst.idx.add.f32.msk $0xffff, v5  }
0x7b: {  	v5 =	vand.u32 $0x7F, v7;
	v7 =	vand.u32 $0xFFFFFE00, v9;
	v9 =	vld [tilespmem:s26+$0x0]  }
0x7c: {  	v2 =	vld.idx.msk [tilespmem:v2+s0+$0x0], $0xffff  }
0x7d: {  	v5 =	vor.u32 v5, v7;
	v7 =	vld [tilespmem:s26+$0xFFFFFFF0]  }
0x7e: {  	v10 =	vor.u32 $0x80, v6  }
0x7f: {  	v13 =	vor.u32 $0x80, v3  }
0x80: {  	s28 =	simm.s32 $0x2930;
	v11 =	vor.u32 $0x100, v1;
	v8 =	vmul.f32 v8, v12  }
0x81: {  	v15 =	vld [tilespmem:s28+$0x0];
	v14 =	vshll.u32 v9, $0x2;
	v2 =	vmul.f32 v2, v4  }
0x82: {  	[tilespmem:v5+s6+$0x0] =	vst.idx.add.f32.msk $0xffff, v8;
	v8 =	vand.u32 $0x7F, v9;
	v9 =	vand.u32 $0xFFFFFE00, v14;
	v14 =	vshll.u32 v7, $0x2  }
0x83: {  	v7 =	vand.u32 $0x7F, v7;
	v8 =	vor.u32 v8, v9;
	v9 =	vand.u32 $0xFFFFFE00, v14;
	[tilespmem:v10+s6+$0x0] =	vst.idx.add.f32.msk $0xffff, v2  }
0x84: {  	v7 =	vor.u32 v7, v9;
	v9 =	vld.idx.msk [tilespmem:v13+s0+$0x0], $0xffff  }
0x85: {  	s29 =	simm.s32 $0x5230;
	v2 =	vld.idx.msk [tilespmem:v11+s0+$0x0], $0xffff  }
0x86: {  	v17 =	vor.u32 $0x80, v5;
	v14 =	vor.u32 $0x180, v1;
	v1 =	vld [tilespmem:s29+$0x0]  }
0x87: {  	v10 =	vld [tilespmem:s28+$0xFFFFFFF0];
	v11 =	vor.u32 $0x100, v6  }
0x88: {  	v16 =	vor.u32 $0x100, v3;
	v13 =	vld.idx.msk [tilespmem:v8+s0+$0x0], $0xffff  }
0x89: {  	v18 =	vshll.u32 v15, $0x2;
	v19 =	vld.idx.msk [tilespmem:v7+s0+$0x0], $0xffff;
	v9 =	vmul.f32 v9, v12  }
0x8a: {  	v15 =	vand.u32 $0x7F, v15;
	v18 =	vand.u32 $0xFFFFFE00, v18;
	v20 =	vmul.f32 v2, v4;
	v2 =	vld [tilespmem:s29+$0xFFFFFFF0]  }
0x8b: {  	v22 =	vor.u32 v15, v18;
	[tilespmem:v17+s6+$0x0] =	vst.idx.add.f32.msk $0xffff, v9  }
0x8c: {  	[tilespmem:v11+s6+$0x0] =	vst.idx.add.f32.msk $0xffff, v20;
	v11 =	vshll.u32 v10, $0x2  }
0x8d: {  	s30 =	simm.s32 $0x50;
	v15 =	vor.u32 $0x80, v8;
	v10 =	vand.u32 $0x7F, v10;
	v9 =	vld.idx.msk [tilespmem:v16+s0+$0x0], $0xffff;
	v11 =	vand.u32 $0xFFFFFE00, v11  }
0x8e: {  	v18 =	vld [tilespmem:s30+$0xFFFFFFF0];
	v13 =	vmul.f32 v13, v1;
	v10 =	vor.u32 v10, v11  }
0x8f: {  	v16 =	vor.u32 $0x100, v5;
	v14 =	vld.idx.msk [tilespmem:v14+s0+$0x0], $0xffff  }
0x90: {  	[tilespmem:v22+s6+$0x0] =	vst.idx.add.f32.msk $0xffff, v13  }
0x91: {  	v6 =	vor.u32 $0x180, v6;
	v13 =	vld [tilespmem:s30+$0x0];
	v17 =	vmul.f32 v19, v2  }
0x92: {  	v11 =	vor.u32 $0x80, v7;
	v15 =	vld.idx.msk [tilespmem:v15+s0+$0x0], $0xffff;
	v9 =	vmul.f32 v9, v12  }
0x93: {  	[tilespmem:v10+s6+$0x0] =	vst.idx.add.f32.msk $0xffff, v17  }
0x94: {  	s2 =	simm.s32 $0x2950;
	v4 =	vmul.f32 v14, v4;
	v14 =	vor.u32 $0x80, v22;
	[tilespmem:v16+s6+$0x0] =	vst.idx.add.f32.msk $0xffff, v9  }
0x95: {  	v17 =	vor.u32 $0x100, v8;
	v16 =	vld [tilespmem:s2+$0xFFFFFFF0]  }
0x96: {  	[tilespmem:v6+s6+$0x0] =	vst.idx.add.f32.msk $0xffff, v4;
	v4 =	vor.u32 $0x180, v3;
	v3 =	vshll.u32 v13, $0x2  }
0x97: {  	v11 =	vld.idx.msk [tilespmem:v11+s0+$0x0], $0xffff;
	v9 =	vand.u32 $0x7F, v13;
	v6 =	vmul.f32 v15, v1;
	v3 =	vand.u32 $0xFFFFFE00, v3  }
0x98: {  	v13 =	vshll.u32 v18, $0x2;
	v15 =	vld [tilespmem:s2+$0x0];
	v3 =	vor.u32 v9, v3  }
0x99: {  	v13 =	vand.u32 $0xFFFFFE00, v13;
	v9 =	vand.u32 $0x7F, v18;
	[tilespmem:v14+s6+$0x0] =	vst.idx.add.f32.msk $0xffff, v6  }
0x9a: {  	s3 =	simm.s32 $0x5250;
	v14 =	vor.u32 v9, v13;
	v6 =	vld.idx.msk [tilespmem:v17+s0+$0x0], $0xffff  }
0x9b: {  	v21 =	vor.u32 $0x80, v10;
	v13 =	vld [tilespmem:s3+$0x0]  }
0x9c: {  	v17 =	vor.u32 $0x100, v22;
	v18 =	vld.idx.msk [tilespmem:v4+s0+$0x0], $0xffff  }
0x9d: {  	v23 =	vor.u32 $0x100, v7;
	v20 =	vor.u32 $0x180, v8;
	v4 =	vshll.u32 v15, $0x2;
	v19 =	vld.idx.msk [tilespmem:v3+s0+$0x0], $0xffff  }
0x9e: {  	v8 =	vld [tilespmem:s3+$0xFFFFFFF0];
	v11 =	vmul.f32 v11, v2;
	v9 =	vand.u32 $0x7F, v15;
	v15 =	vand.u32 $0xFFFFFE00, v4  }
0x9f: {  	v7 =	vor.u32 $0x180, v7;
	v24 =	vld.idx.msk [tilespmem:v14+s0+$0x0], $0xffff;
	v25 =	vmul.f32 v6, v1;
	v6 =	vor.u32 v9, v15  }
0xa0: {  	v26 =	vor.u32 $0x80, v3;
	v4 =	vor.u32 $0x180, v5;
	v5 =	vor.u32 $0x180, v10;
	[tilespmem:v21+s6+$0x0] =	vst.idx.add.f32.msk $0xffff, v11  }
0xa1: {  	v11 =	vor.u32 $0x100, v14;
	v9 =	vor.u32 $0x100, v10;
	v10 =	vshll.u32 v16, $0x2;
	[tilespmem:v17+s6+$0x0] =	vst.idx.add.f32.msk $0xffff, v25  }
0xa2: {  	v16 =	vand.u32 $0x7F, v16;
	v17 =	vld.idx.msk [tilespmem:v20+s0+$0x0], $0xffff;
	v20 =	vand.u32 $0xFFFFFE00, v10;
	v63 =	vmul.f32 v19, v13  }
0xa3: {  	v15 =	vor.u32 $0x80, v14;
	v10 =	vor.u32 $0x180, v14;
	v19 =	vld.idx.msk [tilespmem:v23+s0+$0x0], $0xffff;
	v21 =	vor.u32 v16, v20  }
0xa4: {  	v14 =	vmul.f32 v18, v12;
	v23 =	vmul.f32 v24, v8;
	v20 =	vor.u32 $0x180, v22;
	[tilespmem:v6+s6+$0x0] =	vst.idx.add.f32.msk $0xffff, v63  }
0xa5: {  	s4 =	simm.s32 $0x40;
	s5 =	simm.s32 $0x70;
	v12 =	vor.u32 $0x80, v21;
	v18 =	vor.u32 $0x100, v21;
	v16 =	vor.u32 $0x180, v21;
	v22 =	vld.idx.msk [tilespmem:v26+s0+$0x0], $0xffff  }
.LBB2_11:
0xa6: {  	v24 =	vld [tilespmem:s5+$0x0];
	s4 =	sadd.s32 $0x20, s4  }
0xa7: {  	v17 =	vmul.f32 v17, v1;
	v1 =	vmov v13;
	v25 =	vld [tilespmem:s5+$0xFFFFFFF0];
	p1 =	slt.u32 s4, $0x28E0  }
0xa8: {  	v13 =	vor.u32 $0x80, v6;
	[tilespmem:v21+s6+$0x0] =	vst.idx.add.f32.msk $0xffff, v23  }
0xa9: {  	v21 =	vor.u32 $0x100, v3;
	v19 =	vmul.f32 v19, v2;
	[tilespmem:v20+s6+$0x0] =	vst.idx.add.f32.msk $0xffff, v17  }
0xaa: {  	v17 =	vld.idx.msk [tilespmem:v15+s0+$0x0], $0xffff  }
0xab: {  	s2 =	sadd.s32 $0x20, s2;
	v20 =	vmul.f32 v22, v1;
	v15 =	vshll.u32 v24, $0x2;
	[tilespmem:v9+s6+$0x0] =	vst.idx.add.f32.msk $0xffff, v19;
	v9 =	vmov v18  }
0xac: {  	v22 =	vand.u32 $0x7F, v24;
	v18 =	vshll.u32 v25, $0x2;
	v19 =	vld [tilespmem:s2+$0x0];
	v15 =	vand.u32 $0xFFFFFE00, v15  }
0xad: {  	v23 =	vand.u32 $0x7F, v25;
	v18 =	vand.u32 $0xFFFFFE00, v18;
	v22 =	vor.u32 v22, v15;
	[tilespmem:v13+s6+$0x0] =	vst.idx.add.f32.msk $0xffff, v20  }
0xae: {  	v18 =	vor.u32 v23, v18;
	v20 =	vld.idx.msk [tilespmem:v21+s0+$0x0], $0xffff  }
0xaf: {  	v21 =	vld [tilespmem:s2+$0xFFFFFFF0];
	v15 =	vor.u32 $0x80, v18;
	v23 =	vor.u32 $0x100, v18;
	v13 =	vor.u32 $0x180, v18  }
0xb0: {  	v24 =	vmul.f32 v17, v8;
	v17 =	vld.idx.msk [tilespmem:v7+s0+$0x0], $0xffff;
	v7 =	vmov v10;
	v10 =	vmov v13  }
0xb1: {  	v25 =	vor.u32 $0x100, v6;
	[tilespmem:v4+s6+$0x0] =	vst.idx.add.f32.msk $0xffff, v14;
	v4 =	vmov v5;
	v5 =	vmov v16  }
0xb2: {  	v26 =	vor.u32 $0x180, v3;
	s3 =	sadd.s32 $0x20, s3;
	v3 =	vmov v22;
	v16 =	vld.idx.msk [tilespmem:v22+s0+$0x0], $0xffff  }
0xb3: {  	v14 =	vshll.u32 v19, $0x2;
	v13 =	vld [tilespmem:s3+$0x0]  }
0xb4: {  	v14 =	vand.u32 $0xFFFFFE00, v14;
	v22 =	vld.idx.msk [tilespmem:v18+s0+$0x0], $0xffff;
	v18 =	vand.u32 $0x7F, v19;
	v19 =	vmul.f32 v20, v1  }
0xb5: {  	v20 =	vand.u32 $0x7F, v21;
	v21 =	vshll.u32 v21, $0x2;
	v27 =	vld [tilespmem:s3+$0xFFFFFFF0];
	v28 =	vor.u32 v18, v14  }
0xb6: {  	v29 =	vor.u32 $0x80, v3;
	v18 =	vand.u32 $0xFFFFFE00, v21;
	v14 =	vmul.f32 v17, v2;
	v2 =	vmovc v8;
	[tilespmem:v25+s6+$0x0] =	vst.idx.add.f32.msk $0xffff, v19  }
.Ltmp4:
0xb7: {  	v21 =	vor.u32 v20, v18;
	v17 =	vld.idx.msk [tilespmem:v26+s0+$0x0], $0xffff;
	(pc) =	sbr.rel @p1 .LBB2_11-.Ltmp4, $4  }
0xb8: {  	v18 =	vor.u32 $0x100, v21;
	v25 =	vmul.f32 v16, v13;
	[tilespmem:v12+s6+$0x0] =	vst.idx.add.f32.msk $0xffff, v24;
	v12 =	vor.u32 $0x80, v21  }
0xb9: {  	v16 =	vor.u32 $0x180, v21;
	v19 =	vld.idx.msk [tilespmem:v11+s0+$0x0], $0xffff;
	v11 =	vmov v23  }
0xba: {  	v20 =	vor.u32 $0x180, v6;
	v6 =	vmovc v28;
	v23 =	vmul.f32 v22, v27;
	[tilespmem:v28+s6+$0x0] =	vst.idx.add.f32.msk $0xffff, v25;
	v8 =	vmov v27  }
0xbb: {  	s5 =	sadd.s32 $0x20, s5;
	v22 =	vld.idx.msk [tilespmem:v29+s0+$0x0], $0xffff  }
0xbc: {  	_ =	sdelay $0x3  }
0xbd: {  	[tilespmem:v21+s6+$0x0] =	vst.idx.add.f32.msk $0xffff, v23  }
0xbe: {  	v55 =	vor.u32 $0x80, v6;
	v15 =	vld.idx.msk [tilespmem:v15+s0+$0x0], $0xffff  }
0xbf: {  	v56 =	vor.u32 $0x100, v3;
	_ =	sdelay $0x1  }
0xc0: {  	v22 =	vmul.f32 v22, v13;
	_ =	sdelay $0x1  }
0xc1: {  	[tilespmem:v55+s6+$0x0] =	vst.idx.add.f32.msk $0xffff, v22;
	v15 =	vmul.f32 v15, v8  }
0xc2: {  	v21 =	vld.idx.msk [tilespmem:v56+s0+$0x0], $0xffff  }
0xc3: {  	[tilespmem:v12+s6+$0x0] =	vst.idx.add.f32.msk $0xffff, v15  }
0xc4: {  	v57 =	vor.u32 $0x100, v6;
	v11 =	vld.idx.msk [tilespmem:v11+s0+$0x0], $0xffff  }
0xc5: {  	v3 =	vor.u32 $0x180, v3;
	v58 =	vmul.f32 v19, v2;
	_ =	sdelay $0x1  }
0xc6: {  	[tilespmem:v9+s6+$0x0] =	vst.idx.add.f32.msk $0xffff, v58;
	v9 =	vmul.f32 v21, v13  }
0xc7: {  	v7 =	vld.idx.msk [tilespmem:v7+s0+$0x0], $0xffff  }
0xc8: {  	[tilespmem:v57+s6+$0x0] =	vst.idx.add.f32.msk $0xffff, v9;
	v9 =	vmul.f32 v11, v8  }
0xc9: {  	v3 =	vld.idx.msk [tilespmem:v3+s0+$0x0], $0xffff  }
0xca: {  	[tilespmem:v18+s6+$0x0] =	vst.idx.add.f32.msk $0xffff, v9  }
0xcb: {  	v6 =	vor.u32 $0x180, v6;
	v9 =	vld.idx.msk [tilespmem:v10+s0+$0x0], $0xffff  }
0xcc: {  	v1 =	vmul.f32 v17, v1;
	_ =	sdelay $0x1  }
0xcd: {  	[tilespmem:v20+s6+$0x0] =	vst.idx.add.f32.msk $0xffff, v1;
	v1 =	vmul.f32 v3, v13  }
0xce: {  	[tilespmem:v4+s6+$0x0] =	vst.idx.add.f32.msk $0xffff, v14;
	v2 =	vmul.f32 v7, v2  }
0xcf: {  	[tilespmem:v6+s6+$0x0] =	vst.idx.add.f32.msk $0xffff, v1;
	v1 =	vmul.f32 v9, v8  }
0xd0: {  	[tilespmem:v5+s6+$0x0] =	vst.idx.add.f32.msk $0xffff, v2  }
0xd1: {  	[tilespmem:v16+s6+$0x0] =	vst.idx.add.f32.msk $0xffff, v1  }
0xd2: {  	s4 =	simm.s32 $0x1;
	s1 =	rddreg [dreg:$0xc]  }
0xd3: {  	[spmem:s1] =	stream.linear.scatter [tilespmem:s6], [sflag:$0x1], $0x4000, $0x38;
	[tilespmem:$0x1C700] =	vst v63  }
0xd4: {  	_ =	swait.ge [sflag:s4], $0x4000  }
0xd5: {  	[sflag:s4] =	ssyncset.done $0x0  }
0xd6: {  	[sflag:s4] =	ssyncadd.s32 $0xFFFFC000  }
0xd7: {  	s1 =	rddreg [dreg:$0x2]  }
0xd8: {  	[tilespmem:s6], [sflag:$0x3] =	stream.linear.gather [spmem:s1], $0x4000, $0x38;
	[tilespmem:$0x1C700] =	vst v63  }
0xd9: {  	s2 =	simm.s32 $0x80;
	[bflag:$0x0] =	sbarrier.arrive $0xFFFF  }
0xda: {  	s3 =	simm.s32 $0x4000;
	s4 =	simm.s32 $0xFB00;
	s5 =	rddreg [dreg:$0xd]  }
0xdb: {  	[tilespmem:s4], [sflag:$0x4] =	stream.strided.gather [spmem:s5], $0x400, s3, s2, $0x38;
	[tilespmem:$0x1C700] =	vst v63  }
0xdc: {  	s9 =	simm.s32 $0xFF00;
	s8 =	rddreg [dreg:$0x14]  }
0xdd: {  	[tilespmem:s9], [sflag:$0x4] =	stream.strided.gather [spmem:s8], $0x400, s3, s2, $0x38;
	[tilespmem:$0x1C700] =	vst v63  }
0xde: {  	s12 =	simm.s32 $0x10300;
	s10 =	rddreg [dreg:$0x15]  }
0xdf: {  	[tilespmem:s12], [sflag:$0x4] =	stream.strided.gather [spmem:s10], $0x400, s3, s2, $0x38;
	[tilespmem:$0x1C700] =	vst v63  }
0xe0: {  	s14 =	simm.s32 $0x10700;
	s13 =	rddreg [dreg:$0x16]  }
0xe1: {  	[tilespmem:s14], [sflag:$0x4] =	stream.strided.gather [spmem:s13], $0x400, s3, s2, $0x38;
	[tilespmem:$0x1C700] =	vst v63  }
0xe2: {  	_ =	swait.ge [sflag:s11], $0x1000  }
0xe3: {  	[sflag:s11] =	ssyncset.done $0x0  }
0xe4: {  	s16 =	simm.s32 $0x10B00;
	s15 =	rddreg [dreg:$0xe];
	[sflag:s11] =	ssyncadd.s32 $0xFFFFF000  }
0xe5: {  	[tilespmem:s16], [sflag:$0x4] =	stream.strided.gather [spmem:s15], $0x400, s3, s2, $0x38;
	[tilespmem:$0x1C700] =	vst v63  }
0xe6: {  	s18 =	simm.s32 $0x10F00;
	s17 =	rddreg [dreg:$0x17]  }
0xe7: {  	[tilespmem:s18], [sflag:$0x4] =	stream.strided.gather [spmem:s17], $0x400, s3, s2, $0x38;
	[tilespmem:$0x1C700] =	vst v63  }
0xe8: {  	s20 =	simm.s32 $0x11300;
	s19 =	rddreg [dreg:$0x18]  }
0xe9: {  	[tilespmem:s20], [sflag:$0x4] =	stream.strided.gather [spmem:s19], $0x400, s3, s2, $0x38;
	[tilespmem:$0x1C700] =	vst v63  }
0xea: {  	s22 =	simm.s32 $0x11700;
	s21 =	rddreg [dreg:$0x19]  }
0xeb: {  	[tilespmem:s22], [sflag:$0x4] =	stream.strided.gather [spmem:s21], $0x400, s3, s2, $0x38;
	[tilespmem:$0x1C700] =	vst v63  }
0xec: {  	_ =	swait.ge [sflag:s11], $0x1000  }
0xed: {  	[sflag:s11] =	ssyncset.done $0x0  }
0xee: {  	s24 =	simm.s32 $0x11B00;
	s23 =	rddreg [dreg:$0xf];
	[sflag:s11] =	ssyncadd.s32 $0xFFFFF000  }
0xef: {  	[tilespmem:s24], [sflag:$0x4] =	stream.strided.gather [spmem:s23], $0x400, s3, s2, $0x38;
	[tilespmem:$0x1C700] =	vst v63  }
0xf0: {  	s26 =	simm.s32 $0x11F00;
	s25 =	rddreg [dreg:$0x1a]  }
0xf1: {  	[tilespmem:s26], [sflag:$0x4] =	stream.strided.gather [spmem:s25], $0x400, s3, s2, $0x38;
	[tilespmem:$0x1C700] =	vst v63  }
0xf2: {  	s8 =	simm.s32 $0x12300;
	s5 =	rddreg [dreg:$0x1b]  }
0xf3: {  	[tilespmem:s8], [sflag:$0x4] =	stream.strided.gather [spmem:s5], $0x400, s3, s2, $0x38;
	[tilespmem:$0x1C700] =	vst v63  }
0xf4: {  	s10 =	simm.s32 $0x12700;
	s9 =	rddreg [dreg:$0x1c]  }
0xf5: {  	[tilespmem:s10], [sflag:$0x4] =	stream.strided.gather [spmem:s9], $0x400, s3, s2, $0x38;
	[tilespmem:$0x1C700] =	vst v63  }
0xf6: {  	s13 =	simm.s32 $0x12B00;
	s15 =	simm.s32 $0x12F00;
	_ =	swait.ge [sflag:s11], $0x1000  }
0xf7: {  	s17 =	simm.s32 $0x13300;
	[sflag:s11] =	ssyncset.done $0x0;
	s12 =	rddreg [dreg:$0x10]  }
0xf8: {  	s20 =	sshll.u32 s7, $0xC;
	s14 =	rddreg [dreg:$0x1d];
	[sflag:s11] =	ssyncadd.s32 $0xFFFFF000  }
0xf9: {  	[tilespmem:s13], [sflag:$0x4] =	stream.strided.gather [spmem:s12], $0x400, s3, s2, $0x38;
	[tilespmem:$0x1C700] =	vst v63  }
0xfa: {  	s19 =	simm.s32 $0x13700;
	s21 =	sshrl.u32 s20, $0x2;
	s16 =	rddreg [dreg:$0x1e]  }
0xfb: {  	[tilespmem:s15], [sflag:$0x4] =	stream.strided.gather [spmem:s14], $0x400, s3, s2, $0x38;
	[tilespmem:$0x1C700] =	vst v63  }
0xfc: {  	s22 =	simm.s32 $0x0;
	s24 =	simm.s32 $0x0;
	s18 =	rddreg [dreg:$0x1f]  }
0xfd: {  	[tilespmem:s17], [sflag:$0x4] =	stream.strided.gather [spmem:s16], $0x400, s3, s2, $0x38;
	[tilespmem:$0x1C700] =	vst v63  }
0xfe: {  	s25 =	sand.u32 $0x3FFFFC00, s24;
	s8 =	sand.u32 $0x70, s22;
	[smem:$0x7FA] =	sst s7  }
0xff: {  	[tilespmem:s19], [sflag:$0x4] =	stream.strided.gather [spmem:s18], $0x400, s3, s2, $0x38;
	[tilespmem:$0x1C700] =	vst v63  }
0x100: {  	s23 =	simm.s32 $0x0;
	s22 =	sor.u32 s8, s25;
	_ =	swait.ge [sflag:s11], $0x1000  }
0x101: {  	s10 =	sadd.s32 $0x13B00, s21;
	s9 =	sand.u32 $0xFFFFFE00, s23;
	[sflag:s11] =	ssyncset.done $0x0  }
0x102: {  	s3 =	sadd.s32 s9, s10;
	[smem:$0x7FB] =	sst s20;
	[sflag:s11] =	ssyncadd.s32 $0xFFFFF000  }
0x103: {  	s23 =	sadd.s32 s8, s3;
	v1 =	vld [tilespmem:s22+$0xFB00]  }
0x104: {  	v2 =	vld [tilespmem:s23+$0x0];
	_ =	sdelay $0x1  }
0x105: {  	v3 =	vld [tilespmem:s22+$0xFB80];
	_ =	sdelay $0x1  }
0x106: {  	v4 =	vld [tilespmem:s22+$0xFC00]  }
0x107: {  	v1 =	vadd.f32 v1, v2  }
0x108: {  	v2 =	vld [tilespmem:s22+$0xFC80]  }
0x109: {  	v1 =	vadd.f32 v3, v1  }
0x10a: {  	v3 =	vld [tilespmem:s22+$0xFD00]  }
0x10b: {  	v1 =	vadd.f32 v4, v1  }
0x10c: {  	v4 =	vld [tilespmem:s22+$0xFD80]  }
0x10d: {  	v1 =	vadd.f32 v2, v1  }
0x10e: {  	v2 =	vld [tilespmem:s22+$0xFE00]  }
0x10f: {  	v1 =	vadd.f32 v3, v1  }
0x110: {  	v3 =	vld [tilespmem:s22+$0xFE80]  }
0x111: {  	v1 =	vadd.f32 v4, v1  }
0x112: {  	s26 =	simm.s32 $0x10;
	s5 =	simm.s32 $0x80;
	v5 =	vld [tilespmem:s22+$0x10300]  }
0x113: {  	s1 =	simm.s32 $0x40;
	s5 =	sand.u32 $0x3FFFFC00, s5;
	s3 =	sand.u32 $0x70, s26;
	v1 =	vadd.f32 v2, v1  }
0x114: {  	s2 =	sand.u32 $0xFFFFFE00, s1;
	s21 =	sor.u32 s3, s5;
	v4 =	vld [tilespmem:s22+$0x10380]  }
0x115: {  	s7 =	sadd.s32 s2, s10;
	v6 =	vld [tilespmem:s21+$0xFB00];
	v1 =	vadd.f32 v3, v1  }
0x116: {  	s24 =	sadd.s32 s3, s7;
	v3 =	vld [tilespmem:s22+$0x10400]  }
0x117: {  	v2 =	vld [tilespmem:s24+$0x0];
	v1 =	vadd.f32 v5, v1  }
0x118: {  	v5 =	vld [tilespmem:s22+$0x10480]  }
0x119: {  	v7 =	vld [tilespmem:s21+$0xFB80];
	v1 =	vadd.f32 v4, v1  }
0x11a: {  	v4 =	vld [tilespmem:s22+$0x10500]  }
0x11b: {  	v8 =	vld [tilespmem:s21+$0xFC00];
	v1 =	vadd.f32 v3, v1  }
0x11c: {  	v3 =	vld [tilespmem:s22+$0x10580]  }
0x11d: {  	v9 =	vld [tilespmem:s21+$0xFC80];
	v2 =	vadd.f32 v6, v2;
	v1 =	vadd.f32 v5, v1  }
0x11e: {  	v5 =	vld [tilespmem:s22+$0x10600]  }
0x11f: {  	v10 =	vld [tilespmem:s21+$0xFD00];
	v2 =	vadd.f32 v7, v2;
	v1 =	vadd.f32 v4, v1  }
0x120: {  	v7 =	vld [tilespmem:s22+$0x10680]  }
0x121: {  	s12 =	simm.s32 $0x80;
	s11 =	simm.s32 $0x20;
	v2 =	vadd.f32 v8, v2;
	v1 =	vadd.f32 v3, v1  }
0x122: {  	s30 =	sand.u32 $0x70, s11;
	s11 =	sand.u32 $0xFFFFFE00, s12;
	v6 =	vld [tilespmem:s21+$0xFD80]  }
0x123: {  	s5 =	sadd.s32 s11, s10;
	v2 =	vadd.f32 v9, v2;
	v1 =	vadd.f32 v5, v1  }
0x124: {  	s13 =	simm.s32 $0x100;
	s25 =	sadd.s32 s30, s5;
	v4 =	vld [tilespmem:s21+$0xFE00]  }
0x125: {  	s14 =	sand.u32 $0x3FFFFC00, s13;
	v11 =	vld [tilespmem:s25+$0x0];
	v2 =	vadd.f32 v10, v2;
	v1 =	vadd.f32 v7, v1  }
0x126: {  	s17 =	sor.u32 s30, s14;
	v3 =	vld [tilespmem:s21+$0xFE80]  }
0x127: {  	v9 =	vld [tilespmem:s17+$0xFB00];
	v2 =	vadd.f32 v6, v2;
	v1 =	vadd.f32 v1, v1  }
0x128: {  	v5 =	vld [tilespmem:s21+$0x10300]  }
0x129: {  	v8 =	vld [tilespmem:s21+$0x10380];
	v2 =	vadd.f32 v4, v2;
	v1 =	vmul.f32 $1.442695020e+00, v1  }
0x12a: {  	v10 =	vld [tilespmem:s17+$0xFB80]  }
0x12b: {  	v59 =	vld [tilespmem:s17+$0xFC00];
	(erf) = vpow2.f32 v1;
	v1 =	vadd.f32 v3, v2  }
0x12c: {  	v7 =	vld [tilespmem:s21+$0x10400]  }
0x12d: {  	v6 =	vld [tilespmem:s21+$0x10480];
	v9 =	vadd.f32 v9, v11;
	v1 =	vadd.f32 v5, v1  }
0x12e: {  	v11 =	vld [tilespmem:s17+$0xFC80]  }
0x12f: {  	v4 =	vld [tilespmem:s21+$0x10500];
	v3 =	vadd.f32 v10, v9;
	v8 =	vadd.f32 v8, v1  }
0x130: {  	v9 =	vld [tilespmem:s17+$0xFD00]  }
0x131: {  	v2 =	vld [tilespmem:s21+$0x10580];
	v3 =	vadd.f32 v59, v3;
	v7 =	vadd.f32 v7, v8  }
0x132: {  	s15 =	sand.u32 $0x3E00, s31;
	v10 =	vld [tilespmem:s17+$0xFD80]  }
0x133: {  	v5 =	vld [tilespmem:s21+$0x10600];
	[smem:$0x7FC] =	sst s15;
	v3 =	vadd.f32 v11, v3;
	v6 =	vadd.f32 v6, v7  }
0x134: {  	s18 =	simm.s32 $0x180;
	s5 =	simm.s32 $0x30;
	v11 =	vld [tilespmem:s17+$0xFE00]  }
0x135: {  	s19 =	sand.u32 $0x3FFFFC00, s18;
	s28 =	sand.u32 $0x70, s5;
	v8 =	vld [tilespmem:s21+$0x10680];
	v3 =	vadd.f32 v9, v3;
	v60 =	vpop (erf);
	v4 =	vadd.f32 v4, v6  }
0x136: {  	s4 =	sor.u32 s28, s19;
	v9 =	vld [tilespmem:s17+$0xFE80];
	v12 =	vadd.f32 $1.000000000e+00, v60  }
0x137: {  	s16 =	simm.s32 $0xC0;
	v61 =	vld [tilespmem:s4+$0xFB00];
	v3 =	vadd.f32 v10, v3;
	v2 =	vadd.f32 v2, v4  }
0x138: {  	s29 =	sand.u32 $0xFFFFFE00, s16;
	v10 =	vld [tilespmem:s17+$0x10300];
	(erf) = vrcp.f32 v12  }
0x139: {  	s20 =	sadd.s32 s29, s10;
	v62 =	vld [tilespmem:s4+$0xFC80];
	v3 =	vadd.f32 v11, v3;
	v2 =	vadd.f32 v5, v2  }
0x13a: {  	s7 =	sadd.s32 s28, s20;
	v7 =	vld [tilespmem:s17+$0x10380]  }
0x13b: {  	v6 =	vld [tilespmem:s7+$0x0];
	v3 =	vadd.f32 v9, v3;
	v2 =	vadd.f32 v8, v2  }
0x13c: {  	v11 =	vld [tilespmem:s17+$0x10400]  }
0x13d: {  	v4 =	vld [tilespmem:s4+$0xFB80];
	v3 =	vadd.f32 v10, v3;
	v2 =	vadd.f32 v2, v2  }
0x13e: {  	v9 =	vld [tilespmem:s17+$0x10480]  }
0x13f: {  	s26 =	sor.u32 s8, s15;
	v10 =	vld [tilespmem:s4+$0xFC00];
	v3 =	vadd.f32 v7, v3;
	v63 =	vmul.f32 $1.442695020e+00, v2  }
0x140: {  	v1 =	vld [tilespmem:s26+$0x7B00];
	v5 =	vadd.f32 v61, v6  }
0x141: {  	v6 =	vld [tilespmem:s17+$0x10500];
	v3 =	vadd.f32 v11, v3;
	v11 =	vpop (erf);
	(erf) = vpow2.f32 v63  }
0x142: {  	v7 =	vld [tilespmem:s4+$0xFD00];
	v4 =	vadd.f32 v4, v5  }
0x143: {  	s7 =	sadd.s32 $0x40, s31;
	v5 =	vld [tilespmem:s17+$0x10580]  }
0x144: {  	s13 =	sand.u32 $0x3E00, s7;
	v8 =	vld [tilespmem:s4+$0xFD80];
	v10 =	vadd.f32 v10, v4;
	v3 =	vadd.f32 v9, v3  }
0x145: {  	s16 =	smov.u32 s3;
	s13 =	sor.u32 s3, s13;
	v4 =	vld [tilespmem:s17+$0x10600];
	v11 =	vadd.f32 v11, v11  }
0x146: {  	s14 =	smov.u32 s9;
	s18 =	smov.u32 s30;
	s20 =	smov.u32 s17;
	v2 =	vld [tilespmem:s13+$0x7B00];
	v10 =	vadd.f32 v62, v10;
	v9 =	vadd.f32 v6, v3  }
0x147: {  	s19 =	smov.u32 s11;
	s15 =	smov.u32 s2;
	s13 =	smov.u32 s8;
	v6 =	vld [tilespmem:s4+$0xFE00];
	v3 =	vsub.f32 $1.000000000e+00, v11  }
.LBB2_13:
0x148: {  	s5 =	sadd.s32 $0x10, s5;
	v7 =	vadd.f32 v7, v10;
	v11 =	vadd.f32 v5, v9;
	v9 =	vld [tilespmem:s20+$0x10680];
	s20 =	smov.u32 s4  }
0x149: {  	v12 =	vmul.f32 $6.999999880e-01, v1;
	s4 =	sshll.u32 s5, $0x2;
	s12 =	sshll.u32 s5, $0x3;
	p1 =	slt.u32 s5, $0xF0;
	v10 =	vld [tilespmem:s20+$0xFE80];
	v3 =	vmul.f32 $3.000000120e-01, v3  }
0x14a: {  	s1 =	sand.u32 $0x70, s5;
	s31 =	sand.u32 $0xFFFFFE00, s4;
	s4 =	sand.u32 $0x3FFFFC00, s12;
	v7 =	vadd.f32 v8, v7;
	v8 =	vld [tilespmem:s20+$0x10380];
	v4 =	vadd.f32 v4, v11;
	v5 =	vpop (erf)  }
0x14b: {  	s12 =	sadd.s32 s31, s10;
	s4 =	sor.u32 s1, s4;
	v11 =	vld [tilespmem:s20+$0x10300];
	v5 =	vadd.f32 $1.000000000e+00, v5;
	v3 =	vadd.f32 v3, v12;
	v1 =	vmov v2  }
0x14c: {  	s14 =	sor.u32 s13, s14;
	s13 =	smov.u32 s16;
	s12 =	sadd.s32 s1, s12;
	v2 =	vld [tilespmem:s4+$0xFB00];
	v6 =	vadd.f32 v6, v7  }
0x14d: {  	s16 =	smov.u32 s18;
	s18 =	smov.u32 s28;
	s28 =	smov.u32 s1;
	v7 =	vld [tilespmem:s12+$0x0];
	v4 =	vadd.f32 v9, v4;
	(erf) = vrcp.f32 v5;
	[tilespmem:s14+$0x17B00] =	vst v3  }
0x14e: {  	s14 =	smov.u32 s15;
	s15 =	smov.u32 s19;
	s19 =	smov.u32 s29;
	v3 =	vadd.f32 v10, v6;
	v5 =	vld [tilespmem:s20+$0x10400]  }
0x14f: {  	s29 =	smov.u32 s31;
	v6 =	vld [tilespmem:s4+$0xFB80];
	v4 =	vadd.f32 v4, v4  }
0x150: {  	v3 =	vadd.f32 v11, v3;
	v9 =	vld [tilespmem:s20+$0x10480]  }
0x151: {  	v10 =	vld [tilespmem:s4+$0xFC00];
	v4 =	vmul.f32 $1.442695020e+00, v4  }
0x152: {  	v2 =	vadd.f32 v2, v7;
	v3 =	vadd.f32 v8, v3;
	v11 =	vld [tilespmem:s20+$0x10500]  }
0x153: {  	v12 =	vld [tilespmem:s4+$0xFC80];
	(erf) = vpow2.f32 v4  }
0x154: {  	v2 =	vadd.f32 v6, v2;
	v3 =	vadd.f32 v5, v3;
	v5 =	vld [tilespmem:s20+$0x10580]  }
.Ltmp5:
0x155: {  	s7 =	sadd.s32 $0x40, s7;
	v7 =	vld [tilespmem:s4+$0xFD00];
	(pc) =	sbr.rel @p1 .LBB2_13-.Ltmp5, $4  }
0x156: {  	s1 =	sand.u32 $0x3E00, s7;
	v2 =	vadd.f32 v10, v2;
	v3 =	vadd.f32 v9, v3;
	v4 =	vld [tilespmem:s20+$0x10600];
	v6 =	vpop (erf)  }
0x157: {  	s1 =	sor.u32 s16, s1;
	v8 =	vld [tilespmem:s4+$0xFD80];
	v13 =	vadd.f32 v6, v6  }
0x158: {  	v10 =	vadd.f32 v12, v2;
	v9 =	vadd.f32 v11, v3;
	v2 =	vld [tilespmem:s1+$0x7B00]  }
0x159: {  	v6 =	vld [tilespmem:s4+$0xFE00];
	v3 =	vsub.f32 $1.000000000e+00, v13  }
0x15a: {  	v7 =	vadd.f32 v7, v10  }
0x15b: {  	v10 =	vld [tilespmem:s4+$0xFE80]  }
0x15c: {  	v7 =	vadd.f32 v8, v7  }
0x15d: {  	v8 =	vld [tilespmem:s4+$0x10300]  }
0x15e: {  	v11 =	vld [tilespmem:s20+$0x10680];
	v6 =	vadd.f32 v6, v7  }
0x15f: {  	v5 =	vadd.f32 v5, v9;
	v7 =	vld [tilespmem:s4+$0x10380]  }
0x160: {  	v6 =	vadd.f32 v10, v6  }
0x161: {  	v4 =	vadd.f32 v4, v5;
	v5 =	vld [tilespmem:s4+$0x10400]  }
0x162: {  	v6 =	vadd.f32 v8, v6  }
0x163: {  	v4 =	vadd.f32 v11, v4;
	v8 =	vld [tilespmem:s4+$0x10480]  }
0x164: {  	v6 =	vadd.f32 v7, v6  }
0x165: {  	v9 =	vld [tilespmem:s4+$0x10500];
	v4 =	vadd.f32 v4, v4;
	v7 =	vpop (erf)  }
0x166: {  	v7 =	vadd.f32 $1.000000000e+00, v7;
	v5 =	vadd.f32 v5, v6  }
0x167: {  	v4 =	vmul.f32 $1.442695020e+00, v4;
	v6 =	vld [tilespmem:s4+$0x10580]  }
0x168: {  	(erf) = vrcp.f32 v7;
	v5 =	vadd.f32 v8, v5  }
0x169: {  	(erf) = vpow2.f32 v4;
	v4 =	vld [tilespmem:s4+$0x10600]  }
0x16a: {  	v5 =	vadd.f32 v9, v5  }
0x16b: {  	v7 =	vld [tilespmem:s4+$0x10680]  }
0x16c: {  	v5 =	vadd.f32 v6, v5;
	_ =	sdelay $0x1  }
0x16d: {  	v4 =	vadd.f32 v4, v5;
	_ =	sdelay $0x1  }
0x16e: {  	v4 =	vadd.f32 v7, v4  }
0x16f: {  	v5 =	vpop (erf)  }
0x170: {  	v6 =	vpop (erf);
	v4 =	vadd.f32 v4, v4  }
0x171: {  	v6 =	vadd.f32 $1.000000000e+00, v6  }
0x172: {  	v4 =	vmul.f32 $1.442695020e+00, v4  }
0x173: {  	(erf) = vrcp.f32 v6  }
0x174: {  	(erf) = vpow2.f32 v4;
	_ =	sdelay $0x7  }
0x175: {  	v4 =	vpop (erf)  }
0x176: {  	v6 =	vpop (erf)  }
0x177: {  	v6 =	vadd.f32 $1.000000000e+00, v6;
	_ =	sdelay $0x1  }
0x178: {  	(erf) = vrcp.f32 v6;
	_ =	sdelay $0x4  }
0x179: {  	s1 =	sadd.s32 $0x40, s7  }
0x17a: {  	s12 =	sand.u32 $0x3E00, s1;
	s1 =	sadd.s32 $0x40, s1  }
0x17b: {  	s1 =	sand.u32 $0x3E00, s1;
	s4 =	sor.u32 s18, s12  }
0x17c: {  	s1 =	sor.u32 s28, s1;
	v5 =	vadd.f32 v5, v5;
	v6 =	vld [tilespmem:s4+$0x7B00]  }
0x17d: {  	v7 =	vld [tilespmem:s1+$0x7B00];
	v4 =	vadd.f32 v4, v4;
	v8 =	vpop (erf)  }
0x17e: {  	v5 =	vsub.f32 $1.000000000e+00, v5;
	v8 =	vadd.f32 v8, v8  }
0x17f: {  	v1 =	vmul.f32 $6.999999880e-01, v1;
	v3 =	vmul.f32 $3.000000120e-01, v3;
	v4 =	vsub.f32 $1.000000000e+00, v4  }
0x180: {  	v2 =	vmul.f32 $6.999999880e-01, v2;
	v5 =	vmul.f32 $3.000000120e-01, v5;
	v8 =	vsub.f32 $1.000000000e+00, v8  }
0x181: {  	v1 =	vadd.f32 v3, v1;
	v4 =	vmul.f32 $3.000000120e-01, v4;
	v3 =	vmul.f32 $6.999999880e-01, v6  }
0x182: {  	s14 =	sor.u32 s13, s14;
	v2 =	vadd.f32 v5, v2;
	v5 =	vmul.f32 $6.999999880e-01, v7;
	v6 =	vmul.f32 $3.000000120e-01, v8  }
0x183: {  	s16 =	sor.u32 s16, s15;
	[tilespmem:s14+$0x17B00] =	vst v1;
	v1 =	vadd.f32 v4, v3  }
0x184: {  	s19 =	sor.u32 s18, s19;
	[tilespmem:s16+$0x17B00] =	vst v2;
	v2 =	vadd.f32 v6, v5  }
0x185: {  	s20 =	sor.u32 s28, s29;
	[tilespmem:s19+$0x17B00] =	vst v1  }
0x186: {  	[tilespmem:s20+$0x17B00] =	vst v2  }
0x187: {  	v1 =	vld [tilespmem:s22+$0x10B00]  }
0x188: {  	v2 =	vld [tilespmem:s23+$0x80];
	_ =	sdelay $0x1  }
0x189: {  	v3 =	vld [tilespmem:s22+$0x10B80];
	_ =	sdelay $0x1  }
0x18a: {  	v4 =	vld [tilespmem:s22+$0x10C00]  }
0x18b: {  	v1 =	vadd.f32 v1, v2  }
0x18c: {  	v2 =	vld [tilespmem:s22+$0x10C80]  }
0x18d: {  	v1 =	vadd.f32 v3, v1  }
0x18e: {  	v3 =	vld [tilespmem:s22+$0x10D00]  }
0x18f: {  	v1 =	vadd.f32 v4, v1  }
0x190: {  	v4 =	vld [tilespmem:s22+$0x10D80]  }
0x191: {  	v1 =	vadd.f32 v2, v1  }
0x192: {  	v2 =	vld [tilespmem:s22+$0x10E00]  }
0x193: {  	v1 =	vadd.f32 v3, v1  }
0x194: {  	v3 =	vld [tilespmem:s22+$0x10E80]  }
0x195: {  	v1 =	vadd.f32 v4, v1  }
0x196: {  	v5 =	vld [tilespmem:s22+$0x11300]  }
0x197: {  	v1 =	vadd.f32 v2, v1  }
0x198: {  	v4 =	vld [tilespmem:s22+$0x11380]  }
0x199: {  	v6 =	vld [tilespmem:s21+$0x10B00];
	v1 =	vadd.f32 v3, v1  }
0x19a: {  	v3 =	vld [tilespmem:s22+$0x11400]  }
0x19b: {  	v2 =	vld [tilespmem:s24+$0x80];
	v1 =	vadd.f32 v5, v1  }
0x19c: {  	v5 =	vld [tilespmem:s22+$0x11480]  }
0x19d: {  	v7 =	vld [tilespmem:s21+$0x10B80];
	v1 =	vadd.f32 v4, v1  }
0x19e: {  	v4 =	vld [tilespmem:s22+$0x11500]  }
0x19f: {  	v8 =	vld [tilespmem:s21+$0x10C00];
	v1 =	vadd.f32 v3, v1  }
0x1a0: {  	v3 =	vld [tilespmem:s22+$0x11580]  }
0x1a1: {  	v9 =	vld [tilespmem:s21+$0x10C80];
	v2 =	vadd.f32 v6, v2;
	v1 =	vadd.f32 v5, v1  }
0x1a2: {  	v5 =	vld [tilespmem:s22+$0x11600]  }
0x1a3: {  	v10 =	vld [tilespmem:s21+$0x10D00];
	v2 =	vadd.f32 v7, v2;
	v1 =	vadd.f32 v4, v1  }
0x1a4: {  	v7 =	vld [tilespmem:s22+$0x11680]  }
0x1a5: {  	v2 =	vadd.f32 v8, v2;
	v1 =	vadd.f32 v3, v1  }
0x1a6: {  	v6 =	vld [tilespmem:s21+$0x10D80]  }
0x1a7: {  	v2 =	vadd.f32 v9, v2;
	v1 =	vadd.f32 v5, v1  }
0x1a8: {  	v4 =	vld [tilespmem:s21+$0x10E00]  }
0x1a9: {  	v11 =	vld [tilespmem:s25+$0x80];
	v2 =	vadd.f32 v10, v2;
	v1 =	vadd.f32 v7, v1  }
0x1aa: {  	v3 =	vld [tilespmem:s21+$0x10E80]  }
0x1ab: {  	v9 =	vld [tilespmem:s17+$0x10B00];
	v2 =	vadd.f32 v6, v2;
	v1 =	vadd.f32 v1, v1  }
0x1ac: {  	v5 =	vld [tilespmem:s21+$0x11300]  }
0x1ad: {  	v8 =	vld [tilespmem:s21+$0x11380];
	v2 =	vadd.f32 v4, v2;
	v1 =	vmul.f32 $1.442695020e+00, v1  }
0x1ae: {  	v10 =	vld [tilespmem:s17+$0x10B80]  }
0x1af: {  	v12 =	vld [tilespmem:s17+$0x10C00];
	(erf) = vpow2.f32 v1;
	v1 =	vadd.f32 v3, v2  }
0x1b0: {  	v7 =	vld [tilespmem:s21+$0x11400]  }
0x1b1: {  	v6 =	vld [tilespmem:s21+$0x11480];
	v9 =	vadd.f32 v9, v11;
	v1 =	vadd.f32 v5, v1  }
0x1b2: {  	v11 =	vld [tilespmem:s17+$0x10C80]  }
0x1b3: {  	v4 =	vld [tilespmem:s21+$0x11500];
	v3 =	vadd.f32 v10, v9;
	v8 =	vadd.f32 v8, v1  }
0x1b4: {  	v9 =	vld [tilespmem:s17+$0x10D00]  }
0x1b5: {  	v2 =	vld [tilespmem:s21+$0x11580];
	v3 =	vadd.f32 v12, v3;
	v7 =	vadd.f32 v7, v8  }
0x1b6: {  	v10 =	vld [tilespmem:s17+$0x10D80]  }
0x1b7: {  	v5 =	vld [tilespmem:s21+$0x11600];
	v3 =	vadd.f32 v11, v3;
	v6 =	vadd.f32 v6, v7  }
0x1b8: {  	s5 =	simm.s32 $0x30;
	s24 =	simm.s32 $0x180;
	v11 =	vld [tilespmem:s17+$0x10E00]  }
0x1b9: {  	s25 =	sand.u32 $0x3FFFFC00, s24;
	s22 =	sand.u32 $0x70, s5;
	v8 =	vld [tilespmem:s21+$0x11680];
	v3 =	vadd.f32 v9, v3;
	v61 =	vpop (erf);
	v4 =	vadd.f32 v4, v6  }
0x1ba: {  	s7 =	sor.u32 s22, s25;
	v9 =	vld [tilespmem:s17+$0x10E80];
	v12 =	vadd.f32 $1.000000000e+00, v61  }
0x1bb: {  	s23 =	simm.s32 $0xC0;
	v13 =	vld [tilespmem:s7+$0x10B00];
	v3 =	vadd.f32 v10, v3;
	v2 =	vadd.f32 v2, v4  }
0x1bc: {  	s21 =	sand.u32 $0xFFFFFE00, s23;
	v10 =	vld [tilespmem:s17+$0x11300];
	(erf) = vrcp.f32 v12  }
0x1bd: {  	v1 =	vld [tilespmem:s26+$0x7B80];
	s26 =	sadd.s32 s21, s10;
	v3 =	vadd.f32 v11, v3;
	v2 =	vadd.f32 v5, v2  }
0x1be: {  	v7 =	vld [tilespmem:s17+$0x11380];
	s28 =	sadd.s32 s22, s26  }
0x1bf: {  	v6 =	vld [tilespmem:s28+$0x80];
	v3 =	vadd.f32 v9, v3;
	v2 =	vadd.f32 v8, v2  }
0x1c0: {  	v11 =	vld [tilespmem:s17+$0x11400]  }
0x1c1: {  	v4 =	vld [tilespmem:s7+$0x10B80];
	v3 =	vadd.f32 v10, v3;
	v2 =	vadd.f32 v2, v2  }
0x1c2: {  	v9 =	vld [tilespmem:s17+$0x11480]  }
0x1c3: {  	v10 =	vld [tilespmem:s7+$0x10C00];
	v3 =	vadd.f32 v7, v3;
	v63 =	vmul.f32 $1.442695020e+00, v2  }
0x1c4: {  	v62 =	vld [tilespmem:s7+$0x10C80];
	v5 =	vadd.f32 v13, v6  }
0x1c5: {  	v6 =	vld [tilespmem:s17+$0x11500];
	v3 =	vadd.f32 v11, v3;
	v11 =	vpop (erf);
	(erf) = vpow2.f32 v63  }
0x1c6: {  	s29 =	rddreg [dreg:$0x6];
	v7 =	vld [tilespmem:s7+$0x10D00];
	v4 =	vadd.f32 v4, v5  }
0x1c7: {  	s4 =	sadd.s32 $0x40, s29;
	v5 =	vld [tilespmem:s17+$0x11580]  }
0x1c8: {  	s31 =	sand.u32 $0x3E00, s4;
	v8 =	vld [tilespmem:s7+$0x10D80];
	v10 =	vadd.f32 v10, v4;
	v3 =	vadd.f32 v9, v3  }
0x1c9: {  	s1 =	sor.u32 s3, s31;
	v4 =	vld [tilespmem:s17+$0x11600];
	v11 =	vadd.f32 v11, v11  }
0x1ca: {  	v2 =	vld [tilespmem:s1+$0x7B80];
	v10 =	vadd.f32 v62, v10;
	v9 =	vadd.f32 v6, v3  }
0x1cb: {  	v6 =	vld [tilespmem:s7+$0x10E00];
	v3 =	vsub.f32 $1.000000000e+00, v11  }
.LBB2_15:
0x1cc: {  	s5 =	sadd.s32 $0x10, s5;
	v7 =	vadd.f32 v7, v10;
	v11 =	vadd.f32 v5, v9;
	v9 =	vld [tilespmem:s17+$0x11680];
	s17 =	smov.u32 s7  }
0x1cd: {  	v12 =	vmul.f32 $6.999999880e-01, v1;
	s1 =	sshll.u32 s5, $0x2;
	s7 =	sshll.u32 s5, $0x3;
	p1 =	slt.u32 s5, $0xF0;
	v10 =	vld [tilespmem:s17+$0x10E80];
	v3 =	vmul.f32 $3.000000120e-01, v3  }
0x1ce: {  	s12 =	sand.u32 $0x70, s5;
	s1 =	sand.u32 $0xFFFFFE00, s1;
	s7 =	sand.u32 $0x3FFFFC00, s7;
	v7 =	vadd.f32 v8, v7;
	v8 =	vld [tilespmem:s17+$0x11380];
	v4 =	vadd.f32 v4, v11;
	v5 =	vpop (erf)  }
0x1cf: {  	s13 =	sadd.s32 s1, s10;
	s7 =	sor.u32 s12, s7;
	v11 =	vld [tilespmem:s17+$0x11300];
	v5 =	vadd.f32 $1.000000000e+00, v5;
	v3 =	vadd.f32 v3, v12;
	v1 =	vmov v2  }
0x1d0: {  	s9 =	sor.u32 s8, s9;
	s8 =	smov.u32 s3;
	s13 =	sadd.s32 s12, s13;
	v2 =	vld [tilespmem:s7+$0x10B00];
	v6 =	vadd.f32 v6, v7  }
0x1d1: {  	s3 =	smov.u32 s30;
	s30 =	smov.u32 s22;
	v7 =	vld [tilespmem:s13+$0x80];
	v4 =	vadd.f32 v9, v4;
	(erf) = vrcp.f32 v5;
	[tilespmem:s9+$0x17B80] =	vst v3  }
0x1d2: {  	s22 =	smov.u32 s12;
	s9 =	smov.u32 s2;
	s2 =	smov.u32 s11;
	v3 =	vadd.f32 v10, v6;
	v5 =	vld [tilespmem:s17+$0x11400]  }
0x1d3: {  	s11 =	smov.u32 s21;
	s21 =	smov.u32 s1;
	v6 =	vld [tilespmem:s7+$0x10B80];
	v4 =	vadd.f32 v4, v4  }
0x1d4: {  	v3 =	vadd.f32 v11, v3;
	v9 =	vld [tilespmem:s17+$0x11480]  }
0x1d5: {  	v10 =	vld [tilespmem:s7+$0x10C00];
	v4 =	vmul.f32 $1.442695020e+00, v4  }
0x1d6: {  	v2 =	vadd.f32 v2, v7;
	v3 =	vadd.f32 v8, v3;
	v11 =	vld [tilespmem:s17+$0x11500]  }
0x1d7: {  	v12 =	vld [tilespmem:s7+$0x10C80];
	(erf) = vpow2.f32 v4  }
0x1d8: {  	v2 =	vadd.f32 v6, v2;
	v3 =	vadd.f32 v5, v3;
	v5 =	vld [tilespmem:s17+$0x11580]  }
.Ltmp6:
0x1d9: {  	s4 =	sadd.s32 $0x40, s4;
	v7 =	vld [tilespmem:s7+$0x10D00];
	(pc) =	sbr.rel @p1 .LBB2_15-.Ltmp6, $4  }
0x1da: {  	s1 =	sand.u32 $0x3E00, s4;
	v2 =	vadd.f32 v10, v2;
	v3 =	vadd.f32 v9, v3;
	v4 =	vld [tilespmem:s17+$0x11600];
	v6 =	vpop (erf)  }
0x1db: {  	s1 =	sor.u32 s3, s1;
	v8 =	vld [tilespmem:s7+$0x10D80];
	v13 =	vadd.f32 v6, v6  }
0x1dc: {  	v10 =	vadd.f32 v12, v2;
	v9 =	vadd.f32 v11, v3;
	v2 =	vld [tilespmem:s1+$0x7B80]  }
0x1dd: {  	v6 =	vld [tilespmem:s7+$0x10E00];
	v3 =	vsub.f32 $1.000000000e+00, v13  }
0x1de: {  	v7 =	vadd.f32 v7, v10  }
0x1df: {  	v10 =	vld [tilespmem:s7+$0x10E80]  }
0x1e0: {  	v7 =	vadd.f32 v8, v7  }
0x1e1: {  	v8 =	vld [tilespmem:s7+$0x11300]  }
0x1e2: {  	v11 =	vld [tilespmem:s17+$0x11680];
	v6 =	vadd.f32 v6, v7  }
0x1e3: {  	v5 =	vadd.f32 v5, v9;
	v7 =	vld [tilespmem:s7+$0x11380]  }
0x1e4: {  	v6 =	vadd.f32 v10, v6  }
0x1e5: {  	v4 =	vadd.f32 v4, v5;
	v5 =	vld [tilespmem:s7+$0x11400]  }
0x1e6: {  	v6 =	vadd.f32 v8, v6  }
0x1e7: {  	v4 =	vadd.f32 v11, v4;
	v8 =	vld [tilespmem:s7+$0x11480]  }
0x1e8: {  	v6 =	vadd.f32 v7, v6  }
0x1e9: {  	v9 =	vld [tilespmem:s7+$0x11500];
	v4 =	vadd.f32 v4, v4;
	v7 =	vpop (erf)  }
0x1ea: {  	v7 =	vadd.f32 $1.000000000e+00, v7;
	v5 =	vadd.f32 v5, v6  }
0x1eb: {  	v4 =	vmul.f32 $1.442695020e+00, v4;
	v6 =	vld [tilespmem:s7+$0x11580]  }
0x1ec: {  	(erf) = vrcp.f32 v7;
	v5 =	vadd.f32 v8, v5  }
0x1ed: {  	(erf) = vpow2.f32 v4;
	v4 =	vld [tilespmem:s7+$0x11600]  }
0x1ee: {  	v5 =	vadd.f32 v9, v5  }
0x1ef: {  	v7 =	vld [tilespmem:s7+$0x11680]  }
0x1f0: {  	v5 =	vadd.f32 v6, v5;
	_ =	sdelay $0x1  }
0x1f1: {  	v4 =	vadd.f32 v4, v5;
	_ =	sdelay $0x1  }
0x1f2: {  	v4 =	vadd.f32 v7, v4  }
0x1f3: {  	v5 =	vpop (erf)  }
0x1f4: {  	v6 =	vpop (erf);
	v4 =	vadd.f32 v4, v4  }
0x1f5: {  	v6 =	vadd.f32 $1.000000000e+00, v6  }
0x1f6: {  	v4 =	vmul.f32 $1.442695020e+00, v4  }
0x1f7: {  	(erf) = vrcp.f32 v6  }
0x1f8: {  	(erf) = vpow2.f32 v4;
	_ =	sdelay $0x7  }
0x1f9: {  	v4 =	vpop (erf)  }
0x1fa: {  	v6 =	vpop (erf)  }
0x1fb: {  	v6 =	vadd.f32 $1.000000000e+00, v6;
	_ =	sdelay $0x1  }
0x1fc: {  	(erf) = vrcp.f32 v6;
	_ =	sdelay $0x4  }
0x1fd: {  	s1 =	sadd.s32 $0x40, s4  }
0x1fe: {  	s4 =	sand.u32 $0x3E00, s1;
	s1 =	sadd.s32 $0x40, s1  }
0x1ff: {  	s4 =	sor.u32 s30, s4;
	s1 =	sand.u32 $0x3E00, s1  }
0x200: {  	s1 =	sor.u32 s22, s1;
	v5 =	vadd.f32 v5, v5;
	v6 =	vld [tilespmem:s4+$0x7B80]  }
0x201: {  	v7 =	vld [tilespmem:s1+$0x7B80];
	v4 =	vadd.f32 v4, v4;
	v8 =	vpop (erf)  }
0x202: {  	v5 =	vsub.f32 $1.000000000e+00, v5;
	v8 =	vadd.f32 v8, v8  }
0x203: {  	v1 =	vmul.f32 $6.999999880e-01, v1;
	v3 =	vmul.f32 $3.000000120e-01, v3;
	v4 =	vsub.f32 $1.000000000e+00, v4  }
0x204: {  	v2 =	vmul.f32 $6.999999880e-01, v2;
	v5 =	vmul.f32 $3.000000120e-01, v5;
	v8 =	vsub.f32 $1.000000000e+00, v8  }
0x205: {  	v1 =	vadd.f32 v3, v1;
	v4 =	vmul.f32 $3.000000120e-01, v4;
	v3 =	vmul.f32 $6.999999880e-01, v6  }
0x206: {  	s17 =	sor.u32 s8, s9;
	v2 =	vadd.f32 v5, v2;
	v5 =	vmul.f32 $6.999999880e-01, v7;
	v6 =	vmul.f32 $3.000000120e-01, v8  }
0x207: {  	s18 =	sor.u32 s3, s2;
	s19 =	sor.u32 s30, s11;
	s20 =	sor.u32 s22, s21;
	[tilespmem:s17+$0x17B80] =	vst v1;
	v1 =	vadd.f32 v4, v3  }
0x208: {  	s21 =	simm.s32 $0x0;
	s5 =	simm.s32 $0x0;
	s22 =	simm.s32 $0x0;
	[tilespmem:s18+$0x17B80] =	vst v2;
	v2 =	vadd.f32 v6, v5  }
0x209: {  	s13 =	sand.u32 $0x70, s21;
	s23 =	sand.u32 $0x3FFFFC00, s5;
	s14 =	sand.u32 $0xFFFFFE00, s22;
	[tilespmem:s19+$0x17B80] =	vst v1  }
0x20a: {  	s22 =	sor.u32 s13, s23;
	s24 =	sadd.s32 s14, s10;
	[tilespmem:s20+$0x17B80] =	vst v2  }
0x20b: {  	s23 =	sadd.s32 s13, s24;
	v1 =	vld [tilespmem:s22+$0x11B00]  }
0x20c: {  	v2 =	vld [tilespmem:s23+$0x100];
	_ =	sdelay $0x1  }
0x20d: {  	v3 =	vld [tilespmem:s22+$0x11B80];
	_ =	sdelay $0x1  }
0x20e: {  	v4 =	vld [tilespmem:s22+$0x11C00]  }
0x20f: {  	v1 =	vadd.f32 v1, v2  }
0x210: {  	v2 =	vld [tilespmem:s22+$0x11C80]  }
0x211: {  	v1 =	vadd.f32 v3, v1  }
0x212: {  	v3 =	vld [tilespmem:s22+$0x11D00]  }
0x213: {  	v1 =	vadd.f32 v4, v1  }
0x214: {  	v4 =	vld [tilespmem:s22+$0x11D80]  }
0x215: {  	v1 =	vadd.f32 v2, v1  }
0x216: {  	v2 =	vld [tilespmem:s22+$0x11E00]  }
0x217: {  	v1 =	vadd.f32 v3, v1  }
0x218: {  	v3 =	vld [tilespmem:s22+$0x11E80]  }
0x219: {  	v1 =	vadd.f32 v4, v1  }
0x21a: {  	s25 =	simm.s32 $0x10;
	s30 =	simm.s32 $0x80;
	v5 =	vld [tilespmem:s22+$0x12300]  }
0x21b: {  	s26 =	simm.s32 $0x40;
	s16 =	sand.u32 $0x70, s25;
	s31 =	sand.u32 $0x3FFFFC00, s30;
	v1 =	vadd.f32 v2, v1  }
0x21c: {  	s15 =	sand.u32 $0xFFFFFE00, s26;
	s21 =	sor.u32 s16, s31;
	v4 =	vld [tilespmem:s22+$0x12380]  }
0x21d: {  	s2 =	sadd.s32 s15, s10;
	v6 =	vld [tilespmem:s21+$0x11B00];
	v1 =	vadd.f32 v3, v1  }
0x21e: {  	s24 =	sadd.s32 s16, s2;
	v3 =	vld [tilespmem:s22+$0x12400]  }
0x21f: {  	v2 =	vld [tilespmem:s24+$0x100];
	v1 =	vadd.f32 v5, v1  }
0x220: {  	v5 =	vld [tilespmem:s22+$0x12480]  }
0x221: {  	v7 =	vld [tilespmem:s21+$0x11B80];
	v1 =	vadd.f32 v4, v1  }
0x222: {  	v4 =	vld [tilespmem:s22+$0x12500]  }
0x223: {  	v8 =	vld [tilespmem:s21+$0x11C00];
	v1 =	vadd.f32 v3, v1  }
0x224: {  	v3 =	vld [tilespmem:s22+$0x12580]  }
0x225: {  	v9 =	vld [tilespmem:s21+$0x11C80];
	v2 =	vadd.f32 v6, v2;
	v1 =	vadd.f32 v5, v1  }
0x226: {  	v5 =	vld [tilespmem:s22+$0x12600]  }
0x227: {  	v10 =	vld [tilespmem:s21+$0x11D00];
	v2 =	vadd.f32 v7, v2;
	v1 =	vadd.f32 v4, v1  }
0x228: {  	v7 =	vld [tilespmem:s22+$0x12680]  }
0x229: {  	s3 =	simm.s32 $0x80;
	v2 =	vadd.f32 v8, v2;
	v1 =	vadd.f32 v3, v1  }
0x22a: {  	s2 =	simm.s32 $0x20;
	s19 =	sand.u32 $0xFFFFFE00, s3;
	v6 =	vld [tilespmem:s21+$0x11D80]  }
0x22b: {  	s18 =	sand.u32 $0x70, s2;
	s2 =	sadd.s32 s19, s10;
	v2 =	vadd.f32 v9, v2;
	v1 =	vadd.f32 v5, v1  }
0x22c: {  	s4 =	simm.s32 $0x100;
	s25 =	sadd.s32 s18, s2;
	v4 =	vld [tilespmem:s21+$0x11E00]  }
0x22d: {  	s5 =	sand.u32 $0x3FFFFC00, s4;
	v11 =	vld [tilespmem:s25+$0x100];
	v2 =	vadd.f32 v10, v2;
	v1 =	vadd.f32 v7, v1  }
0x22e: {  	s20 =	sor.u32 s18, s5;
	v3 =	vld [tilespmem:s21+$0x11E80]  }
0x22f: {  	v9 =	vld [tilespmem:s20+$0x11B00];
	v2 =	vadd.f32 v6, v2;
	v1 =	vadd.f32 v1, v1  }
0x230: {  	v5 =	vld [tilespmem:s21+$0x12300]  }
0x231: {  	v8 =	vld [tilespmem:s21+$0x12380];
	v2 =	vadd.f32 v4, v2;
	v1 =	vmul.f32 $1.442695020e+00, v1  }
0x232: {  	v10 =	vld [tilespmem:s20+$0x11B80]  }
0x233: {  	v12 =	vld [tilespmem:s20+$0x11C00];
	(erf) = vpow2.f32 v1;
	v1 =	vadd.f32 v3, v2  }
0x234: {  	v7 =	vld [tilespmem:s21+$0x12400]  }
0x235: {  	v6 =	vld [tilespmem:s21+$0x12480];
	v9 =	vadd.f32 v9, v11;
	v1 =	vadd.f32 v5, v1  }
0x236: {  	v11 =	vld [tilespmem:s20+$0x11C80]  }
0x237: {  	v4 =	vld [tilespmem:s21+$0x12500];
	v3 =	vadd.f32 v10, v9;
	v8 =	vadd.f32 v8, v1  }
0x238: {  	v9 =	vld [tilespmem:s20+$0x11D00]  }
0x239: {  	v2 =	vld [tilespmem:s21+$0x12580];
	v3 =	vadd.f32 v12, v3;
	v7 =	vadd.f32 v7, v8  }
0x23a: {  	v10 =	vld [tilespmem:s20+$0x11D80]  }
0x23b: {  	v5 =	vld [tilespmem:s21+$0x12600];
	v3 =	vadd.f32 v11, v3;
	v6 =	vadd.f32 v6, v7  }
0x23c: {  	s9 =	simm.s32 $0x180;
	s5 =	simm.s32 $0x30;
	v11 =	vld [tilespmem:s20+$0x11E00]  }
0x23d: {  	s11 =	sand.u32 $0x3FFFFC00, s9;
	s26 =	sand.u32 $0x70, s5;
	v8 =	vld [tilespmem:s21+$0x12680];
	v3 =	vadd.f32 v9, v3;
	v61 =	vpop (erf);
	v4 =	vadd.f32 v4, v6  }
0x23e: {  	s4 =	sor.u32 s26, s11;
	v9 =	vld [tilespmem:s20+$0x11E80];
	v12 =	vadd.f32 $1.000000000e+00, v61  }
0x23f: {  	s8 =	simm.s32 $0xC0;
	v13 =	vld [tilespmem:s4+$0x11B00];
	v3 =	vadd.f32 v10, v3;
	v2 =	vadd.f32 v2, v4  }
0x240: {  	s28 =	sand.u32 $0xFFFFFE00, s8;
	v10 =	vld [tilespmem:s20+$0x12300];
	(erf) = vrcp.f32 v12  }
0x241: {  	s17 =	sadd.s32 s28, s10;
	v62 =	vld [tilespmem:s4+$0x11C80];
	v3 =	vadd.f32 v11, v3;
	v2 =	vadd.f32 v5, v2  }
0x242: {  	s30 =	sadd.s32 s26, s17;
	v7 =	vld [tilespmem:s20+$0x12380]  }
0x243: {  	v6 =	vld [tilespmem:s30+$0x100];
	v3 =	vadd.f32 v9, v3;
	v2 =	vadd.f32 v8, v2  }
0x244: {  	s7 =	sld [smem:$0x7FC];
	v11 =	vld [tilespmem:s20+$0x12400]  }
0x245: {  	v4 =	vld [tilespmem:s4+$0x11B80];
	v3 =	vadd.f32 v10, v3;
	v2 =	vadd.f32 v2, v2  }
0x246: {  	v9 =	vld [tilespmem:s20+$0x12480]  }
0x247: {  	s12 =	sor.u32 s13, s7;
	v10 =	vld [tilespmem:s4+$0x11C00];
	v3 =	vadd.f32 v7, v3;
	v63 =	vmul.f32 $1.442695020e+00, v2  }
0x248: {  	v1 =	vld [tilespmem:s12+$0x7C00];
	v5 =	vadd.f32 v13, v6  }
0x249: {  	v6 =	vld [tilespmem:s20+$0x12500];
	v3 =	vadd.f32 v11, v3;
	v11 =	vpop (erf);
	(erf) = vpow2.f32 v63  }
0x24a: {  	v7 =	vld [tilespmem:s4+$0x11D00];
	v4 =	vadd.f32 v4, v5  }
0x24b: {  	s7 =	sadd.s32 $0x40, s29;
	v5 =	vld [tilespmem:s20+$0x12580]  }
0x24c: {  	s31 =	sand.u32 $0x3E00, s7;
	v8 =	vld [tilespmem:s4+$0x11D80];
	v10 =	vadd.f32 v10, v4;
	v3 =	vadd.f32 v9, v3  }
0x24d: {  	s8 =	smov.u32 s13;
	s1 =	sor.u32 s16, s31;
	v4 =	vld [tilespmem:s20+$0x12600];
	v11 =	vadd.f32 v11, v11  }
0x24e: {  	s9 =	smov.u32 s14;
	s3 =	smov.u32 s16;
	s2 =	smov.u32 s15;
	v2 =	vld [tilespmem:s1+$0x7C00];
	v10 =	vadd.f32 v62, v10;
	v9 =	vadd.f32 v6, v3  }
0x24f: {  	s17 =	smov.u32 s20;
	s11 =	smov.u32 s19;
	s29 =	smov.u32 s18;
	v6 =	vld [tilespmem:s4+$0x11E00];
	v3 =	vsub.f32 $1.000000000e+00, v11  }
.LBB2_17:
0x250: {  	s5 =	sadd.s32 $0x10, s5;
	v7 =	vadd.f32 v7, v10;
	v11 =	vadd.f32 v5, v9;
	v9 =	vld [tilespmem:s17+$0x12680];
	s17 =	smov.u32 s4  }
0x251: {  	v12 =	vmul.f32 $6.999999880e-01, v1;
	s1 =	sshll.u32 s5, $0x2;
	s4 =	sshll.u32 s5, $0x3;
	p1 =	slt.u32 s5, $0xF0;
	v10 =	vld [tilespmem:s17+$0x11E80];
	v3 =	vmul.f32 $3.000000120e-01, v3  }
0x252: {  	s30 =	sand.u32 $0x70, s5;
	s1 =	sand.u32 $0xFFFFFE00, s1;
	s4 =	sand.u32 $0x3FFFFC00, s4;
	v7 =	vadd.f32 v8, v7;
	v8 =	vld [tilespmem:s17+$0x12380];
	v4 =	vadd.f32 v4, v11;
	v5 =	vpop (erf)  }
0x253: {  	s31 =	sadd.s32 s1, s10;
	s4 =	sor.u32 s30, s4;
	v11 =	vld [tilespmem:s17+$0x12300];
	v5 =	vadd.f32 $1.000000000e+00, v5;
	v3 =	vadd.f32 v3, v12;
	v1 =	vmov v2  }
0x254: {  	s9 =	sor.u32 s8, s9;
	s8 =	smov.u32 s3;
	s31 =	sadd.s32 s30, s31;
	v2 =	vld [tilespmem:s4+$0x11B00];
	v6 =	vadd.f32 v6, v7  }
0x255: {  	s3 =	smov.u32 s29;
	s29 =	smov.u32 s26;
	s26 =	smov.u32 s30;
	v7 =	vld [tilespmem:s31+$0x100];
	v4 =	vadd.f32 v9, v4;
	(erf) = vrcp.f32 v5;
	[tilespmem:s9+$0x17C00] =	vst v3  }
0x256: {  	s9 =	smov.u32 s2;
	s2 =	smov.u32 s11;
	s11 =	smov.u32 s28;
	v3 =	vadd.f32 v10, v6;
	v5 =	vld [tilespmem:s17+$0x12400]  }
0x257: {  	s28 =	smov.u32 s1;
	v6 =	vld [tilespmem:s4+$0x11B80];
	v4 =	vadd.f32 v4, v4  }
0x258: {  	v3 =	vadd.f32 v11, v3;
	v9 =	vld [tilespmem:s17+$0x12480]  }
0x259: {  	v10 =	vld [tilespmem:s4+$0x11C00];
	v4 =	vmul.f32 $1.442695020e+00, v4  }
0x25a: {  	v2 =	vadd.f32 v2, v7;
	v3 =	vadd.f32 v8, v3;
	v11 =	vld [tilespmem:s17+$0x12500]  }
0x25b: {  	v12 =	vld [tilespmem:s4+$0x11C80];
	(erf) = vpow2.f32 v4  }
0x25c: {  	v2 =	vadd.f32 v6, v2;
	v3 =	vadd.f32 v5, v3;
	v5 =	vld [tilespmem:s17+$0x12580]  }
.Ltmp7:
0x25d: {  	s7 =	sadd.s32 $0x40, s7;
	v7 =	vld [tilespmem:s4+$0x11D00];
	(pc) =	sbr.rel @p1 .LBB2_17-.Ltmp7, $4  }
0x25e: {  	s1 =	sand.u32 $0x3E00, s7;
	v2 =	vadd.f32 v10, v2;
	v3 =	vadd.f32 v9, v3;
	v4 =	vld [tilespmem:s17+$0x12600];
	v6 =	vpop (erf)  }
0x25f: {  	s1 =	sor.u32 s3, s1;
	v8 =	vld [tilespmem:s4+$0x11D80];
	v13 =	vadd.f32 v6, v6  }
0x260: {  	v10 =	vadd.f32 v12, v2;
	v9 =	vadd.f32 v11, v3;
	v2 =	vld [tilespmem:s1+$0x7C00]  }
0x261: {  	v6 =	vld [tilespmem:s4+$0x11E00];
	v3 =	vsub.f32 $1.000000000e+00, v13  }
0x262: {  	v7 =	vadd.f32 v7, v10  }
0x263: {  	v10 =	vld [tilespmem:s4+$0x11E80]  }
0x264: {  	v7 =	vadd.f32 v8, v7  }
0x265: {  	v8 =	vld [tilespmem:s4+$0x12300]  }
0x266: {  	v11 =	vld [tilespmem:s17+$0x12680];
	v6 =	vadd.f32 v6, v7  }
0x267: {  	v5 =	vadd.f32 v5, v9;
	v7 =	vld [tilespmem:s4+$0x12380]  }
0x268: {  	v6 =	vadd.f32 v10, v6  }
0x269: {  	v4 =	vadd.f32 v4, v5;
	v5 =	vld [tilespmem:s4+$0x12400]  }
0x26a: {  	v6 =	vadd.f32 v8, v6  }
0x26b: {  	v4 =	vadd.f32 v11, v4;
	v8 =	vld [tilespmem:s4+$0x12480]  }
0x26c: {  	v6 =	vadd.f32 v7, v6  }
0x26d: {  	v9 =	vld [tilespmem:s4+$0x12500];
	v4 =	vadd.f32 v4, v4;
	v7 =	vpop (erf)  }
0x26e: {  	v7 =	vadd.f32 $1.000000000e+00, v7;
	v5 =	vadd.f32 v5, v6  }
0x26f: {  	v4 =	vmul.f32 $1.442695020e+00, v4;
	v6 =	vld [tilespmem:s4+$0x12580]  }
0x270: {  	(erf) = vrcp.f32 v7;
	v5 =	vadd.f32 v8, v5  }
0x271: {  	(erf) = vpow2.f32 v4;
	v4 =	vld [tilespmem:s4+$0x12600]  }
0x272: {  	v5 =	vadd.f32 v9, v5  }
0x273: {  	v7 =	vld [tilespmem:s4+$0x12680]  }
0x274: {  	v5 =	vadd.f32 v6, v5;
	_ =	sdelay $0x1  }
0x275: {  	v4 =	vadd.f32 v4, v5;
	_ =	sdelay $0x1  }
0x276: {  	v4 =	vadd.f32 v7, v4  }
0x277: {  	v5 =	vpop (erf)  }
0x278: {  	v6 =	vpop (erf);
	v4 =	vadd.f32 v4, v4  }
0x279: {  	v6 =	vadd.f32 $1.000000000e+00, v6  }
0x27a: {  	v4 =	vmul.f32 $1.442695020e+00, v4  }
0x27b: {  	(erf) = vrcp.f32 v6  }
0x27c: {  	(erf) = vpow2.f32 v4;
	_ =	sdelay $0x7  }
0x27d: {  	v4 =	vpop (erf)  }
0x27e: {  	v6 =	vpop (erf)  }
0x27f: {  	v6 =	vadd.f32 $1.000000000e+00, v6;
	_ =	sdelay $0x1  }
0x280: {  	(erf) = vrcp.f32 v6;
	_ =	sdelay $0x4  }
0x281: {  	s1 =	sadd.s32 $0x40, s7  }
0x282: {  	s7 =	sand.u32 $0x3E00, s1;
	s1 =	sadd.s32 $0x40, s1  }
0x283: {  	s1 =	sand.u32 $0x3E00, s1;
	s4 =	sor.u32 s29, s7  }
0x284: {  	s1 =	sor.u32 s26, s1;
	v5 =	vadd.f32 v5, v5;
	v6 =	vld [tilespmem:s4+$0x7C00]  }
0x285: {  	v7 =	vld [tilespmem:s1+$0x7C00];
	v4 =	vadd.f32 v4, v4;
	v8 =	vpop (erf)  }
0x286: {  	v5 =	vsub.f32 $1.000000000e+00, v5;
	v8 =	vadd.f32 v8, v8  }
0x287: {  	v1 =	vmul.f32 $6.999999880e-01, v1;
	v3 =	vmul.f32 $3.000000120e-01, v3;
	v4 =	vsub.f32 $1.000000000e+00, v4  }
0x288: {  	v2 =	vmul.f32 $6.999999880e-01, v2;
	v5 =	vmul.f32 $3.000000120e-01, v5;
	v8 =	vsub.f32 $1.000000000e+00, v8  }
0x289: {  	v1 =	vadd.f32 v3, v1;
	v4 =	vmul.f32 $3.000000120e-01, v4;
	v3 =	vmul.f32 $6.999999880e-01, v6  }
0x28a: {  	s8 =	sor.u32 s8, s9;
	v2 =	vadd.f32 v5, v2;
	v5 =	vmul.f32 $6.999999880e-01, v7;
	v6 =	vmul.f32 $3.000000120e-01, v8  }
0x28b: {  	s9 =	sor.u32 s3, s2;
	[tilespmem:s8+$0x17C00] =	vst v1;
	v1 =	vadd.f32 v4, v3  }
0x28c: {  	s11 =	sor.u32 s29, s11;
	[tilespmem:s9+$0x17C00] =	vst v2;
	v2 =	vadd.f32 v6, v5  }
0x28d: {  	s17 =	sor.u32 s26, s28;
	[tilespmem:s11+$0x17C00] =	vst v1  }
0x28e: {  	[tilespmem:s17+$0x17C00] =	vst v2  }
0x28f: {  	v1 =	vld [tilespmem:s22+$0x12B00]  }
0x290: {  	v2 =	vld [tilespmem:s23+$0x180];
	_ =	sdelay $0x1  }
0x291: {  	v3 =	vld [tilespmem:s22+$0x12B80];
	_ =	sdelay $0x1  }
0x292: {  	v4 =	vld [tilespmem:s22+$0x12C00]  }
0x293: {  	v1 =	vadd.f32 v1, v2  }
0x294: {  	v2 =	vld [tilespmem:s22+$0x12C80]  }
0x295: {  	v1 =	vadd.f32 v3, v1  }
0x296: {  	v3 =	vld [tilespmem:s22+$0x12D00]  }
0x297: {  	v1 =	vadd.f32 v4, v1  }
0x298: {  	v4 =	vld [tilespmem:s22+$0x12D80]  }
0x299: {  	v1 =	vadd.f32 v2, v1  }
0x29a: {  	v2 =	vld [tilespmem:s22+$0x12E00]  }
0x29b: {  	v1 =	vadd.f32 v3, v1  }
0x29c: {  	v3 =	vld [tilespmem:s22+$0x12E80]  }
0x29d: {  	v1 =	vadd.f32 v4, v1  }
0x29e: {  	v5 =	vld [tilespmem:s22+$0x13300]  }
0x29f: {  	v1 =	vadd.f32 v2, v1  }
0x2a0: {  	v4 =	vld [tilespmem:s22+$0x13380]  }
0x2a1: {  	v6 =	vld [tilespmem:s21+$0x12B00];
	v1 =	vadd.f32 v3, v1  }
0x2a2: {  	v3 =	vld [tilespmem:s22+$0x13400]  }
0x2a3: {  	v2 =	vld [tilespmem:s24+$0x180];
	v1 =	vadd.f32 v5, v1  }
0x2a4: {  	v5 =	vld [tilespmem:s22+$0x13480]  }
0x2a5: {  	v7 =	vld [tilespmem:s21+$0x12B80];
	v1 =	vadd.f32 v4, v1  }
0x2a6: {  	v4 =	vld [tilespmem:s22+$0x13500]  }
0x2a7: {  	v8 =	vld [tilespmem:s21+$0x12C00];
	v1 =	vadd.f32 v3, v1  }
0x2a8: {  	v3 =	vld [tilespmem:s22+$0x13580]  }
0x2a9: {  	v9 =	vld [tilespmem:s21+$0x12C80];
	v2 =	vadd.f32 v6, v2;
	v1 =	vadd.f32 v5, v1  }
0x2aa: {  	v5 =	vld [tilespmem:s22+$0x13600]  }
0x2ab: {  	v10 =	vld [tilespmem:s21+$0x12D00];
	v2 =	vadd.f32 v7, v2;
	v1 =	vadd.f32 v4, v1  }
0x2ac: {  	v7 =	vld [tilespmem:s22+$0x13680]  }
0x2ad: {  	v2 =	vadd.f32 v8, v2;
	v1 =	vadd.f32 v3, v1  }
0x2ae: {  	v6 =	vld [tilespmem:s21+$0x12D80]  }
0x2af: {  	v2 =	vadd.f32 v9, v2;
	v1 =	vadd.f32 v5, v1  }
0x2b0: {  	v4 =	vld [tilespmem:s21+$0x12E00]  }
0x2b1: {  	v11 =	vld [tilespmem:s25+$0x180];
	v2 =	vadd.f32 v10, v2;
	v1 =	vadd.f32 v7, v1  }
0x2b2: {  	v3 =	vld [tilespmem:s21+$0x12E80]  }
0x2b3: {  	v9 =	vld [tilespmem:s20+$0x12B00];
	v2 =	vadd.f32 v6, v2;
	v1 =	vadd.f32 v1, v1  }
0x2b4: {  	v5 =	vld [tilespmem:s21+$0x13300]  }
0x2b5: {  	v8 =	vld [tilespmem:s21+$0x13380];
	v2 =	vadd.f32 v4, v2;
	v1 =	vmul.f32 $1.442695020e+00, v1  }
0x2b6: {  	v10 =	vld [tilespmem:s20+$0x12B80]  }
0x2b7: {  	v12 =	vld [tilespmem:s20+$0x12C00];
	(erf) = vpow2.f32 v1;
	v1 =	vadd.f32 v3, v2  }
0x2b8: {  	v7 =	vld [tilespmem:s21+$0x13400]  }
0x2b9: {  	v6 =	vld [tilespmem:s21+$0x13480];
	v9 =	vadd.f32 v9, v11;
	v1 =	vadd.f32 v5, v1  }
0x2ba: {  	v11 =	vld [tilespmem:s20+$0x12C80]  }
0x2bb: {  	v4 =	vld [tilespmem:s21+$0x13500];
	v3 =	vadd.f32 v10, v9;
	v8 =	vadd.f32 v8, v1  }
0x2bc: {  	v9 =	vld [tilespmem:s20+$0x12D00]  }
0x2bd: {  	v2 =	vld [tilespmem:s21+$0x13580];
	v3 =	vadd.f32 v12, v3;
	v7 =	vadd.f32 v7, v8  }
0x2be: {  	v10 =	vld [tilespmem:s20+$0x12D80]  }
0x2bf: {  	v5 =	vld [tilespmem:s21+$0x13600];
	v3 =	vadd.f32 v11, v3;
	v6 =	vadd.f32 v6, v7  }
0x2c0: {  	v11 =	vld [tilespmem:s20+$0x12E00]  }
0x2c1: {  	v8 =	vld [tilespmem:s21+$0x13680];
	v3 =	vadd.f32 v9, v3;
	v61 =	vpop (erf);
	v4 =	vadd.f32 v4, v6  }
0x2c2: {  	s3 =	simm.s32 $0x30;
	s25 =	simm.s32 $0x180;
	v9 =	vld [tilespmem:s20+$0x12E80];
	v12 =	vadd.f32 $1.000000000e+00, v61  }
0x2c3: {  	s26 =	sand.u32 $0x3FFFFC00, s25;
	s24 =	simm.s32 $0xC0;
	v1 =	vld [tilespmem:s12+$0x7C80];
	s12 =	sand.u32 $0x70, s3;
	v3 =	vadd.f32 v10, v3;
	v2 =	vadd.f32 v2, v4  }
0x2c4: {  	s4 =	sor.u32 s12, s26;
	s21 =	sand.u32 $0xFFFFFE00, s24;
	v10 =	vld [tilespmem:s20+$0x13300];
	(erf) = vrcp.f32 v12  }
0x2c5: {  	v13 =	vld [tilespmem:s4+$0x12B00];
	s28 =	sadd.s32 s21, s10;
	v3 =	vadd.f32 v11, v3;
	v2 =	vadd.f32 v5, v2  }
0x2c6: {  	v7 =	vld [tilespmem:s20+$0x13380];
	s29 =	sadd.s32 s12, s28  }
0x2c7: {  	v6 =	vld [tilespmem:s29+$0x180];
	v3 =	vadd.f32 v9, v3;
	v2 =	vadd.f32 v8, v2  }
0x2c8: {  	v11 =	vld [tilespmem:s20+$0x13400]  }
0x2c9: {  	v4 =	vld [tilespmem:s4+$0x12B80];
	v3 =	vadd.f32 v10, v3;
	v2 =	vadd.f32 v2, v2  }
0x2ca: {  	v9 =	vld [tilespmem:s20+$0x13480]  }
0x2cb: {  	v10 =	vld [tilespmem:s4+$0x12C00];
	v3 =	vadd.f32 v7, v3;
	v63 =	vmul.f32 $1.442695020e+00, v2  }
0x2cc: {  	v62 =	vld [tilespmem:s4+$0x12C80];
	v5 =	vadd.f32 v13, v6  }
0x2cd: {  	v6 =	vld [tilespmem:s20+$0x13500];
	v3 =	vadd.f32 v11, v3;
	v11 =	vpop (erf);
	(erf) = vpow2.f32 v63  }
0x2ce: {  	s31 =	rddreg [dreg:$0x6];
	v7 =	vld [tilespmem:s4+$0x12D00];
	v4 =	vadd.f32 v4, v5  }
0x2cf: {  	s2 =	sadd.s32 $0x40, s31;
	v5 =	vld [tilespmem:s20+$0x13580]  }
0x2d0: {  	s30 =	sand.u32 $0x3E00, s2;
	v8 =	vld [tilespmem:s4+$0x12D80];
	v10 =	vadd.f32 v10, v4;
	v3 =	vadd.f32 v9, v3  }
0x2d1: {  	s1 =	sor.u32 s16, s30;
	v4 =	vld [tilespmem:s20+$0x13600];
	v11 =	vadd.f32 v11, v11  }
0x2d2: {  	v2 =	vld [tilespmem:s1+$0x7C80];
	v10 =	vadd.f32 v62, v10;
	v9 =	vadd.f32 v6, v3  }
0x2d3: {  	v6 =	vld [tilespmem:s4+$0x12E00];
	v3 =	vsub.f32 $1.000000000e+00, v11  }
.LBB2_19:
0x2d4: {  	s3 =	sadd.s32 $0x10, s3;
	v7 =	vadd.f32 v7, v10;
	v11 =	vadd.f32 v5, v9;
	v9 =	vld [tilespmem:s20+$0x13680];
	s20 =	smov.u32 s4  }
0x2d5: {  	v12 =	vmul.f32 $6.999999880e-01, v1;
	s1 =	sshll.u32 s3, $0x2;
	s4 =	sshll.u32 s3, $0x3;
	p1 =	slt.u32 s3, $0xF0;
	v10 =	vld [tilespmem:s20+$0x12E80];
	v3 =	vmul.f32 $3.000000120e-01, v3  }
0x2d6: {  	s5 =	sand.u32 $0x70, s3;
	s1 =	sand.u32 $0xFFFFFE00, s1;
	s4 =	sand.u32 $0x3FFFFC00, s4;
	v7 =	vadd.f32 v8, v7;
	v8 =	vld [tilespmem:s20+$0x13380];
	v4 =	vadd.f32 v4, v11;
	v5 =	vpop (erf)  }
0x2d7: {  	s7 =	sadd.s32 s1, s10;
	s4 =	sor.u32 s5, s4;
	v11 =	vld [tilespmem:s20+$0x13300];
	v5 =	vadd.f32 $1.000000000e+00, v5;
	v3 =	vadd.f32 v3, v12;
	v1 =	vmov v2  }
0x2d8: {  	s8 =	sor.u32 s13, s14;
	s13 =	smov.u32 s16;
	s7 =	sadd.s32 s5, s7;
	v2 =	vld [tilespmem:s4+$0x12B00];
	v6 =	vadd.f32 v6, v7  }
0x2d9: {  	s16 =	smov.u32 s18;
	s18 =	smov.u32 s12;
	s12 =	smov.u32 s5;
	v7 =	vld [tilespmem:s7+$0x180];
	v4 =	vadd.f32 v9, v4;
	(erf) = vrcp.f32 v5;
	[tilespmem:s8+$0x17C80] =	vst v3  }
0x2da: {  	s14 =	smov.u32 s15;
	s15 =	smov.u32 s19;
	s19 =	smov.u32 s21;
	v3 =	vadd.f32 v10, v6;
	v5 =	vld [tilespmem:s20+$0x13400]  }
0x2db: {  	s21 =	smov.u32 s1;
	v6 =	vld [tilespmem:s4+$0x12B80];
	v4 =	vadd.f32 v4, v4  }
0x2dc: {  	v3 =	vadd.f32 v11, v3;
	v9 =	vld [tilespmem:s20+$0x13480]  }
0x2dd: {  	v10 =	vld [tilespmem:s4+$0x12C00];
	v4 =	vmul.f32 $1.442695020e+00, v4  }
0x2de: {  	v2 =	vadd.f32 v2, v7;
	v3 =	vadd.f32 v8, v3;
	v11 =	vld [tilespmem:s20+$0x13500]  }
0x2df: {  	v12 =	vld [tilespmem:s4+$0x12C80];
	(erf) = vpow2.f32 v4  }
0x2e0: {  	v2 =	vadd.f32 v6, v2;
	v3 =	vadd.f32 v5, v3;
	v5 =	vld [tilespmem:s20+$0x13580]  }
.Ltmp8:
0x2e1: {  	s2 =	sadd.s32 $0x40, s2;
	v7 =	vld [tilespmem:s4+$0x12D00];
	(pc) =	sbr.rel @p1 .LBB2_19-.Ltmp8, $4  }
0x2e2: {  	s1 =	sand.u32 $0x3E00, s2;
	v2 =	vadd.f32 v10, v2;
	v3 =	vadd.f32 v9, v3;
	v4 =	vld [tilespmem:s20+$0x13600];
	v6 =	vpop (erf)  }
0x2e3: {  	s1 =	sor.u32 s16, s1;
	v8 =	vld [tilespmem:s4+$0x12D80];
	v13 =	vadd.f32 v6, v6  }
0x2e4: {  	v10 =	vadd.f32 v12, v2;
	v9 =	vadd.f32 v11, v3;
	v2 =	vld [tilespmem:s1+$0x7C80]  }
0x2e5: {  	v6 =	vld [tilespmem:s4+$0x12E00];
	v3 =	vsub.f32 $1.000000000e+00, v13  }
0x2e6: {  	v7 =	vadd.f32 v7, v10  }
0x2e7: {  	v45 =	vld [tilespmem:s4+$0x12E80]  }
0x2e8: {  	v7 =	vadd.f32 v8, v7  }
0x2e9: {  	v46 =	vld [tilespmem:s4+$0x13300]  }
0x2ea: {  	v11 =	vld [tilespmem:s20+$0x13680];
	v6 =	vadd.f32 v6, v7  }
0x2eb: {  	v5 =	vadd.f32 v5, v9;
	v47 =	vld [tilespmem:s4+$0x13380]  }
0x2ec: {  	v6 =	vadd.f32 v45, v6  }
0x2ed: {  	v48 =	vld [tilespmem:s4+$0x13400];
	v4 =	vadd.f32 v4, v5  }
0x2ee: {  	v6 =	vadd.f32 v46, v6  }
0x2ef: {  	v49 =	vld [tilespmem:s4+$0x13480];
	v4 =	vadd.f32 v11, v4  }
0x2f0: {  	v6 =	vadd.f32 v47, v6  }
0x2f1: {  	v51 =	vld [tilespmem:s4+$0x13500];
	v50 =	vpop (erf);
	v4 =	vadd.f32 v4, v4  }
0x2f2: {  	v7 =	vadd.f32 $1.000000000e+00, v50;
	v5 =	vadd.f32 v48, v6  }
0x2f3: {  	v52 =	vld [tilespmem:s4+$0x13580];
	v4 =	vmul.f32 $1.442695020e+00, v4  }
0x2f4: {  	(erf) = vrcp.f32 v7;
	v5 =	vadd.f32 v49, v5  }
0x2f5: {  	v53 =	vld [tilespmem:s4+$0x13600];
	(erf) = vpow2.f32 v4  }
0x2f6: {  	v5 =	vadd.f32 v51, v5  }
0x2f7: {  	v54 =	vld [tilespmem:s4+$0x13680]  }
0x2f8: {  	v5 =	vadd.f32 v52, v5;
	_ =	sdelay $0x1  }
0x2f9: {  	v4 =	vadd.f32 v53, v5;
	_ =	sdelay $0x1  }
0x2fa: {  	v4 =	vadd.f32 v54, v4  }
0x2fb: {  	v55 =	vpop (erf)  }
0x2fc: {  	v56 =	vpop (erf);
	v4 =	vadd.f32 v4, v4  }
0x2fd: {  	v6 =	vadd.f32 $1.000000000e+00, v56  }
0x2fe: {  	v4 =	vmul.f32 $1.442695020e+00, v4  }
0x2ff: {  	(erf) = vrcp.f32 v6  }
0x300: {  	(erf) = vpow2.f32 v4;
	_ =	sdelay $0x7  }
0x301: {  	v57 =	vpop (erf)  }
0x302: {  	v58 =	vpop (erf)  }
0x303: {  	v6 =	vadd.f32 $1.000000000e+00, v58;
	_ =	sdelay $0x1  }
0x304: {  	(erf) = vrcp.f32 v6;
	_ =	sdelay $0x4  }
0x305: {  	s1 =	sadd.s32 $0x40, s2  }
0x306: {  	s2 =	sand.u32 $0x3E00, s1;
	s1 =	sadd.s32 $0x40, s1  }
0x307: {  	s2 =	sor.u32 s18, s2;
	s1 =	sand.u32 $0x3E00, s1  }
0x308: {  	v59 =	vld [tilespmem:s2+$0x7C80];
	s1 =	sor.u32 s12, s1;
	v5 =	vadd.f32 v55, v55  }
0x309: {  	v60 =	vld [tilespmem:s1+$0x7C80];
	v4 =	vadd.f32 v57, v57;
	v61 =	vpop (erf)  }
0x30a: {  	v5 =	vsub.f32 $1.000000000e+00, v5;
	v8 =	vadd.f32 v61, v61  }
0x30b: {  	v1 =	vmul.f32 $6.999999880e-01, v1;
	v3 =	vmul.f32 $3.000000120e-01, v3;
	v4 =	vsub.f32 $1.000000000e+00, v4  }
0x30c: {  	v2 =	vmul.f32 $6.999999880e-01, v2;
	v5 =	vmul.f32 $3.000000120e-01, v5;
	v8 =	vsub.f32 $1.000000000e+00, v8  }
0x30d: {  	v1 =	vadd.f32 v3, v1;
	v3 =	vmul.f32 $6.999999880e-01, v59;
	v4 =	vmul.f32 $3.000000120e-01, v4  }
0x30e: {  	s17 =	sor.u32 s13, s14;
	v62 =	vmul.f32 $6.999999880e-01, v60;
	v2 =	vadd.f32 v5, v2;
	v63 =	vmul.f32 $3.000000120e-01, v8  }
0x30f: {  	s20 =	sor.u32 s16, s15;
	[tilespmem:s17+$0x17C80] =	vst v1;
	v1 =	vadd.f32 v4, v3  }
0x310: {  	s22 =	sor.u32 s18, s19;
	[tilespmem:s20+$0x17C80] =	vst v2;
	v2 =	vadd.f32 v63, v62  }
0x311: {  	s23 =	sor.u32 s12, s21;
	[tilespmem:s22+$0x17C80] =	vst v1  }
0x312: {  	[tilespmem:s23+$0x17C80] =	vst v2  }
0x313: {  	s24 =	sld [smem:$0x7FB];
	_ =	sdelay $0x1  }
0x314: {  	s25 =	simm.s32 $0x400;
	s1 =	rddreg [dreg:$0x11]  }
0x315: {  	s3 =	simm.s32 $0x200;
	s26 =	simm.s32 $0x17B00;
	s1 =	sadd.s32 s24, s1  }
0x316: {  	[hbm4b:s1+s3] =	stream.strided.scatter [tilespmem:s26], [sflag:$0x2], $0x400, s25, s3, $0x38;
	[tilespmem:$0x1C700] =	vst v63  }
0x317: {  	s11 =	simm.s32 $0x4;
	s28 =	rddreg [dreg:$0x12]  }
0x318: {  	[spmem:s28] =	stream.linear.scatter [tilespmem:s26], [sflag:$0x4], $0x400, $0x38;
	[tilespmem:$0x1C700] =	vst v63  }
0x319: {  	_ =	swait.ge [sflag:s11], $0x400  }
0x31a: {  	[sflag:s11] =	ssyncset.done $0x0  }
0x31b: {  	s29 =	simm.s32 $0x2;
	[sflag:s11] =	ssyncadd.s32 $0xFFFFFC00  }
0x31c: {  	_ =	swait.ge [sflag:s29], $0x400  }
0x31d: {  	[sflag:s29] =	ssyncset.done $0x0  }
0x31e: {  	[sflag:s29] =	ssyncadd.s32 $0xFFFFFC00  }
0x31f: {  	[bflag:$0x0] =	sbarrier.arrive $0xFFFF  }
0x320: {  	s30 =	rddreg [dreg:$0x4]  }
0x321: {  	[tilespmem:s0], [sflag:$0x4] =	stream.linear.gather [spmem:s30], $0x4000, $0x38;
	[tilespmem:$0x1C700] =	vst v63  }
0x322: {  	_ =	swait.ge [sflag:s11], $0x4000  }
0x323: {  	s7 =	sld [smem:$0x7FA];
	_ =	sdelay $0x2  }
0x324: {  	s7 =	sadd.s32 $0x1, s7  }
0x325: {  	p1 =	sne.s32 s7, $0x10  }
.Ltmp9:
0x326: {  	_ = 	snop;
	(pc) =	sbr.rel @p1 .LBB2_10-.Ltmp9, $3  }
0x327: {  	_ =	sdelay $0x1  }
0x328: {  	[sflag:s11] =	ssyncset.done $0x0  }
0x329: {  	[sflag:s11] =	ssyncadd.s32 $0xFFFFC000  }
0x32a: {  	s2 =	simm.s32 $0x3  }
0x32b: {  	_ =	swait.ge [sflag:s2], $0x4000  }
0x32c: {  	s3 =	sld [smem:$0x7FD];
	_ =	sdelay $0x2  }
0x32d: {  	s1 =	rddreg [dreg:$0x13];
	s3 =	sadd.s32 $0x1, s3  }
0x32e: {  	p1 =	sne.s32 s3, s1  }
.Ltmp10:
0x32f: {  	_ = 	snop;
	(pc) =	sbr.rel @p1 .LBB2_1-.Ltmp10, $3  }
0x330: {  	_ =	sdelay $0x1  }
0x331: {  	[sflag:s2] =	ssyncset.done $0x0  }
0x332: {  	[sflag:s2] =	ssyncadd.s32 $0xFFFFC000  }
0x333: {  	_ =	sfence.sel $0x180000  }
0x334: {  	[bflag:$0x0] =	sbarrier.arrive $0xFFFF  }
0x335: {  	_ =	strace $0x90000047  }
0x336: {  	[bflag:$0x2] =	sbarrier.arrive $0xFFFF  }
0x337: {  	s0 =	rddreg [dreg:$0x5]  }
0x338: {  	s0 =	sadd.s32 @!p0 $0x100000, s0  }
0x339: {  	[sflag:s0] =	ssyncadd.tile.s32 @!p0 $0x1;
	_ =	shalt  }
.Lfunc_end2:
_tile_overlayer_lowered:
.L_overlay_start_2:
0x33a: {  	(tag) =	ssettag $0x2  }
0x33b: {  	s0 =	rddreg [dreg:$0x0];
	s2 =	stileid.u32  }
0x33c: {  	s1 =	rddreg [dreg:$0x1];
	p0 =	sne.s32 s2, $0x0  }
0x33d: {  	s3 =	rddreg [dreg:$0x2];
	[bflag:$0x3] =	sbarrier.arrive $0xFFFF;
	s2 =	simm.s32 @!p0 $0x1C04  }
0x33e: {  	[timem:s3], [sflag:s2] =	dma.local @!p0 [hbm:s0], s1  }
0x33f: {  	s0 =	simm.s32 @!p0 $0x4  }
0x340: {  	_ =	swait.ge @!p0 [sflag:s0], s1  }
0x341: {  	s1 =	ssub.s32 @!p0 $0x0, s1;
	[sflag:s0] =	ssyncset.done @!p0 $0x0  }
0x342: {  	[sflag:s0] =	ssyncadd.s32 @!p0 s1  }
0x343: {  	[bflag:$0x3] =	sbarrier.arrive $0xFFFF  }
0x344: {  	_ =	shalt  }

</sc_bundles>
